<compile_context>
chip_gen: v7x
topology: tpu7x:2x2x1
jax: 0.10.2.dev20260603
libtpu: 0.0.44.dev20260713+nightly
codegen_flags: <defaults>
</compile_context>

<pallas_src>
import dataclasses
import functools

import jax
import jax.numpy as jnp
from jax import lax
from jax.experimental import pallas as pl
from jax.experimental.pallas import tpu as pltpu
from jax.experimental.pallas import tpu_sc as plsc

DIM = 64
LANES = 16
NW = 32
NB = 17


def _compiler_params():
    cp = pltpu.CompilerParams(use_tc_tiling_on_sc=False)
    if "needs_layout_passes" in pltpu.CompilerParams.__dataclass_fields__:
        cp = dataclasses.replace(cp, needs_layout_passes=False)
    return cp


def _feature_major(wt):
    v = wt.shape[1]
    vt = (v + 127) // 128
    nb = NB if vt % NB == 0 else vt
    vtb = vt // nb
    dt_n, di_n = DIM // 8, 8

    def tx(w_ref, o_ref):
        o_ref[...] = (
            w_ref[...]
            .reshape(dt_n, di_n, vtb, 128)
            .transpose(0, 2, 1, 3))

    return pl.pallas_call(
        tx,
        grid=(nb,),
        in_specs=[pl.BlockSpec((DIM, vtb * 128), lambda i: (0, i))],
        out_specs=pl.BlockSpec((dt_n, vtb, di_n, 128),
                               lambda i: (0, i, 0, 0)),
        out_shape=jax.ShapeDtypeStruct((dt_n, vt, di_n, 128),
                                       jnp.float32),
    )(wt)


@jax.jit
def kernel(x, weights):
    b, s = x.shape
    scale = jnp.sqrt(jnp.asarray(DIM, dtype=jnp.float32))
    xt = x.T.astype(jnp.int32)
    wt = _feature_major(weights.T)
    vtp = wt.shape[1]
    bt_n, bi_n = b // 128, 128
    dt_n, di_n = DIM // 8, 8

    mesh = plsc.VectorSubcoreMesh(core_axis_name="core",
                                  subcore_axis_name="subcore")

    @functools.partial(
        pl.kernel,
        out_type=jax.ShapeDtypeStruct((s, dt_n, bt_n, di_n, bi_n),
                                      jnp.float32),
        mesh=mesh,
        scratch_types=[
            pltpu.VMEM((vtp, 128), jnp.float32),
            pltpu.VMEM((2, b), jnp.int32),
            pltpu.VMEM((2, bt_n, bi_n), jnp.float32),
            pltpu.VMEM_SHARED((s, b), jnp.int32),
            pltpu.SemaphoreType.DMA,
            pltpu.SemaphoreType.DMA,
            pltpu.SemaphoreType.DMA,
        ],
        compiler_params=_compiler_params(),
    )
    def embed(wt_hbm, xt_hbm, o_hbm, row_v, idx_v, out_v, idx_sp, sem_r,
              sem_i, sem_o):
        sid = lax.axis_index("subcore")
        wid = sid * 2 + lax.axis_index("core")

        rows_per = s // 10

        @pl.when(sid < 10)
        def _():
            first = sid * rows_per
            pltpu.async_copy(xt_hbm.at[pl.ds(first, rows_per)],
                             idx_sp.at[pl.ds(first, rows_per)], sem_i).wait()

        plsc.subcore_barrier()

        def compute(sb, ob):
            @plsc.parallel_loop(0, bt_n, 1, unroll=16)
            def _(bt):
                for j in range(bi_n // LANES):
                    iv = idx_v[sb, pl.ds(bt * bi_n + j * LANES, LANES)]
                    hi = lax.shift_right_logical(iv, 7)
                    lo = lax.bitwise_and(iv, 127)
                    out_v[ob, bt, pl.ds(j * LANES, LANES)] = (
                        plsc.load_gather(row_v, [hi, lo]) * scale)

        def round_(d):
            dt = d // di_n
            di = lax.rem(d, di_n)
            pltpu.async_copy(wt_hbm.at[dt, :, di, :], row_v, sem_r).wait()
            pltpu.async_copy(idx_sp.at[0], idx_v.at[0], sem_i).wait()

            @pl.loop(0, s, step=2)
            def _(s0):
                for ph in range(2):
                    si = s0 + ph
                    nxt = pltpu.make_async_copy(
                        idx_sp.at[si + 1], idx_v.at[1 - ph], sem_i)

                    @pl.when(si + 1 < s)
                    def _():
                        nxt.start()

                    @pl.when(si >= 2)
                    def _():
                        pltpu.make_async_copy(
                            out_v.at[ph],
                            o_hbm.at[si - 2, dt, :, di, :], sem_o).wait()

                    compute(ph, ph)

                    pltpu.make_async_copy(
                        out_v.at[ph], o_hbm.at[si, dt, :, di, :],
                        sem_o).start()

                    @pl.when(si + 1 < s)
                    def _():
                        pltpu.make_async_copy(
                            idx_sp.at[si + 1], idx_v.at[1 - ph],
                            sem_i).wait()

            for ph in range(2):
                pltpu.make_async_copy(
                    out_v.at[ph], o_hbm.at[s - 2 + ph, dt, :, di, :],
                    sem_o).wait()

        round_(wid)
        round_(wid + NW)

    o5 = embed(wt, xt)
    return o5.transpose(2, 4, 0, 1, 3).reshape(b, s, DIM)

# --- scband reference (transcript-rebuilt; emitter-appended) ---
"""Pipeline reference for scband-invertible-embedder-46523085750807 (READ-ONLY COPY).

The authoritative reference and input builder live on the scoring server;
editing this copy changes nothing except your own understanding.
"""

import jax, jax.numpy as jnp
import numpy as np

NUM_EMBEDDINGS = 100000
DIM = 64

def setup_inputs(seed: int = 0) -> dict:
    key = jax.random.key(seed)
    k1, k2 = jax.random.split(key)
    x = jax.random.randint(k1, (4096, 50), 0, NUM_EMBEDDINGS, dtype=jnp.int64 if jax.config.jax_enable_x64 else jnp.int32)
    weights = jax.random.uniform(k2, (NUM_EMBEDDINGS, DIM), dtype=jnp.float32) * 0.02
    return {"x": x, "weights": weights}

def reference(x, weights):
    # InvertibleEmbedder.embed: functional.embedding(x, weights, padding_idx=0) * sqrt(dim)
    # padding_idx only affects gradients in torch; forward is a plain gather.
    sqrt_dim = jnp.sqrt(jnp.asarray(DIM, dtype=jnp.float32))
    emb = jnp.take(weights, x, axis=0)
    return emb * sqrt_dim

if __name__ == "__main__":
    import jax
    _d = setup_inputs()
    print(jax.jit(kernel)(*tuple(_d.values())))

</pallas_src>

<mosaic_0001>
#map = affine_map<(d0, d1) -> (0, 0, 0, 0)>
#map1 = affine_map<(d0, d1) -> (0, 0)>
#map2 = affine_map<(d0, d1) -> (0)>
#map3 = affine_map<(d0, d1) -> (0, 0, 0, 0, 0)>
module attributes {stable_mosaic.version = 14 : i64} {
  func.func @_rewritten_body(%arg0: i32, %arg1: i32, %arg2: memref<8x782x8x128xf32, #tpu.memory_space<hbm>>, %arg3: memref<50x4096xi32, #tpu.memory_space<hbm>>, %arg4: memref<1xf32, #tpu.memory_space<hbm>>, %arg5: memref<50x8x32x8x128xf32, #tpu.memory_space<hbm>>, %arg6: memref<782x128xf32, #tpu.memory_space<vmem>>, %arg7: memref<2x4096xi32, #tpu.memory_space<vmem>>, %arg8: memref<2x32x128xf32, #tpu.memory_space<vmem>>, %arg9: memref<50x4096xi32, #tpu.memory_space<vmem_shared>>, %arg10: memref<!tpu.dma_semaphore, #tpu.memory_space<semaphore_mem>>, %arg11: memref<!tpu.dma_semaphore, #tpu.memory_space<semaphore_mem>>, %arg12: memref<!tpu.dma_semaphore, #tpu.memory_space<semaphore_mem>>) attributes {dimension_semantics = [#tpu.dimension_semantics<core_parallel>, #tpu.dimension_semantics<subcore_parallel>], iteration_bounds = array<i64: 2, 16>, scalar_prefetch = 0 : i64, scratch_operands = 7 : i64, tpu.core_type = #tpu.core_type<sc_vector_subcore>, window_params = [{transform_indices = #map}, {transform_indices = #map1}, {transform_indices = #map2}, {transform_indices = #map3}]} {
    %empty_ref3A = memref.alloca() : memref<16xf32, #tpu.memory_space<vmem>>
    "tpu.region"() ({
      %run_scoped3A = tpu.sem_alloc : memref<!tpu.dma_semaphore, #tpu.memory_space<semaphore_mem>>
      %dma_start3A_217 = arith.constant 0 : i32
      %dma_start3A_218 = tpu.memref_slice %empty_ref3A[%dma_start3A_217] : memref<16xf32, #tpu.memory_space<vmem>> -> memref<1xf32, #tpu.memory_space<vmem>>
      %dma_start3A_219 = arith.constant 0 : i32
      %dma_start3A_220 = tpu.memref_slice %empty_ref3A[%dma_start3A_219] : memref<16xf32, #tpu.memory_space<vmem>> -> memref<1xf32, #tpu.memory_space<vmem>>
      tpu.enqueue_dma source(%arg4 : memref<1xf32, #tpu.memory_space<hbm>>) target(%dma_start3A_220 : memref<1xf32, #tpu.memory_space<vmem>>) target_semaphore(%run_scoped3A : memref<!tpu.dma_semaphore, #tpu.memory_space<semaphore_mem>>)
      %dma_wait3A_221 = arith.constant 0 : i32
      %dma_wait3A_222 = tpu.memref_slice %empty_ref3A[%dma_wait3A_221] : memref<16xf32, #tpu.memory_space<vmem>> -> memref<1xf32, #tpu.memory_space<vmem>>
      %dma_wait3A_223 = arith.constant 0 : i32
      %dma_wait3A_224 = tpu.memref_slice %empty_ref3A[%dma_wait3A_223] : memref<16xf32, #tpu.memory_space<vmem>> -> memref<1xf32, #tpu.memory_space<vmem>>
      tpu.wait_dma2 semaphore(%run_scoped3A : memref<!tpu.dma_semaphore, #tpu.memory_space<semaphore_mem>>) src(%arg4 : memref<1xf32, #tpu.memory_space<hbm>>) dst(%dma_wait3A_224 : memref<1xf32, #tpu.memory_space<vmem>>)
      tpu.yield
    }) : () -> ()
    %get3A = arith.constant 0 : index
    %get3A_0 = tpu.vector_load %empty_ref3A[%get3A] {strides = array<i32>} : memref<16xf32, #tpu.memory_space<vmem>>, vector<16xf32>,
    %slice3A = vector.extract_strided_slice %get3A_0 {offsets = [0], sizes = [1], strides = [1]} : vector<16xf32> to vector<1xf32>
    %squeeze3A = vector.extract %slice3A[0] : f32 from vector<1xf32>
    %mul3A = arith.constant 2 : i32
    %mul3A_1 = arith.muli %arg1, %mul3A : i32
    %add3A = arith.addi %mul3A_1, %arg0 : i32
    %lt3A = arith.constant 10 : i32
    %lt3A_2 = arith.cmpi slt, %arg1, %lt3A : i32
    %convert_element_type3A = arith.extui %lt3A_2 : i1 to i32
    %cond3A = arith.constant 0 : i32
    %cond3A_3 = arith.cmpi ne, %convert_element_type3A, %cond3A : i32
    scf.if %cond3A_3 {
      %mul3A_217 = arith.constant 5 : i32
      %mul3A_218 = arith.muli %arg1, %mul3A_217 : i32
      %dma_start3A_219 = arith.constant 0 : i32
      %dma_start3A_220 = tpu.memref_slice %arg9[%mul3A_218, %dma_start3A_219] : memref<50x4096xi32, #tpu.memory_space<vmem_shared>> -> memref<5x4096xi32, #tpu.memory_space<vmem_shared>>
      %dma_start3A_221 = arith.constant 0 : i32
      %dma_start3A_222 = tpu.memref_slice %arg3[%mul3A_218, %dma_start3A_221] : memref<50x4096xi32, #tpu.memory_space<hbm>> -> memref<5x4096xi32, #tpu.memory_space<hbm>>
      tpu.enqueue_dma source(%dma_start3A_222 : memref<5x4096xi32, #tpu.memory_space<hbm>>) target(%dma_start3A_220 : memref<5x4096xi32, #tpu.memory_space<vmem_shared>>) target_semaphore(%arg11 : memref<!tpu.dma_semaphore, #tpu.memory_space<semaphore_mem>>)
      %dma_wait3A_223 = arith.constant 0 : i32
      %dma_wait3A_224 = tpu.memref_slice %arg9[%mul3A_218, %dma_wait3A_223] : memref<50x4096xi32, #tpu.memory_space<vmem_shared>> -> memref<5x4096xi32, #tpu.memory_space<vmem_shared>>
      %dma_wait3A_225 = arith.constant 0 : i32
      %dma_wait3A_226 = tpu.memref_slice %arg3[%mul3A_218, %dma_wait3A_225] : memref<50x4096xi32, #tpu.memory_space<hbm>> -> memref<5x4096xi32, #tpu.memory_space<hbm>>
      tpu.wait_dma2 semaphore(%arg11 : memref<!tpu.dma_semaphore, #tpu.memory_space<semaphore_mem>>) src(%dma_wait3A_226 : memref<5x4096xi32, #tpu.memory_space<hbm>>) dst(%dma_wait3A_224 : memref<5x4096xi32, #tpu.memory_space<vmem_shared>>)
    } else {
    }
    %barrier3A = arith.constant 0 : index
    tpu.barrier barrier_id(%barrier3A)
    %jit3A = arith.constant 8 : i32
    %div3A = arith.divsi %add3A, %jit3A : i32
    %sign3A = arith.constant 0 : i32
    %sign3A_4 = arith.cmpi sgt, %add3A, %sign3A : i32
    %sign3A_5 = arith.extui %sign3A_4 : i1 to i32
    %sign3A_6 = arith.constant 0 : i32
    %sign3A_7 = arith.cmpi slt, %add3A, %sign3A_6 : i32
    %sign3A_8 = arith.extui %sign3A_7 : i1 to i32
    %sign3A_9 = arith.subi %sign3A_5, %sign3A_8 : i32
    %sign3A_10 = arith.constant 0 : i32
    %sign3A_11 = arith.cmpi sgt, %jit3A, %sign3A_10 : i32
    %sign3A_12 = arith.extui %sign3A_11 : i1 to i32
    %sign3A_13 = arith.constant 0 : i32
    %sign3A_14 = arith.cmpi slt, %jit3A, %sign3A_13 : i32
    %sign3A_15 = arith.extui %sign3A_14 : i1 to i32
    %sign3A_16 = arith.subi %sign3A_12, %sign3A_15 : i32
    %ne3A = arith.cmpi ne, %sign3A_9, %sign3A_16 : i32
    %rem3A = arith.remsi %add3A, %jit3A : i32
    %ne3A_17 = arith.constant 0 : i32
    %ne3A_18 = arith.cmpi ne, %rem3A, %ne3A_17 : i32
    %and3A = arith.andi %ne3A, %ne3A_18 : i1
    %sub3A = arith.constant 1 : i32
    %sub3A_19 = arith.subi %div3A, %sub3A : i32
    %select_n3A = arith.select %and3A, %sub3A_19, %div3A : i32
    %rem3A_20 = arith.constant 8 : i32
    %rem3A_21 = arith.remsi %add3A, %rem3A_20 : i32
    %dma_start3A = arith.constant 0 : i32
    %dma_start3A_22 = arith.constant 0 : i32
    %dma_start3A_23 = tpu.memref_slice %arg2[%select_n3A, %dma_start3A, %rem3A_21, %dma_start3A_22] : memref<8x782x8x128xf32, #tpu.memory_space<hbm>> -> memref<1x782x1x128xf32, #tpu.memory_space<hbm>>
    %dma_start3A_24 = tpu.memref_squeeze %dma_start3A_23 : memref<1x782x1x128xf32, #tpu.memory_space<hbm>> -> memref<782x128xf32, #tpu.memory_space<hbm>>
    %dma_start3A_25 = arith.constant 0 : i32
    %dma_start3A_26 = arith.constant 0 : i32
    %dma_start3A_27 = tpu.memref_slice %arg2[%select_n3A, %dma_start3A_25, %rem3A_21, %dma_start3A_26] : memref<8x782x8x128xf32, #tpu.memory_space<hbm>> -> memref<1x782x1x128xf32, #tpu.memory_space<hbm>>
    %dma_start3A_28 = tpu.memref_squeeze %dma_start3A_27 : memref<1x782x1x128xf32, #tpu.memory_space<hbm>> -> memref<782x128xf32, #tpu.memory_space<hbm>>
    tpu.enqueue_dma source(%dma_start3A_28 : memref<782x128xf32, #tpu.memory_space<hbm>>) target(%arg6 : memref<782x128xf32, #tpu.memory_space<vmem>>) target_semaphore(%arg10 : memref<!tpu.dma_semaphore, #tpu.memory_space<semaphore_mem>>)
    %dma_wait3A = arith.constant 0 : i32
    %dma_wait3A_29 = arith.constant 0 : i32
    %dma_wait3A_30 = tpu.memref_slice %arg2[%select_n3A, %dma_wait3A, %rem3A_21, %dma_wait3A_29] : memref<8x782x8x128xf32, #tpu.memory_space<hbm>> -> memref<1x782x1x128xf32, #tpu.memory_space<hbm>>
    %dma_wait3A_31 = tpu.memref_squeeze %dma_wait3A_30 : memref<1x782x1x128xf32, #tpu.memory_space<hbm>> -> memref<782x128xf32, #tpu.memory_space<hbm>>
    %dma_wait3A_32 = arith.constant 0 : i32
    %dma_wait3A_33 = arith.constant 0 : i32
    %dma_wait3A_34 = tpu.memref_slice %arg2[%select_n3A, %dma_wait3A_32, %rem3A_21, %dma_wait3A_33] : memref<8x782x8x128xf32, #tpu.memory_space<hbm>> -> memref<1x782x1x128xf32, #tpu.memory_space<hbm>>
    %dma_wait3A_35 = tpu.memref_squeeze %dma_wait3A_34 : memref<1x782x1x128xf32, #tpu.memory_space<hbm>> -> memref<782x128xf32, #tpu.memory_space<hbm>>
    tpu.wait_dma2 semaphore(%arg10 : memref<!tpu.dma_semaphore, #tpu.memory_space<semaphore_mem>>) src(%dma_wait3A_35 : memref<782x128xf32, #tpu.memory_space<hbm>>) dst(%arg6 : memref<782x128xf32, #tpu.memory_space<vmem>>)
    %dma_start3A_36 = arith.constant 0 : i32
    %dma_start3A_37 = arith.constant 0 : i32
    %dma_start3A_38 = arith.constant 0 : i32
    %dma_start3A_39 = tpu.memref_slice %arg7[%dma_start3A_37, %dma_start3A_38] : memref<2x4096xi32, #tpu.memory_space<vmem>> -> memref<1x4096xi32, #tpu.memory_space<vmem>>
    %dma_start3A_40 = tpu.memref_squeeze %dma_start3A_39 : memref<1x4096xi32, #tpu.memory_space<vmem>> -> memref<4096xi32, #tpu.memory_space<vmem>>
    %dma_start3A_41 = arith.constant 0 : i32
    %dma_start3A_42 = tpu.memref_slice %arg9[%dma_start3A_36, %dma_start3A_41] : memref<50x4096xi32, #tpu.memory_space<vmem_shared>> -> memref<1x4096xi32, #tpu.memory_space<vmem_shared>>
    %dma_start3A_43 = tpu.memref_squeeze %dma_start3A_42 : memref<1x4096xi32, #tpu.memory_space<vmem_shared>> -> memref<4096xi32, #tpu.memory_space<vmem_shared>>
    %dma_start3A_44 = arith.constant 0 : i32
    %dma_start3A_45 = tpu.memref_slice %arg7[%dma_start3A_37, %dma_start3A_44] : memref<2x4096xi32, #tpu.memory_space<vmem>> -> memref<1x4096xi32, #tpu.memory_space<vmem>>
    %dma_start3A_46 = tpu.memref_squeeze %dma_start3A_45 : memref<1x4096xi32, #tpu.memory_space<vmem>> -> memref<4096xi32, #tpu.memory_space<vmem>>
    %dma_start3A_47 = arith.constant 0 : i32
    %dma_start3A_48 = tpu.memref_slice %arg9[%dma_start3A_36, %dma_start3A_47] : memref<50x4096xi32, #tpu.memory_space<vmem_shared>> -> memref<1x4096xi32, #tpu.memory_space<vmem_shared>>
    %dma_start3A_49 = tpu.memref_squeeze %dma_start3A_48 : memref<1x4096xi32, #tpu.memory_space<vmem_shared>> -> memref<4096xi32, #tpu.memory_space<vmem_shared>>
    tpu.enqueue_dma source(%dma_start3A_49 : memref<4096xi32, #tpu.memory_space<vmem_shared>>) target(%dma_start3A_46 : memref<4096xi32, #tpu.memory_space<vmem>>) target_semaphore(%arg11 : memref<!tpu.dma_semaphore, #tpu.memory_space<semaphore_mem>>)
    %dma_wait3A_50 = arith.constant 0 : i32
    %dma_wait3A_51 = arith.constant 0 : i32
    %dma_wait3A_52 = arith.constant 0 : i32
    %dma_wait3A_53 = tpu.memref_slice %arg7[%dma_wait3A_51, %dma_wait3A_52] : memref<2x4096xi32, #tpu.memory_space<vmem>> -> memref<1x4096xi32, #tpu.memory_space<vmem>>
    %dma_wait3A_54 = tpu.memref_squeeze %dma_wait3A_53 : memref<1x4096xi32, #tpu.memory_space<vmem>> -> memref<4096xi32, #tpu.memory_space<vmem>>
    %dma_wait3A_55 = arith.constant 0 : i32
    %dma_wait3A_56 = tpu.memref_slice %arg9[%dma_wait3A_50, %dma_wait3A_55] : memref<50x4096xi32, #tpu.memory_space<vmem_shared>> -> memref<1x4096xi32, #tpu.memory_space<vmem_shared>>
    %dma_wait3A_57 = tpu.memref_squeeze %dma_wait3A_56 : memref<1x4096xi32, #tpu.memory_space<vmem_shared>> -> memref<4096xi32, #tpu.memory_space<vmem_shared>>
    %dma_wait3A_58 = arith.constant 0 : i32
    %dma_wait3A_59 = tpu.memref_slice %arg7[%dma_wait3A_51, %dma_wait3A_58] : memref<2x4096xi32, #tpu.memory_space<vmem>> -> memref<1x4096xi32, #tpu.memory_space<vmem>>
    %dma_wait3A_60 = tpu.memref_squeeze %dma_wait3A_59 : memref<1x4096xi32, #tpu.memory_space<vmem>> -> memref<4096xi32, #tpu.memory_space<vmem>>
    %dma_wait3A_61 = arith.constant 0 : i32
    %dma_wait3A_62 = tpu.memref_slice %arg9[%dma_wait3A_50, %dma_wait3A_61] : memref<50x4096xi32, #tpu.memory_space<vmem_shared>> -> memref<1x4096xi32, #tpu.memory_space<vmem_shared>>
    %dma_wait3A_63 = tpu.memref_squeeze %dma_wait3A_62 : memref<1x4096xi32, #tpu.memory_space<vmem_shared>> -> memref<4096xi32, #tpu.memory_space<vmem_shared>>
    tpu.wait_dma2 semaphore(%arg11 : memref<!tpu.dma_semaphore, #tpu.memory_space<semaphore_mem>>) src(%dma_wait3A_63 : memref<4096xi32, #tpu.memory_space<vmem_shared>>) dst(%dma_wait3A_60 : memref<4096xi32, #tpu.memory_space<vmem>>)
    %scan3A = arith.constant 0 : i32
    %scan3A_64 = arith.constant 25 : i32
    %scan3A_65 = arith.addi %scan3A, %scan3A_64 : i32
    %scan3A_66 = arith.constant 1 : i32
    scf.for %scan3A_217 = %scan3A to %scan3A_65 step %scan3A_66  : i32 {
      %mul3A_218 = arith.constant 2 : i32
      %mul3A_219 = arith.muli %scan3A_217, %mul3A_218 : i32
      %add3A_220 = arith.constant 0 : i32
      %add3A_221 = arith.addi %add3A_220, %mul3A_219 : i32
      %add3A_222 = arith.constant 0 : i32
      %add3A_223 = arith.addi %add3A_221, %add3A_222 : i32
      %add3A_224 = arith.constant 1 : i32
      %add3A_225 = arith.addi %add3A_223, %add3A_224 : i32
      %add3A_226 = arith.constant 1 : i32
      %add3A_227 = arith.addi %add3A_223, %add3A_226 : i32
      %lt3A_228 = arith.constant 50 : i32
      %lt3A_229 = arith.cmpi slt, %add3A_227, %lt3A_228 : i32
      %convert_element_type3A_230 = arith.extui %lt3A_229 : i1 to i32
      %cond3A_231 = arith.constant 1 : i32
      %cond3A_232 = arith.constant 0 : i32
      %cond3A_233 = arith.cmpi ne, %convert_element_type3A_230, %cond3A_232 : i32
      scf.if %cond3A_233 {
        %dma_start3A_308 = arith.constant 0 : i32
        %dma_start3A_309 = tpu.memref_slice %arg7[%cond3A_231, %dma_start3A_308] : memref<2x4096xi32, #tpu.memory_space<vmem>> -> memref<1x4096xi32, #tpu.memory_space<vmem>>
        %dma_start3A_310 = tpu.memref_squeeze %dma_start3A_309 : memref<1x4096xi32, #tpu.memory_space<vmem>> -> memref<4096xi32, #tpu.memory_space<vmem>>
        %dma_start3A_311 = arith.constant 0 : i32
        %dma_start3A_312 = tpu.memref_slice %arg9[%add3A_225, %dma_start3A_311] : memref<50x4096xi32, #tpu.memory_space<vmem_shared>> -> memref<1x4096xi32, #tpu.memory_space<vmem_shared>>
        %dma_start3A_313 = tpu.memref_squeeze %dma_start3A_312 : memref<1x4096xi32, #tpu.memory_space<vmem_shared>> -> memref<4096xi32, #tpu.memory_space<vmem_shared>>
        %dma_start3A_314 = arith.constant 0 : i32
        %dma_start3A_315 = tpu.memref_slice %arg7[%cond3A_231, %dma_start3A_314] : memref<2x4096xi32, #tpu.memory_space<vmem>> -> memref<1x4096xi32, #tpu.memory_space<vmem>>
        %dma_start3A_316 = tpu.memref_squeeze %dma_start3A_315 : memref<1x4096xi32, #tpu.memory_space<vmem>> -> memref<4096xi32, #tpu.memory_space<vmem>>
        %dma_start3A_317 = arith.constant 0 : i32
        %dma_start3A_318 = tpu.memref_slice %arg9[%add3A_225, %dma_start3A_317] : memref<50x4096xi32, #tpu.memory_space<vmem_shared>> -> memref<1x4096xi32, #tpu.memory_space<vmem_shared>>
        %dma_start3A_319 = tpu.memref_squeeze %dma_start3A_318 : memref<1x4096xi32, #tpu.memory_space<vmem_shared>> -> memref<4096xi32, #tpu.memory_space<vmem_shared>>
        tpu.enqueue_dma source(%dma_start3A_319 : memref<4096xi32, #tpu.memory_space<vmem_shared>>) target(%dma_start3A_316 : memref<4096xi32, #tpu.memory_space<vmem>>) target_semaphore(%arg11 : memref<!tpu.dma_semaphore, #tpu.memory_space<semaphore_mem>>)
      } else {
      }
      %ge3A = arith.constant 2 : i32
      %ge3A_234 = arith.cmpi sge, %add3A_223, %ge3A : i32
      %convert_element_type3A_235 = arith.extui %ge3A_234 : i1 to i32
      %cond3A_236 = arith.constant 0 : i32
      %cond3A_237 = arith.cmpi ne, %convert_element_type3A_235, %cond3A_236 : i32
      scf.if %cond3A_237 {
        %sub3A_308 = arith.constant 2 : i32
        %sub3A_309 = arith.subi %add3A_223, %sub3A_308 : i32
        %dma_wait3A_310 = arith.constant 0 : i32
        %dma_wait3A_311 = arith.constant 0 : i32
        %dma_wait3A_312 = arith.constant 0 : i32
        %dma_wait3A_313 = tpu.memref_slice %arg8[%dma_wait3A_310, %dma_wait3A_311, %dma_wait3A_312] : memref<2x32x128xf32, #tpu.memory_space<vmem>> -> memref<1x32x128xf32, #tpu.memory_space<vmem>>
        %dma_wait3A_314 = tpu.memref_squeeze %dma_wait3A_313 : memref<1x32x128xf32, #tpu.memory_space<vmem>> -> memref<32x128xf32, #tpu.memory_space<vmem>>
        %dma_wait3A_315 = arith.constant 0 : i32
        %dma_wait3A_316 = arith.constant 0 : i32
        %dma_wait3A_317 = tpu.memref_slice %arg5[%sub3A_309, %select_n3A, %dma_wait3A_315, %rem3A_21, %dma_wait3A_316] : memref<50x8x32x8x128xf32, #tpu.memory_space<hbm>> -> memref<1x1x32x1x128xf32, #tpu.memory_space<hbm>>
        %dma_wait3A_318 = tpu.memref_squeeze %dma_wait3A_317 : memref<1x1x32x1x128xf32, #tpu.memory_space<hbm>> -> memref<32x128xf32, #tpu.memory_space<hbm>>
        %dma_wait3A_319 = arith.constant 0 : i32
        %dma_wait3A_320 = arith.constant 0 : i32
        %dma_wait3A_321 = tpu.memref_slice %arg5[%sub3A_309, %select_n3A, %dma_wait3A_319, %rem3A_21, %dma_wait3A_320] : memref<50x8x32x8x128xf32, #tpu.memory_space<hbm>> -> memref<1x1x32x1x128xf32, #tpu.memory_space<hbm>>
        %dma_wait3A_322 = tpu.memref_squeeze %dma_wait3A_321 : memref<1x1x32x1x128xf32, #tpu.memory_space<hbm>> -> memref<32x128xf32, #tpu.memory_space<hbm>>
        %dma_wait3A_323 = arith.constant 0 : i32
        %dma_wait3A_324 = arith.constant 0 : i32
        %dma_wait3A_325 = tpu.memref_slice %arg8[%dma_wait3A_310, %dma_wait3A_323, %dma_wait3A_324] : memref<2x32x128xf32, #tpu.memory_space<vmem>> -> memref<1x32x128xf32, #tpu.memory_space<vmem>>
        %dma_wait3A_326 = tpu.memref_squeeze %dma_wait3A_325 : memref<1x32x128xf32, #tpu.memory_space<vmem>> -> memref<32x128xf32, #tpu.memory_space<vmem>>
        tpu.wait_dma2 semaphore(%arg12 : memref<!tpu.dma_semaphore, #tpu.memory_space<semaphore_mem>>) src(%dma_wait3A_326 : memref<32x128xf32, #tpu.memory_space<vmem>>) dst(%dma_wait3A_322 : memref<32x128xf32, #tpu.memory_space<hbm>>)
      } else {
      }
      %parallel_loop3A = arith.constant 0 : i32
      %parallel_loop3A_238 = arith.constant 32 : i32
      %parallel_loop3A_239 = arith.constant 1 : i32
      scf.for %parallel_loop3A_308 = %parallel_loop3A to %parallel_loop3A_238 step %parallel_loop3A_239  : i32 {
        %parallel_loop3A_309 = arith.constant 128 : i32
        %parallel_loop3A_310 = arith.muli %parallel_loop3A_308, %parallel_loop3A_309 : i32
        %parallel_loop3A_311 = arith.constant 0 : i32
        %parallel_loop3A_312 = arith.addi %parallel_loop3A_310, %parallel_loop3A_311 : i32
        %parallel_loop3A_313 = arith.constant 0 : i32
        %parallel_loop3A_314 = arith.index_cast %parallel_loop3A_313 : i32 to index
        %parallel_loop3A_315 = arith.index_cast %parallel_loop3A_312 : i32 to index
        %parallel_loop3A_316 = tpu.vector_load %arg7[%parallel_loop3A_314, %parallel_loop3A_315] {strides = array<i32>} : memref<2x4096xi32, #tpu.memory_space<vmem>>, vector<16xi32>,
        %parallel_loop3A_317 = arith.constant 7 : i32
        %parallel_loop3A_318 = vector.broadcast %parallel_loop3A_317 : i32 to vector<16xi32>
        %parallel_loop3A_319 = arith.shrui %parallel_loop3A_316, %parallel_loop3A_318 : vector<16xi32>
        %parallel_loop3A_320 = arith.constant 127 : i32
        %parallel_loop3A_321 = vector.broadcast %parallel_loop3A_320 : i32 to vector<16xi32>
        %parallel_loop3A_322 = arith.andi %parallel_loop3A_316, %parallel_loop3A_321 : vector<16xi32>
        %parallel_loop3A_323 = tpu.vector_load_idx %arg6[%parallel_loop3A_319, %parallel_loop3A_322] : memref<782x128xf32, #tpu.memory_space<vmem>>[vector<16xi32>, vector<16xi32>], vector<16xf32>,
        %parallel_loop3A_324 = vector.broadcast %squeeze3A : f32 to vector<16xf32>
        %parallel_loop3A_325 = arith.mulf %parallel_loop3A_323, %parallel_loop3A_324 : vector<16xf32>
        %parallel_loop3A_326 = arith.constant 0 : i32
        %parallel_loop3A_327 = arith.index_cast %parallel_loop3A_326 : i32 to index
        %parallel_loop3A_328 = arith.index_cast %parallel_loop3A_308 : i32 to index
        %parallel_loop3A_329 = arith.constant 0 : index
        %parallel_loop3A_330 = tpu.vector_load %arg8[%parallel_loop3A_327, %parallel_loop3A_328, %parallel_loop3A_329] {strides = array<i32>} : memref<2x32x128xf32, #tpu.memory_space<vmem>>, vector<16xf32>,
        tpu.vector_store %arg8[%parallel_loop3A_327, %parallel_loop3A_328, %parallel_loop3A_329], %parallel_loop3A_325 {strides = array<i32>} : memref<2x32x128xf32, #tpu.memory_space<vmem>>, vector<16xf32>,
        %parallel_loop3A_331 = arith.constant 128 : i32
        %parallel_loop3A_332 = arith.muli %parallel_loop3A_308, %parallel_loop3A_331 : i32
        %parallel_loop3A_333 = arith.constant 16 : i32
        %parallel_loop3A_334 = arith.addi %parallel_loop3A_332, %parallel_loop3A_333 : i32
        %parallel_loop3A_335 = arith.constant 0 : i32
        %parallel_loop3A_336 = arith.index_cast %parallel_loop3A_335 : i32 to index
        %parallel_loop3A_337 = arith.index_cast %parallel_loop3A_334 : i32 to index
        %parallel_loop3A_338 = tpu.vector_load %arg7[%parallel_loop3A_336, %parallel_loop3A_337] {strides = array<i32>} : memref<2x4096xi32, #tpu.memory_space<vmem>>, vector<16xi32>,
        %parallel_loop3A_339 = arith.constant 7 : i32
        %parallel_loop3A_340 = vector.broadcast %parallel_loop3A_339 : i32 to vector<16xi32>
        %parallel_loop3A_341 = arith.shrui %parallel_loop3A_338, %parallel_loop3A_340 : vector<16xi32>
        %parallel_loop3A_342 = arith.constant 127 : i32
        %parallel_loop3A_343 = vector.broadcast %parallel_loop3A_342 : i32 to vector<16xi32>
        %parallel_loop3A_344 = arith.andi %parallel_loop3A_338, %parallel_loop3A_343 : vector<16xi32>
        %parallel_loop3A_345 = tpu.vector_load_idx %arg6[%parallel_loop3A_341, %parallel_loop3A_344] : memref<782x128xf32, #tpu.memory_space<vmem>>[vector<16xi32>, vector<16xi32>], vector<16xf32>,
        %parallel_loop3A_346 = vector.broadcast %squeeze3A : f32 to vector<16xf32>
        %parallel_loop3A_347 = arith.mulf %parallel_loop3A_345, %parallel_loop3A_346 : vector<16xf32>
        %parallel_loop3A_348 = arith.constant 0 : i32
        %parallel_loop3A_349 = arith.index_cast %parallel_loop3A_348 : i32 to index
        %parallel_loop3A_350 = arith.index_cast %parallel_loop3A_308 : i32 to index
        %parallel_loop3A_351 = arith.constant 16 : index
        %parallel_loop3A_352 = tpu.vector_load %arg8[%parallel_loop3A_349, %parallel_loop3A_350, %parallel_loop3A_351] {strides = array<i32>} : memref<2x32x128xf32, #tpu.memory_space<vmem>>, vector<16xf32>,
        tpu.vector_store %arg8[%parallel_loop3A_349, %parallel_loop3A_350, %parallel_loop3A_351], %parallel_loop3A_347 {strides = array<i32>} : memref<2x32x128xf32, #tpu.memory_space<vmem>>, vector<16xf32>,
        %parallel_loop3A_353 = arith.constant 128 : i32
        %parallel_loop3A_354 = arith.muli %parallel_loop3A_308, %parallel_loop3A_353 : i32
        %parallel_loop3A_355 = arith.constant 32 : i32
        %parallel_loop3A_356 = arith.addi %parallel_loop3A_354, %parallel_loop3A_355 : i32
        %parallel_loop3A_357 = arith.constant 0 : i32
        %parallel_loop3A_358 = arith.index_cast %parallel_loop3A_357 : i32 to index
        %parallel_loop3A_359 = arith.index_cast %parallel_loop3A_356 : i32 to index
        %parallel_loop3A_360 = tpu.vector_load %arg7[%parallel_loop3A_358, %parallel_loop3A_359] {strides = array<i32>} : memref<2x4096xi32, #tpu.memory_space<vmem>>, vector<16xi32>,
        %parallel_loop3A_361 = arith.constant 7 : i32
        %parallel_loop3A_362 = vector.broadcast %parallel_loop3A_361 : i32 to vector<16xi32>
        %parallel_loop3A_363 = arith.shrui %parallel_loop3A_360, %parallel_loop3A_362 : vector<16xi32>
        %parallel_loop3A_364 = arith.constant 127 : i32
        %parallel_loop3A_365 = vector.broadcast %parallel_loop3A_364 : i32 to vector<16xi32>
        %parallel_loop3A_366 = arith.andi %parallel_loop3A_360, %parallel_loop3A_365 : vector<16xi32>
        %parallel_loop3A_367 = tpu.vector_load_idx %arg6[%parallel_loop3A_363, %parallel_loop3A_366] : memref<782x128xf32, #tpu.memory_space<vmem>>[vector<16xi32>, vector<16xi32>], vector<16xf32>,
        %parallel_loop3A_368 = vector.broadcast %squeeze3A : f32 to vector<16xf32>
        %parallel_loop3A_369 = arith.mulf %parallel_loop3A_367, %parallel_loop3A_368 : vector<16xf32>
        %parallel_loop3A_370 = arith.constant 0 : i32
        %parallel_loop3A_371 = arith.index_cast %parallel_loop3A_370 : i32 to index
        %parallel_loop3A_372 = arith.index_cast %parallel_loop3A_308 : i32 to index
        %parallel_loop3A_373 = arith.constant 32 : index
        %parallel_loop3A_374 = tpu.vector_load %arg8[%parallel_loop3A_371, %parallel_loop3A_372, %parallel_loop3A_373] {strides = array<i32>} : memref<2x32x128xf32, #tpu.memory_space<vmem>>, vector<16xf32>,
        tpu.vector_store %arg8[%parallel_loop3A_371, %parallel_loop3A_372, %parallel_loop3A_373], %parallel_loop3A_369 {strides = array<i32>} : memref<2x32x128xf32, #tpu.memory_space<vmem>>, vector<16xf32>,
        %parallel_loop3A_375 = arith.constant 128 : i32
        %parallel_loop3A_376 = arith.muli %parallel_loop3A_308, %parallel_loop3A_375 : i32
        %parallel_loop3A_377 = arith.constant 48 : i32
        %parallel_loop3A_378 = arith.addi %parallel_loop3A_376, %parallel_loop3A_377 : i32
        %parallel_loop3A_379 = arith.constant 0 : i32
        %parallel_loop3A_380 = arith.index_cast %parallel_loop3A_379 : i32 to index
        %parallel_loop3A_381 = arith.index_cast %parallel_loop3A_378 : i32 to index
        %parallel_loop3A_382 = tpu.vector_load %arg7[%parallel_loop3A_380, %parallel_loop3A_381] {strides = array<i32>} : memref<2x4096xi32, #tpu.memory_space<vmem>>, vector<16xi32>,
        %parallel_loop3A_383 = arith.constant 7 : i32
        %parallel_loop3A_384 = vector.broadcast %parallel_loop3A_383 : i32 to vector<16xi32>
        %parallel_loop3A_385 = arith.shrui %parallel_loop3A_382, %parallel_loop3A_384 : vector<16xi32>
        %parallel_loop3A_386 = arith.constant 127 : i32
        %parallel_loop3A_387 = vector.broadcast %parallel_loop3A_386 : i32 to vector<16xi32>
        %parallel_loop3A_388 = arith.andi %parallel_loop3A_382, %parallel_loop3A_387 : vector<16xi32>
        %parallel_loop3A_389 = tpu.vector_load_idx %arg6[%parallel_loop3A_385, %parallel_loop3A_388] : memref<782x128xf32, #tpu.memory_space<vmem>>[vector<16xi32>, vector<16xi32>], vector<16xf32>,
        %parallel_loop3A_390 = vector.broadcast %squeeze3A : f32 to vector<16xf32>
        %parallel_loop3A_391 = arith.mulf %parallel_loop3A_389, %parallel_loop3A_390 : vector<16xf32>
        %parallel_loop3A_392 = arith.constant 0 : i32
        %parallel_loop3A_393 = arith.index_cast %parallel_loop3A_392 : i32 to index
        %parallel_loop3A_394 = arith.index_cast %parallel_loop3A_308 : i32 to index
        %parallel_loop3A_395 = arith.constant 48 : index
        %parallel_loop3A_396 = tpu.vector_load %arg8[%parallel_loop3A_393, %parallel_loop3A_394, %parallel_loop3A_395] {strides = array<i32>} : memref<2x32x128xf32, #tpu.memory_space<vmem>>, vector<16xf32>,
        tpu.vector_store %arg8[%parallel_loop3A_393, %parallel_loop3A_394, %parallel_loop3A_395], %parallel_loop3A_391 {strides = array<i32>} : memref<2x32x128xf32, #tpu.memory_space<vmem>>, vector<16xf32>,
        %parallel_loop3A_397 = arith.constant 128 : i32
        %parallel_loop3A_398 = arith.muli %parallel_loop3A_308, %parallel_loop3A_397 : i32
        %parallel_loop3A_399 = arith.constant 64 : i32
        %parallel_loop3A_400 = arith.addi %parallel_loop3A_398, %parallel_loop3A_399 : i32
        %parallel_loop3A_401 = arith.constant 0 : i32
        %parallel_loop3A_402 = arith.index_cast %parallel_loop3A_401 : i32 to index
        %parallel_loop3A_403 = arith.index_cast %parallel_loop3A_400 : i32 to index
        %parallel_loop3A_404 = tpu.vector_load %arg7[%parallel_loop3A_402, %parallel_loop3A_403] {strides = array<i32>} : memref<2x4096xi32, #tpu.memory_space<vmem>>, vector<16xi32>,
        %parallel_loop3A_405 = arith.constant 7 : i32
        %parallel_loop3A_406 = vector.broadcast %parallel_loop3A_405 : i32 to vector<16xi32>
        %parallel_loop3A_407 = arith.shrui %parallel_loop3A_404, %parallel_loop3A_406 : vector<16xi32>
        %parallel_loop3A_408 = arith.constant 127 : i32
        %parallel_loop3A_409 = vector.broadcast %parallel_loop3A_408 : i32 to vector<16xi32>
        %parallel_loop3A_410 = arith.andi %parallel_loop3A_404, %parallel_loop3A_409 : vector<16xi32>
        %parallel_loop3A_411 = tpu.vector_load_idx %arg6[%parallel_loop3A_407, %parallel_loop3A_410] : memref<782x128xf32, #tpu.memory_space<vmem>>[vector<16xi32>, vector<16xi32>], vector<16xf32>,
        %parallel_loop3A_412 = vector.broadcast %squeeze3A : f32 to vector<16xf32>
        %parallel_loop3A_413 = arith.mulf %parallel_loop3A_411, %parallel_loop3A_412 : vector<16xf32>
        %parallel_loop3A_414 = arith.constant 0 : i32
        %parallel_loop3A_415 = arith.index_cast %parallel_loop3A_414 : i32 to index
        %parallel_loop3A_416 = arith.index_cast %parallel_loop3A_308 : i32 to index
        %parallel_loop3A_417 = arith.constant 64 : index
        %parallel_loop3A_418 = tpu.vector_load %arg8[%parallel_loop3A_415, %parallel_loop3A_416, %parallel_loop3A_417] {strides = array<i32>} : memref<2x32x128xf32, #tpu.memory_space<vmem>>, vector<16xf32>,
        tpu.vector_store %arg8[%parallel_loop3A_415, %parallel_loop3A_416, %parallel_loop3A_417], %parallel_loop3A_413 {strides = array<i32>} : memref<2x32x128xf32, #tpu.memory_space<vmem>>, vector<16xf32>,
        %parallel_loop3A_419 = arith.constant 128 : i32
        %parallel_loop3A_420 = arith.muli %parallel_loop3A_308, %parallel_loop3A_419 : i32
        %parallel_loop3A_421 = arith.constant 80 : i32
        %parallel_loop3A_422 = arith.addi %parallel_loop3A_420, %parallel_loop3A_421 : i32
        %parallel_loop3A_423 = arith.constant 0 : i32
        %parallel_loop3A_424 = arith.index_cast %parallel_loop3A_423 : i32 to index
        %parallel_loop3A_425 = arith.index_cast %parallel_loop3A_422 : i32 to index
        %parallel_loop3A_426 = tpu.vector_load %arg7[%parallel_loop3A_424, %parallel_loop3A_425] {strides = array<i32>} : memref<2x4096xi32, #tpu.memory_space<vmem>>, vector<16xi32>,
        %parallel_loop3A_427 = arith.constant 7 : i32
        %parallel_loop3A_428 = vector.broadcast %parallel_loop3A_427 : i32 to vector<16xi32>
        %parallel_loop3A_429 = arith.shrui %parallel_loop3A_426, %parallel_loop3A_428 : vector<16xi32>
        %parallel_loop3A_430 = arith.constant 127 : i32
        %parallel_loop3A_431 = vector.broadcast %parallel_loop3A_430 : i32 to vector<16xi32>
        %parallel_loop3A_432 = arith.andi %parallel_loop3A_426, %parallel_loop3A_431 : vector<16xi32>
        %parallel_loop3A_433 = tpu.vector_load_idx %arg6[%parallel_loop3A_429, %parallel_loop3A_432] : memref<782x128xf32, #tpu.memory_space<vmem>>[vector<16xi32>, vector<16xi32>], vector<16xf32>,
        %parallel_loop3A_434 = vector.broadcast %squeeze3A : f32 to vector<16xf32>
        %parallel_loop3A_435 = arith.mulf %parallel_loop3A_433, %parallel_loop3A_434 : vector<16xf32>
        %parallel_loop3A_436 = arith.constant 0 : i32
        %parallel_loop3A_437 = arith.index_cast %parallel_loop3A_436 : i32 to index
        %parallel_loop3A_438 = arith.index_cast %parallel_loop3A_308 : i32 to index
        %parallel_loop3A_439 = arith.constant 80 : index
        %parallel_loop3A_440 = tpu.vector_load %arg8[%parallel_loop3A_437, %parallel_loop3A_438, %parallel_loop3A_439] {strides = array<i32>} : memref<2x32x128xf32, #tpu.memory_space<vmem>>, vector<16xf32>,
        tpu.vector_store %arg8[%parallel_loop3A_437, %parallel_loop3A_438, %parallel_loop3A_439], %parallel_loop3A_435 {strides = array<i32>} : memref<2x32x128xf32, #tpu.memory_space<vmem>>, vector<16xf32>,
        %parallel_loop3A_441 = arith.constant 128 : i32
        %parallel_loop3A_442 = arith.muli %parallel_loop3A_308, %parallel_loop3A_441 : i32
        %parallel_loop3A_443 = arith.constant 96 : i32
        %parallel_loop3A_444 = arith.addi %parallel_loop3A_442, %parallel_loop3A_443 : i32
        %parallel_loop3A_445 = arith.constant 0 : i32
        %parallel_loop3A_446 = arith.index_cast %parallel_loop3A_445 : i32 to index
        %parallel_loop3A_447 = arith.index_cast %parallel_loop3A_444 : i32 to index
        %parallel_loop3A_448 = tpu.vector_load %arg7[%parallel_loop3A_446, %parallel_loop3A_447] {strides = array<i32>} : memref<2x4096xi32, #tpu.memory_space<vmem>>, vector<16xi32>,
        %parallel_loop3A_449 = arith.constant 7 : i32
        %parallel_loop3A_450 = vector.broadcast %parallel_loop3A_449 : i32 to vector<16xi32>
        %parallel_loop3A_451 = arith.shrui %parallel_loop3A_448, %parallel_loop3A_450 : vector<16xi32>
        %parallel_loop3A_452 = arith.constant 127 : i32
        %parallel_loop3A_453 = vector.broadcast %parallel_loop3A_452 : i32 to vector<16xi32>
        %parallel_loop3A_454 = arith.andi %parallel_loop3A_448, %parallel_loop3A_453 : vector<16xi32>
        %parallel_loop3A_455 = tpu.vector_load_idx %arg6[%parallel_loop3A_451, %parallel_loop3A_454] : memref<782x128xf32, #tpu.memory_space<vmem>>[vector<16xi32>, vector<16xi32>], vector<16xf32>,
        %parallel_loop3A_456 = vector.broadcast %squeeze3A : f32 to vector<16xf32>
        %parallel_loop3A_457 = arith.mulf %parallel_loop3A_455, %parallel_loop3A_456 : vector<16xf32>
        %parallel_loop3A_458 = arith.constant 0 : i32
        %parallel_loop3A_459 = arith.index_cast %parallel_loop3A_458 : i32 to index
        %parallel_loop3A_460 = arith.index_cast %parallel_loop3A_308 : i32 to index
        %parallel_loop3A_461 = arith.constant 96 : index
        %parallel_loop3A_462 = tpu.vector_load %arg8[%parallel_loop3A_459, %parallel_loop3A_460, %parallel_loop3A_461] {strides = array<i32>} : memref<2x32x128xf32, #tpu.memory_space<vmem>>, vector<16xf32>,
        tpu.vector_store %arg8[%parallel_loop3A_459, %parallel_loop3A_460, %parallel_loop3A_461], %parallel_loop3A_457 {strides = array<i32>} : memref<2x32x128xf32, #tpu.memory_space<vmem>>, vector<16xf32>,
        %parallel_loop3A_463 = arith.constant 128 : i32
        %parallel_loop3A_464 = arith.muli %parallel_loop3A_308, %parallel_loop3A_463 : i32
        %parallel_loop3A_465 = arith.constant 112 : i32
        %parallel_loop3A_466 = arith.addi %parallel_loop3A_464, %parallel_loop3A_465 : i32
        %parallel_loop3A_467 = arith.constant 0 : i32
        %parallel_loop3A_468 = arith.index_cast %parallel_loop3A_467 : i32 to index
        %parallel_loop3A_469 = arith.index_cast %parallel_loop3A_466 : i32 to index
        %parallel_loop3A_470 = tpu.vector_load %arg7[%parallel_loop3A_468, %parallel_loop3A_469] {strides = array<i32>} : memref<2x4096xi32, #tpu.memory_space<vmem>>, vector<16xi32>,
        %parallel_loop3A_471 = arith.constant 7 : i32
        %parallel_loop3A_472 = vector.broadcast %parallel_loop3A_471 : i32 to vector<16xi32>
        %parallel_loop3A_473 = arith.shrui %parallel_loop3A_470, %parallel_loop3A_472 : vector<16xi32>
        %parallel_loop3A_474 = arith.constant 127 : i32
        %parallel_loop3A_475 = vector.broadcast %parallel_loop3A_474 : i32 to vector<16xi32>
        %parallel_loop3A_476 = arith.andi %parallel_loop3A_470, %parallel_loop3A_475 : vector<16xi32>
        %parallel_loop3A_477 = tpu.vector_load_idx %arg6[%parallel_loop3A_473, %parallel_loop3A_476] : memref<782x128xf32, #tpu.memory_space<vmem>>[vector<16xi32>, vector<16xi32>], vector<16xf32>,
        %parallel_loop3A_478 = vector.broadcast %squeeze3A : f32 to vector<16xf32>
        %parallel_loop3A_479 = arith.mulf %parallel_loop3A_477, %parallel_loop3A_478 : vector<16xf32>
        %parallel_loop3A_480 = arith.constant 0 : i32
        %parallel_loop3A_481 = arith.index_cast %parallel_loop3A_480 : i32 to index
        %parallel_loop3A_482 = arith.index_cast %parallel_loop3A_308 : i32 to index
        %parallel_loop3A_483 = arith.constant 112 : index
        %parallel_loop3A_484 = tpu.vector_load %arg8[%parallel_loop3A_481, %parallel_loop3A_482, %parallel_loop3A_483] {strides = array<i32>} : memref<2x32x128xf32, #tpu.memory_space<vmem>>, vector<16xf32>,
        tpu.vector_store %arg8[%parallel_loop3A_481, %parallel_loop3A_482, %parallel_loop3A_483], %parallel_loop3A_479 {strides = array<i32>} : memref<2x32x128xf32, #tpu.memory_space<vmem>>, vector<16xf32>,
      } {sc.loop_unroll_factor = 16 : i64, sc.parallel_access}
      %dma_start3A_240 = arith.constant 0 : i32
      %dma_start3A_241 = arith.constant 0 : i32
      %dma_start3A_242 = arith.constant 0 : i32
      %dma_start3A_243 = tpu.memref_slice %arg8[%dma_start3A_240, %dma_start3A_241, %dma_start3A_242] : memref<2x32x128xf32, #tpu.memory_space<vmem>> -> memref<1x32x128xf32, #tpu.memory_space<vmem>>
      %dma_start3A_244 = tpu.memref_squeeze %dma_start3A_243 : memref<1x32x128xf32, #tpu.memory_space<vmem>> -> memref<32x128xf32, #tpu.memory_space<vmem>>
      %dma_start3A_245 = arith.constant 0 : i32
      %dma_start3A_246 = arith.constant 0 : i32
      %dma_start3A_247 = tpu.memref_slice %arg5[%add3A_223, %select_n3A, %dma_start3A_245, %rem3A_21, %dma_start3A_246] : memref<50x8x32x8x128xf32, #tpu.memory_space<hbm>> -> memref<1x1x32x1x128xf32, #tpu.memory_space<hbm>>
      %dma_start3A_248 = tpu.memref_squeeze %dma_start3A_247 : memref<1x1x32x1x128xf32, #tpu.memory_space<hbm>> -> memref<32x128xf32, #tpu.memory_space<hbm>>
      %dma_start3A_249 = arith.constant 0 : i32
      %dma_start3A_250 = arith.constant 0 : i32
      %dma_start3A_251 = tpu.memref_slice %arg5[%add3A_223, %select_n3A, %dma_start3A_249, %rem3A_21, %dma_start3A_250] : memref<50x8x32x8x128xf32, #tpu.memory_space<hbm>> -> memref<1x1x32x1x128xf32, #tpu.memory_space<hbm>>
      %dma_start3A_252 = tpu.memref_squeeze %dma_start3A_251 : memref<1x1x32x1x128xf32, #tpu.memory_space<hbm>> -> memref<32x128xf32, #tpu.memory_space<hbm>>
      %dma_start3A_253 = arith.constant 0 : i32
      %dma_start3A_254 = arith.constant 0 : i32
      %dma_start3A_255 = tpu.memref_slice %arg8[%dma_start3A_240, %dma_start3A_253, %dma_start3A_254] : memref<2x32x128xf32, #tpu.memory_space<vmem>> -> memref<1x32x128xf32, #tpu.memory_space<vmem>>
      %dma_start3A_256 = tpu.memref_squeeze %dma_start3A_255 : memref<1x32x128xf32, #tpu.memory_space<vmem>> -> memref<32x128xf32, #tpu.memory_space<vmem>>
      tpu.enqueue_dma source(%dma_start3A_256 : memref<32x128xf32, #tpu.memory_space<vmem>>) target(%dma_start3A_252 : memref<32x128xf32, #tpu.memory_space<hbm>>) target_semaphore(%arg12 : memref<!tpu.dma_semaphore, #tpu.memory_space<semaphore_mem>>)
      %add3A_257 = arith.constant 1 : i32
      %add3A_258 = arith.addi %add3A_223, %add3A_257 : i32
      %lt3A_259 = arith.constant 50 : i32
      %lt3A_260 = arith.cmpi slt, %add3A_258, %lt3A_259 : i32
      %convert_element_type3A_261 = arith.extui %lt3A_260 : i1 to i32
      %cond3A_262 = arith.constant 0 : i32
      %cond3A_263 = arith.cmpi ne, %convert_element_type3A_261, %cond3A_262 : i32
      scf.if %cond3A_263 {
        %add3A_308 = arith.constant 1 : i32
        %add3A_309 = arith.addi %add3A_223, %add3A_308 : i32
        %dma_wait3A_310 = arith.constant 1 : i32
        %dma_wait3A_311 = arith.constant 0 : i32
        %dma_wait3A_312 = tpu.memref_slice %arg7[%dma_wait3A_310, %dma_wait3A_311] : memref<2x4096xi32, #tpu.memory_space<vmem>> -> memref<1x4096xi32, #tpu.memory_space<vmem>>
        %dma_wait3A_313 = tpu.memref_squeeze %dma_wait3A_312 : memref<1x4096xi32, #tpu.memory_space<vmem>> -> memref<4096xi32, #tpu.memory_space<vmem>>
        %dma_wait3A_314 = arith.constant 0 : i32
        %dma_wait3A_315 = tpu.memref_slice %arg9[%add3A_309, %dma_wait3A_314] : memref<50x4096xi32, #tpu.memory_space<vmem_shared>> -> memref<1x4096xi32, #tpu.memory_space<vmem_shared>>
        %dma_wait3A_316 = tpu.memref_squeeze %dma_wait3A_315 : memref<1x4096xi32, #tpu.memory_space<vmem_shared>> -> memref<4096xi32, #tpu.memory_space<vmem_shared>>
        %dma_wait3A_317 = arith.constant 0 : i32
        %dma_wait3A_318 = tpu.memref_slice %arg7[%dma_wait3A_310, %dma_wait3A_317] : memref<2x4096xi32, #tpu.memory_space<vmem>> -> memref<1x4096xi32, #tpu.memory_space<vmem>>
        %dma_wait3A_319 = tpu.memref_squeeze %dma_wait3A_318 : memref<1x4096xi32, #tpu.memory_space<vmem>> -> memref<4096xi32, #tpu.memory_space<vmem>>
        %dma_wait3A_320 = arith.constant 0 : i32
        %dma_wait3A_321 = tpu.memref_slice %arg9[%add3A_309, %dma_wait3A_320] : memref<50x4096xi32, #tpu.memory_space<vmem_shared>> -> memref<1x4096xi32, #tpu.memory_space<vmem_shared>>
        %dma_wait3A_322 = tpu.memref_squeeze %dma_wait3A_321 : memref<1x4096xi32, #tpu.memory_space<vmem_shared>> -> memref<4096xi32, #tpu.memory_space<vmem_shared>>
        tpu.wait_dma2 semaphore(%arg11 : memref<!tpu.dma_semaphore, #tpu.memory_space<semaphore_mem>>) src(%dma_wait3A_322 : memref<4096xi32, #tpu.memory_space<vmem_shared>>) dst(%dma_wait3A_319 : memref<4096xi32, #tpu.memory_space<vmem>>)
      } else {
      }
      %add3A_264 = arith.constant 1 : i32
      %add3A_265 = arith.addi %add3A_221, %add3A_264 : i32
      %add3A_266 = arith.constant 1 : i32
      %add3A_267 = arith.addi %add3A_265, %add3A_266 : i32
      %add3A_268 = arith.constant 1 : i32
      %add3A_269 = arith.addi %add3A_265, %add3A_268 : i32
      %lt3A_270 = arith.constant 50 : i32
      %lt3A_271 = arith.cmpi slt, %add3A_269, %lt3A_270 : i32
      %convert_element_type3A_272 = arith.extui %lt3A_271 : i1 to i32
      %cond3A_273 = arith.constant 0 : i32
      %cond3A_274 = arith.constant 0 : i32
      %cond3A_275 = arith.cmpi ne, %convert_element_type3A_272, %cond3A_274 : i32
      scf.if %cond3A_275 {
        %dma_start3A_308 = arith.constant 0 : i32
        %dma_start3A_309 = tpu.memref_slice %arg7[%cond3A_273, %dma_start3A_308] : memref<2x4096xi32, #tpu.memory_space<vmem>> -> memref<1x4096xi32, #tpu.memory_space<vmem>>
        %dma_start3A_310 = tpu.memref_squeeze %dma_start3A_309 : memref<1x4096xi32, #tpu.memory_space<vmem>> -> memref<4096xi32, #tpu.memory_space<vmem>>
        %dma_start3A_311 = arith.constant 0 : i32
        %dma_start3A_312 = tpu.memref_slice %arg9[%add3A_267, %dma_start3A_311] : memref<50x4096xi32, #tpu.memory_space<vmem_shared>> -> memref<1x4096xi32, #tpu.memory_space<vmem_shared>>
        %dma_start3A_313 = tpu.memref_squeeze %dma_start3A_312 : memref<1x4096xi32, #tpu.memory_space<vmem_shared>> -> memref<4096xi32, #tpu.memory_space<vmem_shared>>
        %dma_start3A_314 = arith.constant 0 : i32
        %dma_start3A_315 = tpu.memref_slice %arg7[%cond3A_273, %dma_start3A_314] : memref<2x4096xi32, #tpu.memory_space<vmem>> -> memref<1x4096xi32, #tpu.memory_space<vmem>>
        %dma_start3A_316 = tpu.memref_squeeze %dma_start3A_315 : memref<1x4096xi32, #tpu.memory_space<vmem>> -> memref<4096xi32, #tpu.memory_space<vmem>>
        %dma_start3A_317 = arith.constant 0 : i32
        %dma_start3A_318 = tpu.memref_slice %arg9[%add3A_267, %dma_start3A_317] : memref<50x4096xi32, #tpu.memory_space<vmem_shared>> -> memref<1x4096xi32, #tpu.memory_space<vmem_shared>>
        %dma_start3A_319 = tpu.memref_squeeze %dma_start3A_318 : memref<1x4096xi32, #tpu.memory_space<vmem_shared>> -> memref<4096xi32, #tpu.memory_space<vmem_shared>>
        tpu.enqueue_dma source(%dma_start3A_319 : memref<4096xi32, #tpu.memory_space<vmem_shared>>) target(%dma_start3A_316 : memref<4096xi32, #tpu.memory_space<vmem>>) target_semaphore(%arg11 : memref<!tpu.dma_semaphore, #tpu.memory_space<semaphore_mem>>)
      } else {
      }
      %ge3A_276 = arith.constant 2 : i32
      %ge3A_277 = arith.cmpi sge, %add3A_265, %ge3A_276 : i32
      %convert_element_type3A_278 = arith.extui %ge3A_277 : i1 to i32
      %cond3A_279 = arith.constant 0 : i32
      %cond3A_280 = arith.cmpi ne, %convert_element_type3A_278, %cond3A_279 : i32
      scf.if %cond3A_280 {
        %sub3A_308 = arith.constant 2 : i32
        %sub3A_309 = arith.subi %add3A_265, %sub3A_308 : i32
        %dma_wait3A_310 = arith.constant 1 : i32
        %dma_wait3A_311 = arith.constant 0 : i32
        %dma_wait3A_312 = arith.constant 0 : i32
        %dma_wait3A_313 = tpu.memref_slice %arg8[%dma_wait3A_310, %dma_wait3A_311, %dma_wait3A_312] : memref<2x32x128xf32, #tpu.memory_space<vmem>> -> memref<1x32x128xf32, #tpu.memory_space<vmem>>
        %dma_wait3A_314 = tpu.memref_squeeze %dma_wait3A_313 : memref<1x32x128xf32, #tpu.memory_space<vmem>> -> memref<32x128xf32, #tpu.memory_space<vmem>>
        %dma_wait3A_315 = arith.constant 0 : i32
        %dma_wait3A_316 = arith.constant 0 : i32
        %dma_wait3A_317 = tpu.memref_slice %arg5[%sub3A_309, %select_n3A, %dma_wait3A_315, %rem3A_21, %dma_wait3A_316] : memref<50x8x32x8x128xf32, #tpu.memory_space<hbm>> -> memref<1x1x32x1x128xf32, #tpu.memory_space<hbm>>
        %dma_wait3A_318 = tpu.memref_squeeze %dma_wait3A_317 : memref<1x1x32x1x128xf32, #tpu.memory_space<hbm>> -> memref<32x128xf32, #tpu.memory_space<hbm>>
        %dma_wait3A_319 = arith.constant 0 : i32
        %dma_wait3A_320 = arith.constant 0 : i32
        %dma_wait3A_321 = tpu.memref_slice %arg5[%sub3A_309, %select_n3A, %dma_wait3A_319, %rem3A_21, %dma_wait3A_320] : memref<50x8x32x8x128xf32, #tpu.memory_space<hbm>> -> memref<1x1x32x1x128xf32, #tpu.memory_space<hbm>>
        %dma_wait3A_322 = tpu.memref_squeeze %dma_wait3A_321 : memref<1x1x32x1x128xf32, #tpu.memory_space<hbm>> -> memref<32x128xf32, #tpu.memory_space<hbm>>
        %dma_wait3A_323 = arith.constant 0 : i32
        %dma_wait3A_324 = arith.constant 0 : i32
        %dma_wait3A_325 = tpu.memref_slice %arg8[%dma_wait3A_310, %dma_wait3A_323, %dma_wait3A_324] : memref<2x32x128xf32, #tpu.memory_space<vmem>> -> memref<1x32x128xf32, #tpu.memory_space<vmem>>
        %dma_wait3A_326 = tpu.memref_squeeze %dma_wait3A_325 : memref<1x32x128xf32, #tpu.memory_space<vmem>> -> memref<32x128xf32, #tpu.memory_space<vmem>>
        tpu.wait_dma2 semaphore(%arg12 : memref<!tpu.dma_semaphore, #tpu.memory_space<semaphore_mem>>) src(%dma_wait3A_326 : memref<32x128xf32, #tpu.memory_space<vmem>>) dst(%dma_wait3A_322 : memref<32x128xf32, #tpu.memory_space<hbm>>)
      } else {
      }
      %parallel_loop3A_281 = arith.constant 0 : i32
      %parallel_loop3A_282 = arith.constant 32 : i32
      %parallel_loop3A_283 = arith.constant 1 : i32
      scf.for %parallel_loop3A_308 = %parallel_loop3A_281 to %parallel_loop3A_282 step %parallel_loop3A_283  : i32 {
        %parallel_loop3A_309 = arith.constant 128 : i32
        %parallel_loop3A_310 = arith.muli %parallel_loop3A_308, %parallel_loop3A_309 : i32
        %parallel_loop3A_311 = arith.constant 0 : i32
        %parallel_loop3A_312 = arith.addi %parallel_loop3A_310, %parallel_loop3A_311 : i32
        %parallel_loop3A_313 = arith.constant 1 : i32
        %parallel_loop3A_314 = arith.index_cast %parallel_loop3A_313 : i32 to index
        %parallel_loop3A_315 = arith.index_cast %parallel_loop3A_312 : i32 to index
        %parallel_loop3A_316 = tpu.vector_load %arg7[%parallel_loop3A_314, %parallel_loop3A_315] {strides = array<i32>} : memref<2x4096xi32, #tpu.memory_space<vmem>>, vector<16xi32>,
        %parallel_loop3A_317 = arith.constant 7 : i32
        %parallel_loop3A_318 = vector.broadcast %parallel_loop3A_317 : i32 to vector<16xi32>
        %parallel_loop3A_319 = arith.shrui %parallel_loop3A_316, %parallel_loop3A_318 : vector<16xi32>
        %parallel_loop3A_320 = arith.constant 127 : i32
        %parallel_loop3A_321 = vector.broadcast %parallel_loop3A_320 : i32 to vector<16xi32>
        %parallel_loop3A_322 = arith.andi %parallel_loop3A_316, %parallel_loop3A_321 : vector<16xi32>
        %parallel_loop3A_323 = tpu.vector_load_idx %arg6[%parallel_loop3A_319, %parallel_loop3A_322] : memref<782x128xf32, #tpu.memory_space<vmem>>[vector<16xi32>, vector<16xi32>], vector<16xf32>,
        %parallel_loop3A_324 = vector.broadcast %squeeze3A : f32 to vector<16xf32>
        %parallel_loop3A_325 = arith.mulf %parallel_loop3A_323, %parallel_loop3A_324 : vector<16xf32>
        %parallel_loop3A_326 = arith.constant 1 : i32
        %parallel_loop3A_327 = arith.index_cast %parallel_loop3A_326 : i32 to index
        %parallel_loop3A_328 = arith.index_cast %parallel_loop3A_308 : i32 to index
        %parallel_loop3A_329 = arith.constant 0 : index
        %parallel_loop3A_330 = tpu.vector_load %arg8[%parallel_loop3A_327, %parallel_loop3A_328, %parallel_loop3A_329] {strides = array<i32>} : memref<2x32x128xf32, #tpu.memory_space<vmem>>, vector<16xf32>,
        tpu.vector_store %arg8[%parallel_loop3A_327, %parallel_loop3A_328, %parallel_loop3A_329], %parallel_loop3A_325 {strides = array<i32>} : memref<2x32x128xf32, #tpu.memory_space<vmem>>, vector<16xf32>,
        %parallel_loop3A_331 = arith.constant 128 : i32
        %parallel_loop3A_332 = arith.muli %parallel_loop3A_308, %parallel_loop3A_331 : i32
        %parallel_loop3A_333 = arith.constant 16 : i32
        %parallel_loop3A_334 = arith.addi %parallel_loop3A_332, %parallel_loop3A_333 : i32
        %parallel_loop3A_335 = arith.constant 1 : i32
        %parallel_loop3A_336 = arith.index_cast %parallel_loop3A_335 : i32 to index
        %parallel_loop3A_337 = arith.index_cast %parallel_loop3A_334 : i32 to index
        %parallel_loop3A_338 = tpu.vector_load %arg7[%parallel_loop3A_336, %parallel_loop3A_337] {strides = array<i32>} : memref<2x4096xi32, #tpu.memory_space<vmem>>, vector<16xi32>,
        %parallel_loop3A_339 = arith.constant 7 : i32
        %parallel_loop3A_340 = vector.broadcast %parallel_loop3A_339 : i32 to vector<16xi32>
        %parallel_loop3A_341 = arith.shrui %parallel_loop3A_338, %parallel_loop3A_340 : vector<16xi32>
        %parallel_loop3A_342 = arith.constant 127 : i32
        %parallel_loop3A_343 = vector.broadcast %parallel_loop3A_342 : i32 to vector<16xi32>
        %parallel_loop3A_344 = arith.andi %parallel_loop3A_338, %parallel_loop3A_343 : vector<16xi32>
        %parallel_loop3A_345 = tpu.vector_load_idx %arg6[%parallel_loop3A_341, %parallel_loop3A_344] : memref<782x128xf32, #tpu.memory_space<vmem>>[vector<16xi32>, vector<16xi32>], vector<16xf32>,
        %parallel_loop3A_346 = vector.broadcast %squeeze3A : f32 to vector<16xf32>
        %parallel_loop3A_347 = arith.mulf %parallel_loop3A_345, %parallel_loop3A_346 : vector<16xf32>
        %parallel_loop3A_348 = arith.constant 1 : i32
        %parallel_loop3A_349 = arith.index_cast %parallel_loop3A_348 : i32 to index
        %parallel_loop3A_350 = arith.index_cast %parallel_loop3A_308 : i32 to index
        %parallel_loop3A_351 = arith.constant 16 : index
        %parallel_loop3A_352 = tpu.vector_load %arg8[%parallel_loop3A_349, %parallel_loop3A_350, %parallel_loop3A_351] {strides = array<i32>} : memref<2x32x128xf32, #tpu.memory_space<vmem>>, vector<16xf32>,
        tpu.vector_store %arg8[%parallel_loop3A_349, %parallel_loop3A_350, %parallel_loop3A_351], %parallel_loop3A_347 {strides = array<i32>} : memref<2x32x128xf32, #tpu.memory_space<vmem>>, vector<16xf32>,
        %parallel_loop3A_353 = arith.constant 128 : i32
        %parallel_loop3A_354 = arith.muli %parallel_loop3A_308, %parallel_loop3A_353 : i32
        %parallel_loop3A_355 = arith.constant 32 : i32
        %parallel_loop3A_356 = arith.addi %parallel_loop3A_354, %parallel_loop3A_355 : i32
        %parallel_loop3A_357 = arith.constant 1 : i32
        %parallel_loop3A_358 = arith.index_cast %parallel_loop3A_357 : i32 to index
        %parallel_loop3A_359 = arith.index_cast %parallel_loop3A_356 : i32 to index
        %parallel_loop3A_360 = tpu.vector_load %arg7[%parallel_loop3A_358, %parallel_loop3A_359] {strides = array<i32>} : memref<2x4096xi32, #tpu.memory_space<vmem>>, vector<16xi32>,
        %parallel_loop3A_361 = arith.constant 7 : i32
        %parallel_loop3A_362 = vector.broadcast %parallel_loop3A_361 : i32 to vector<16xi32>
        %parallel_loop3A_363 = arith.shrui %parallel_loop3A_360, %parallel_loop3A_362 : vector<16xi32>
        %parallel_loop3A_364 = arith.constant 127 : i32
        %parallel_loop3A_365 = vector.broadcast %parallel_loop3A_364 : i32 to vector<16xi32>
        %parallel_loop3A_366 = arith.andi %parallel_loop3A_360, %parallel_loop3A_365 : vector<16xi32>
        %parallel_loop3A_367 = tpu.vector_load_idx %arg6[%parallel_loop3A_363, %parallel_loop3A_366] : memref<782x128xf32, #tpu.memory_space<vmem>>[vector<16xi32>, vector<16xi32>], vector<16xf32>,
        %parallel_loop3A_368 = vector.broadcast %squeeze3A : f32 to vector<16xf32>
        %parallel_loop3A_369 = arith.mulf %parallel_loop3A_367, %parallel_loop3A_368 : vector<16xf32>
        %parallel_loop3A_370 = arith.constant 1 : i32
        %parallel_loop3A_371 = arith.index_cast %parallel_loop3A_370 : i32 to index
        %parallel_loop3A_372 = arith.index_cast %parallel_loop3A_308 : i32 to index
        %parallel_loop3A_373 = arith.constant 32 : index
        %parallel_loop3A_374 = tpu.vector_load %arg8[%parallel_loop3A_371, %parallel_loop3A_372, %parallel_loop3A_373] {strides = array<i32>} : memref<2x32x128xf32, #tpu.memory_space<vmem>>, vector<16xf32>,
        tpu.vector_store %arg8[%parallel_loop3A_371, %parallel_loop3A_372, %parallel_loop3A_373], %parallel_loop3A_369 {strides = array<i32>} : memref<2x32x128xf32, #tpu.memory_space<vmem>>, vector<16xf32>,
        %parallel_loop3A_375 = arith.constant 128 : i32
        %parallel_loop3A_376 = arith.muli %parallel_loop3A_308, %parallel_loop3A_375 : i32
        %parallel_loop3A_377 = arith.constant 48 : i32
        %parallel_loop3A_378 = arith.addi %parallel_loop3A_376, %parallel_loop3A_377 : i32
        %parallel_loop3A_379 = arith.constant 1 : i32
        %parallel_loop3A_380 = arith.index_cast %parallel_loop3A_379 : i32 to index
        %parallel_loop3A_381 = arith.index_cast %parallel_loop3A_378 : i32 to index
        %parallel_loop3A_382 = tpu.vector_load %arg7[%parallel_loop3A_380, %parallel_loop3A_381] {strides = array<i32>} : memref<2x4096xi32, #tpu.memory_space<vmem>>, vector<16xi32>,
        %parallel_loop3A_383 = arith.constant 7 : i32
        %parallel_loop3A_384 = vector.broadcast %parallel_loop3A_383 : i32 to vector<16xi32>
        %parallel_loop3A_385 = arith.shrui %parallel_loop3A_382, %parallel_loop3A_384 : vector<16xi32>
        %parallel_loop3A_386 = arith.constant 127 : i32
        %parallel_loop3A_387 = vector.broadcast %parallel_loop3A_386 : i32 to vector<16xi32>
        %parallel_loop3A_388 = arith.andi %parallel_loop3A_382, %parallel_loop3A_387 : vector<16xi32>
        %parallel_loop3A_389 = tpu.vector_load_idx %arg6[%parallel_loop3A_385, %parallel_loop3A_388] : memref<782x128xf32, #tpu.memory_space<vmem>>[vector<16xi32>, vector<16xi32>], vector<16xf32>,
        %parallel_loop3A_390 = vector.broadcast %squeeze3A : f32 to vector<16xf32>
        %parallel_loop3A_391 = arith.mulf %parallel_loop3A_389, %parallel_loop3A_390 : vector<16xf32>
        %parallel_loop3A_392 = arith.constant 1 : i32
        %parallel_loop3A_393 = arith.index_cast %parallel_loop3A_392 : i32 to index
        %parallel_loop3A_394 = arith.index_cast %parallel_loop3A_308 : i32 to index
        %parallel_loop3A_395 = arith.constant 48 : index
        %parallel_loop3A_396 = tpu.vector_load %arg8[%parallel_loop3A_393, %parallel_loop3A_394, %parallel_loop3A_395] {strides = array<i32>} : memref<2x32x128xf32, #tpu.memory_space<vmem>>, vector<16xf32>,
        tpu.vector_store %arg8[%parallel_loop3A_393, %parallel_loop3A_394, %parallel_loop3A_395], %parallel_loop3A_391 {strides = array<i32>} : memref<2x32x128xf32, #tpu.memory_space<vmem>>, vector<16xf32>,
        %parallel_loop3A_397 = arith.constant 128 : i32
        %parallel_loop3A_398 = arith.muli %parallel_loop3A_308, %parallel_loop3A_397 : i32
        %parallel_loop3A_399 = arith.constant 64 : i32
        %parallel_loop3A_400 = arith.addi %parallel_loop3A_398, %parallel_loop3A_399 : i32
        %parallel_loop3A_401 = arith.constant 1 : i32
        %parallel_loop3A_402 = arith.index_cast %parallel_loop3A_401 : i32 to index
        %parallel_loop3A_403 = arith.index_cast %parallel_loop3A_400 : i32 to index
        %parallel_loop3A_404 = tpu.vector_load %arg7[%parallel_loop3A_402, %parallel_loop3A_403] {strides = array<i32>} : memref<2x4096xi32, #tpu.memory_space<vmem>>, vector<16xi32>,
        %parallel_loop3A_405 = arith.constant 7 : i32
        %parallel_loop3A_406 = vector.broadcast %parallel_loop3A_405 : i32 to vector<16xi32>
        %parallel_loop3A_407 = arith.shrui %parallel_loop3A_404, %parallel_loop3A_406 : vector<16xi32>
        %parallel_loop3A_408 = arith.constant 127 : i32
        %parallel_loop3A_409 = vector.broadcast %parallel_loop3A_408 : i32 to vector<16xi32>
        %parallel_loop3A_410 = arith.andi %parallel_loop3A_404, %parallel_loop3A_409 : vector<16xi32>
        %parallel_loop3A_411 = tpu.vector_load_idx %arg6[%parallel_loop3A_407, %parallel_loop3A_410] : memref<782x128xf32, #tpu.memory_space<vmem>>[vector<16xi32>, vector<16xi32>], vector<16xf32>,
        %parallel_loop3A_412 = vector.broadcast %squeeze3A : f32 to vector<16xf32>
        %parallel_loop3A_413 = arith.mulf %parallel_loop3A_411, %parallel_loop3A_412 : vector<16xf32>
        %parallel_loop3A_414 = arith.constant 1 : i32
        %parallel_loop3A_415 = arith.index_cast %parallel_loop3A_414 : i32 to index
        %parallel_loop3A_416 = arith.index_cast %parallel_loop3A_308 : i32 to index
        %parallel_loop3A_417 = arith.constant 64 : index
        %parallel_loop3A_418 = tpu.vector_load %arg8[%parallel_loop3A_415, %parallel_loop3A_416, %parallel_loop3A_417] {strides = array<i32>} : memref<2x32x128xf32, #tpu.memory_space<vmem>>, vector<16xf32>,
        tpu.vector_store %arg8[%parallel_loop3A_415, %parallel_loop3A_416, %parallel_loop3A_417], %parallel_loop3A_413 {strides = array<i32>} : memref<2x32x128xf32, #tpu.memory_space<vmem>>, vector<16xf32>,
        %parallel_loop3A_419 = arith.constant 128 : i32
        %parallel_loop3A_420 = arith.muli %parallel_loop3A_308, %parallel_loop3A_419 : i32
        %parallel_loop3A_421 = arith.constant 80 : i32
        %parallel_loop3A_422 = arith.addi %parallel_loop3A_420, %parallel_loop3A_421 : i32
        %parallel_loop3A_423 = arith.constant 1 : i32
        %parallel_loop3A_424 = arith.index_cast %parallel_loop3A_423 : i32 to index
        %parallel_loop3A_425 = arith.index_cast %parallel_loop3A_422 : i32 to index
        %parallel_loop3A_426 = tpu.vector_load %arg7[%parallel_loop3A_424, %parallel_loop3A_425] {strides = array<i32>} : memref<2x4096xi32, #tpu.memory_space<vmem>>, vector<16xi32>,
        %parallel_loop3A_427 = arith.constant 7 : i32
        %parallel_loop3A_428 = vector.broadcast %parallel_loop3A_427 : i32 to vector<16xi32>
        %parallel_loop3A_429 = arith.shrui %parallel_loop3A_426, %parallel_loop3A_428 : vector<16xi32>
        %parallel_loop3A_430 = arith.constant 127 : i32
        %parallel_loop3A_431 = vector.broadcast %parallel_loop3A_430 : i32 to vector<16xi32>
        %parallel_loop3A_432 = arith.andi %parallel_loop3A_426, %parallel_loop3A_431 : vector<16xi32>
        %parallel_loop3A_433 = tpu.vector_load_idx %arg6[%parallel_loop3A_429, %parallel_loop3A_432] : memref<782x128xf32, #tpu.memory_space<vmem>>[vector<16xi32>, vector<16xi32>], vector<16xf32>,
        %parallel_loop3A_434 = vector.broadcast %squeeze3A : f32 to vector<16xf32>
        %parallel_loop3A_435 = arith.mulf %parallel_loop3A_433, %parallel_loop3A_434 : vector<16xf32>
        %parallel_loop3A_436 = arith.constant 1 : i32
        %parallel_loop3A_437 = arith.index_cast %parallel_loop3A_436 : i32 to index
        %parallel_loop3A_438 = arith.index_cast %parallel_loop3A_308 : i32 to index
        %parallel_loop3A_439 = arith.constant 80 : index
        %parallel_loop3A_440 = tpu.vector_load %arg8[%parallel_loop3A_437, %parallel_loop3A_438, %parallel_loop3A_439] {strides = array<i32>} : memref<2x32x128xf32, #tpu.memory_space<vmem>>, vector<16xf32>,
        tpu.vector_store %arg8[%parallel_loop3A_437, %parallel_loop3A_438, %parallel_loop3A_439], %parallel_loop3A_435 {strides = array<i32>} : memref<2x32x128xf32, #tpu.memory_space<vmem>>, vector<16xf32>,
        %parallel_loop3A_441 = arith.constant 128 : i32
        %parallel_loop3A_442 = arith.muli %parallel_loop3A_308, %parallel_loop3A_441 : i32
        %parallel_loop3A_443 = arith.constant 96 : i32
        %parallel_loop3A_444 = arith.addi %parallel_loop3A_442, %parallel_loop3A_443 : i32
        %parallel_loop3A_445 = arith.constant 1 : i32
        %parallel_loop3A_446 = arith.index_cast %parallel_loop3A_445 : i32 to index
        %parallel_loop3A_447 = arith.index_cast %parallel_loop3A_444 : i32 to index
        %parallel_loop3A_448 = tpu.vector_load %arg7[%parallel_loop3A_446, %parallel_loop3A_447] {strides = array<i32>} : memref<2x4096xi32, #tpu.memory_space<vmem>>, vector<16xi32>,
        %parallel_loop3A_449 = arith.constant 7 : i32
        %parallel_loop3A_450 = vector.broadcast %parallel_loop3A_449 : i32 to vector<16xi32>
        %parallel_loop3A_451 = arith.shrui %parallel_loop3A_448, %parallel_loop3A_450 : vector<16xi32>
        %parallel_loop3A_452 = arith.constant 127 : i32
        %parallel_loop3A_453 = vector.broadcast %parallel_loop3A_452 : i32 to vector<16xi32>
        %parallel_loop3A_454 = arith.andi %parallel_loop3A_448, %parallel_loop3A_453 : vector<16xi32>
        %parallel_loop3A_455 = tpu.vector_load_idx %arg6[%parallel_loop3A_451, %parallel_loop3A_454] : memref<782x128xf32, #tpu.memory_space<vmem>>[vector<16xi32>, vector<16xi32>], vector<16xf32>,
        %parallel_loop3A_456 = vector.broadcast %squeeze3A : f32 to vector<16xf32>
        %parallel_loop3A_457 = arith.mulf %parallel_loop3A_455, %parallel_loop3A_456 : vector<16xf32>
        %parallel_loop3A_458 = arith.constant 1 : i32
        %parallel_loop3A_459 = arith.index_cast %parallel_loop3A_458 : i32 to index
        %parallel_loop3A_460 = arith.index_cast %parallel_loop3A_308 : i32 to index
        %parallel_loop3A_461 = arith.constant 96 : index
        %parallel_loop3A_462 = tpu.vector_load %arg8[%parallel_loop3A_459, %parallel_loop3A_460, %parallel_loop3A_461] {strides = array<i32>} : memref<2x32x128xf32, #tpu.memory_space<vmem>>, vector<16xf32>,
        tpu.vector_store %arg8[%parallel_loop3A_459, %parallel_loop3A_460, %parallel_loop3A_461], %parallel_loop3A_457 {strides = array<i32>} : memref<2x32x128xf32, #tpu.memory_space<vmem>>, vector<16xf32>,
        %parallel_loop3A_463 = arith.constant 128 : i32
        %parallel_loop3A_464 = arith.muli %parallel_loop3A_308, %parallel_loop3A_463 : i32
        %parallel_loop3A_465 = arith.constant 112 : i32
        %parallel_loop3A_466 = arith.addi %parallel_loop3A_464, %parallel_loop3A_465 : i32
        %parallel_loop3A_467 = arith.constant 1 : i32
        %parallel_loop3A_468 = arith.index_cast %parallel_loop3A_467 : i32 to index
        %parallel_loop3A_469 = arith.index_cast %parallel_loop3A_466 : i32 to index
        %parallel_loop3A_470 = tpu.vector_load %arg7[%parallel_loop3A_468, %parallel_loop3A_469] {strides = array<i32>} : memref<2x4096xi32, #tpu.memory_space<vmem>>, vector<16xi32>,
        %parallel_loop3A_471 = arith.constant 7 : i32
        %parallel_loop3A_472 = vector.broadcast %parallel_loop3A_471 : i32 to vector<16xi32>
        %parallel_loop3A_473 = arith.shrui %parallel_loop3A_470, %parallel_loop3A_472 : vector<16xi32>
        %parallel_loop3A_474 = arith.constant 127 : i32
        %parallel_loop3A_475 = vector.broadcast %parallel_loop3A_474 : i32 to vector<16xi32>
        %parallel_loop3A_476 = arith.andi %parallel_loop3A_470, %parallel_loop3A_475 : vector<16xi32>
        %parallel_loop3A_477 = tpu.vector_load_idx %arg6[%parallel_loop3A_473, %parallel_loop3A_476] : memref<782x128xf32, #tpu.memory_space<vmem>>[vector<16xi32>, vector<16xi32>], vector<16xf32>,
        %parallel_loop3A_478 = vector.broadcast %squeeze3A : f32 to vector<16xf32>
        %parallel_loop3A_479 = arith.mulf %parallel_loop3A_477, %parallel_loop3A_478 : vector<16xf32>
        %parallel_loop3A_480 = arith.constant 1 : i32
        %parallel_loop3A_481 = arith.index_cast %parallel_loop3A_480 : i32 to index
        %parallel_loop3A_482 = arith.index_cast %parallel_loop3A_308 : i32 to index
        %parallel_loop3A_483 = arith.constant 112 : index
        %parallel_loop3A_484 = tpu.vector_load %arg8[%parallel_loop3A_481, %parallel_loop3A_482, %parallel_loop3A_483] {strides = array<i32>} : memref<2x32x128xf32, #tpu.memory_space<vmem>>, vector<16xf32>,
        tpu.vector_store %arg8[%parallel_loop3A_481, %parallel_loop3A_482, %parallel_loop3A_483], %parallel_loop3A_479 {strides = array<i32>} : memref<2x32x128xf32, #tpu.memory_space<vmem>>, vector<16xf32>,
      } {sc.loop_unroll_factor = 16 : i64, sc.parallel_access}
      %dma_start3A_284 = arith.constant 1 : i32
      %dma_start3A_285 = arith.constant 0 : i32
      %dma_start3A_286 = arith.constant 0 : i32
      %dma_start3A_287 = tpu.memref_slice %arg8[%dma_start3A_284, %dma_start3A_285, %dma_start3A_286] : memref<2x32x128xf32, #tpu.memory_space<vmem>> -> memref<1x32x128xf32, #tpu.memory_space<vmem>>
      %dma_start3A_288 = tpu.memref_squeeze %dma_start3A_287 : memref<1x32x128xf32, #tpu.memory_space<vmem>> -> memref<32x128xf32, #tpu.memory_space<vmem>>
      %dma_start3A_289 = arith.constant 0 : i32
      %dma_start3A_290 = arith.constant 0 : i32
      %dma_start3A_291 = tpu.memref_slice %arg5[%add3A_265, %select_n3A, %dma_start3A_289, %rem3A_21, %dma_start3A_290] : memref<50x8x32x8x128xf32, #tpu.memory_space<hbm>> -> memref<1x1x32x1x128xf32, #tpu.memory_space<hbm>>
      %dma_start3A_292 = tpu.memref_squeeze %dma_start3A_291 : memref<1x1x32x1x128xf32, #tpu.memory_space<hbm>> -> memref<32x128xf32, #tpu.memory_space<hbm>>
      %dma_start3A_293 = arith.constant 0 : i32
      %dma_start3A_294 = arith.constant 0 : i32
      %dma_start3A_295 = tpu.memref_slice %arg5[%add3A_265, %select_n3A, %dma_start3A_293, %rem3A_21, %dma_start3A_294] : memref<50x8x32x8x128xf32, #tpu.memory_space<hbm>> -> memref<1x1x32x1x128xf32, #tpu.memory_space<hbm>>
      %dma_start3A_296 = tpu.memref_squeeze %dma_start3A_295 : memref<1x1x32x1x128xf32, #tpu.memory_space<hbm>> -> memref<32x128xf32, #tpu.memory_space<hbm>>
      %dma_start3A_297 = arith.constant 0 : i32
      %dma_start3A_298 = arith.constant 0 : i32
      %dma_start3A_299 = tpu.memref_slice %arg8[%dma_start3A_284, %dma_start3A_297, %dma_start3A_298] : memref<2x32x128xf32, #tpu.memory_space<vmem>> -> memref<1x32x128xf32, #tpu.memory_space<vmem>>
      %dma_start3A_300 = tpu.memref_squeeze %dma_start3A_299 : memref<1x32x128xf32, #tpu.memory_space<vmem>> -> memref<32x128xf32, #tpu.memory_space<vmem>>
      tpu.enqueue_dma source(%dma_start3A_300 : memref<32x128xf32, #tpu.memory_space<vmem>>) target(%dma_start3A_296 : memref<32x128xf32, #tpu.memory_space<hbm>>) target_semaphore(%arg12 : memref<!tpu.dma_semaphore, #tpu.memory_space<semaphore_mem>>)
      %add3A_301 = arith.constant 1 : i32
      %add3A_302 = arith.addi %add3A_265, %add3A_301 : i32
      %lt3A_303 = arith.constant 50 : i32
      %lt3A_304 = arith.cmpi slt, %add3A_302, %lt3A_303 : i32
      %convert_element_type3A_305 = arith.extui %lt3A_304 : i1 to i32
      %cond3A_306 = arith.constant 0 : i32
      %cond3A_307 = arith.cmpi ne, %convert_element_type3A_305, %cond3A_306 : i32
      scf.if %cond3A_307 {
        %add3A_308 = arith.constant 1 : i32
        %add3A_309 = arith.addi %add3A_265, %add3A_308 : i32
        %dma_wait3A_310 = arith.constant 0 : i32
        %dma_wait3A_311 = arith.constant 0 : i32
        %dma_wait3A_312 = tpu.memref_slice %arg7[%dma_wait3A_310, %dma_wait3A_311] : memref<2x4096xi32, #tpu.memory_space<vmem>> -> memref<1x4096xi32, #tpu.memory_space<vmem>>
        %dma_wait3A_313 = tpu.memref_squeeze %dma_wait3A_312 : memref<1x4096xi32, #tpu.memory_space<vmem>> -> memref<4096xi32, #tpu.memory_space<vmem>>
        %dma_wait3A_314 = arith.constant 0 : i32
        %dma_wait3A_315 = tpu.memref_slice %arg9[%add3A_309, %dma_wait3A_314] : memref<50x4096xi32, #tpu.memory_space<vmem_shared>> -> memref<1x4096xi32, #tpu.memory_space<vmem_shared>>
        %dma_wait3A_316 = tpu.memref_squeeze %dma_wait3A_315 : memref<1x4096xi32, #tpu.memory_space<vmem_shared>> -> memref<4096xi32, #tpu.memory_space<vmem_shared>>
        %dma_wait3A_317 = arith.constant 0 : i32
        %dma_wait3A_318 = tpu.memref_slice %arg7[%dma_wait3A_310, %dma_wait3A_317] : memref<2x4096xi32, #tpu.memory_space<vmem>> -> memref<1x4096xi32, #tpu.memory_space<vmem>>
        %dma_wait3A_319 = tpu.memref_squeeze %dma_wait3A_318 : memref<1x4096xi32, #tpu.memory_space<vmem>> -> memref<4096xi32, #tpu.memory_space<vmem>>
        %dma_wait3A_320 = arith.constant 0 : i32
        %dma_wait3A_321 = tpu.memref_slice %arg9[%add3A_309, %dma_wait3A_320] : memref<50x4096xi32, #tpu.memory_space<vmem_shared>> -> memref<1x4096xi32, #tpu.memory_space<vmem_shared>>
        %dma_wait3A_322 = tpu.memref_squeeze %dma_wait3A_321 : memref<1x4096xi32, #tpu.memory_space<vmem_shared>> -> memref<4096xi32, #tpu.memory_space<vmem_shared>>
        tpu.wait_dma2 semaphore(%arg11 : memref<!tpu.dma_semaphore, #tpu.memory_space<semaphore_mem>>) src(%dma_wait3A_322 : memref<4096xi32, #tpu.memory_space<vmem_shared>>) dst(%dma_wait3A_319 : memref<4096xi32, #tpu.memory_space<vmem>>)
      } else {
      }
    }
    %scan3A_67 = arith.constant 25 : i32
    %dma_wait3A_68 = arith.constant 0 : i32
    %dma_wait3A_69 = arith.constant 48 : i32
    %dma_wait3A_70 = arith.constant 0 : i32
    %dma_wait3A_71 = arith.constant 0 : i32
    %dma_wait3A_72 = tpu.memref_slice %arg8[%dma_wait3A_68, %dma_wait3A_70, %dma_wait3A_71] : memref<2x32x128xf32, #tpu.memory_space<vmem>> -> memref<1x32x128xf32, #tpu.memory_space<vmem>>
    %dma_wait3A_73 = tpu.memref_squeeze %dma_wait3A_72 : memref<1x32x128xf32, #tpu.memory_space<vmem>> -> memref<32x128xf32, #tpu.memory_space<vmem>>
    %dma_wait3A_74 = arith.constant 0 : i32
    %dma_wait3A_75 = arith.constant 0 : i32
    %dma_wait3A_76 = tpu.memref_slice %arg5[%dma_wait3A_69, %select_n3A, %dma_wait3A_74, %rem3A_21, %dma_wait3A_75] : memref<50x8x32x8x128xf32, #tpu.memory_space<hbm>> -> memref<1x1x32x1x128xf32, #tpu.memory_space<hbm>>
    %dma_wait3A_77 = tpu.memref_squeeze %dma_wait3A_76 : memref<1x1x32x1x128xf32, #tpu.memory_space<hbm>> -> memref<32x128xf32, #tpu.memory_space<hbm>>
    %dma_wait3A_78 = arith.constant 0 : i32
    %dma_wait3A_79 = arith.constant 0 : i32
    %dma_wait3A_80 = tpu.memref_slice %arg5[%dma_wait3A_69, %select_n3A, %dma_wait3A_78, %rem3A_21, %dma_wait3A_79] : memref<50x8x32x8x128xf32, #tpu.memory_space<hbm>> -> memref<1x1x32x1x128xf32, #tpu.memory_space<hbm>>
    %dma_wait3A_81 = tpu.memref_squeeze %dma_wait3A_80 : memref<1x1x32x1x128xf32, #tpu.memory_space<hbm>> -> memref<32x128xf32, #tpu.memory_space<hbm>>
    %dma_wait3A_82 = arith.constant 0 : i32
    %dma_wait3A_83 = arith.constant 0 : i32
    %dma_wait3A_84 = tpu.memref_slice %arg8[%dma_wait3A_68, %dma_wait3A_82, %dma_wait3A_83] : memref<2x32x128xf32, #tpu.memory_space<vmem>> -> memref<1x32x128xf32, #tpu.memory_space<vmem>>
    %dma_wait3A_85 = tpu.memref_squeeze %dma_wait3A_84 : memref<1x32x128xf32, #tpu.memory_space<vmem>> -> memref<32x128xf32, #tpu.memory_space<vmem>>
    tpu.wait_dma2 semaphore(%arg12 : memref<!tpu.dma_semaphore, #tpu.memory_space<semaphore_mem>>) src(%dma_wait3A_85 : memref<32x128xf32, #tpu.memory_space<vmem>>) dst(%dma_wait3A_81 : memref<32x128xf32, #tpu.memory_space<hbm>>)
    %dma_wait3A_86 = arith.constant 1 : i32
    %dma_wait3A_87 = arith.constant 49 : i32
    %dma_wait3A_88 = arith.constant 0 : i32
    %dma_wait3A_89 = arith.constant 0 : i32
    %dma_wait3A_90 = tpu.memref_slice %arg8[%dma_wait3A_86, %dma_wait3A_88, %dma_wait3A_89] : memref<2x32x128xf32, #tpu.memory_space<vmem>> -> memref<1x32x128xf32, #tpu.memory_space<vmem>>
    %dma_wait3A_91 = tpu.memref_squeeze %dma_wait3A_90 : memref<1x32x128xf32, #tpu.memory_space<vmem>> -> memref<32x128xf32, #tpu.memory_space<vmem>>
    %dma_wait3A_92 = arith.constant 0 : i32
    %dma_wait3A_93 = arith.constant 0 : i32
    %dma_wait3A_94 = tpu.memref_slice %arg5[%dma_wait3A_87, %select_n3A, %dma_wait3A_92, %rem3A_21, %dma_wait3A_93] : memref<50x8x32x8x128xf32, #tpu.memory_space<hbm>> -> memref<1x1x32x1x128xf32, #tpu.memory_space<hbm>>
    %dma_wait3A_95 = tpu.memref_squeeze %dma_wait3A_94 : memref<1x1x32x1x128xf32, #tpu.memory_space<hbm>> -> memref<32x128xf32, #tpu.memory_space<hbm>>
    %dma_wait3A_96 = arith.constant 0 : i32
    %dma_wait3A_97 = arith.constant 0 : i32
    %dma_wait3A_98 = tpu.memref_slice %arg5[%dma_wait3A_87, %select_n3A, %dma_wait3A_96, %rem3A_21, %dma_wait3A_97] : memref<50x8x32x8x128xf32, #tpu.memory_space<hbm>> -> memref<1x1x32x1x128xf32, #tpu.memory_space<hbm>>
    %dma_wait3A_99 = tpu.memref_squeeze %dma_wait3A_98 : memref<1x1x32x1x128xf32, #tpu.memory_space<hbm>> -> memref<32x128xf32, #tpu.memory_space<hbm>>
    %dma_wait3A_100 = arith.constant 0 : i32
    %dma_wait3A_101 = arith.constant 0 : i32
    %dma_wait3A_102 = tpu.memref_slice %arg8[%dma_wait3A_86, %dma_wait3A_100, %dma_wait3A_101] : memref<2x32x128xf32, #tpu.memory_space<vmem>> -> memref<1x32x128xf32, #tpu.memory_space<vmem>>
    %dma_wait3A_103 = tpu.memref_squeeze %dma_wait3A_102 : memref<1x32x128xf32, #tpu.memory_space<vmem>> -> memref<32x128xf32, #tpu.memory_space<vmem>>
    tpu.wait_dma2 semaphore(%arg12 : memref<!tpu.dma_semaphore, #tpu.memory_space<semaphore_mem>>) src(%dma_wait3A_103 : memref<32x128xf32, #tpu.memory_space<vmem>>) dst(%dma_wait3A_99 : memref<32x128xf32, #tpu.memory_space<hbm>>)
    %add3A_104 = arith.constant 32 : i32
    %add3A_105 = arith.addi %add3A, %add3A_104 : i32
    %jit3A_106 = arith.constant 8 : i32
    %div3A_107 = arith.divsi %add3A_105, %jit3A_106 : i32
    %sign3A_108 = arith.constant 0 : i32
    %sign3A_109 = arith.cmpi sgt, %add3A_105, %sign3A_108 : i32
    %sign3A_110 = arith.extui %sign3A_109 : i1 to i32
    %sign3A_111 = arith.constant 0 : i32
    %sign3A_112 = arith.cmpi slt, %add3A_105, %sign3A_111 : i32
    %sign3A_113 = arith.extui %sign3A_112 : i1 to i32
    %sign3A_114 = arith.subi %sign3A_110, %sign3A_113 : i32
    %sign3A_115 = arith.constant 0 : i32
    %sign3A_116 = arith.cmpi sgt, %jit3A_106, %sign3A_115 : i32
    %sign3A_117 = arith.extui %sign3A_116 : i1 to i32
    %sign3A_118 = arith.constant 0 : i32
    %sign3A_119 = arith.cmpi slt, %jit3A_106, %sign3A_118 : i32
    %sign3A_120 = arith.extui %sign3A_119 : i1 to i32
    %sign3A_121 = arith.subi %sign3A_117, %sign3A_120 : i32
    %ne3A_122 = arith.cmpi ne, %sign3A_114, %sign3A_121 : i32
    %rem3A_123 = arith.remsi %add3A_105, %jit3A_106 : i32
    %ne3A_124 = arith.constant 0 : i32
    %ne3A_125 = arith.cmpi ne, %rem3A_123, %ne3A_124 : i32
    %and3A_126 = arith.andi %ne3A_122, %ne3A_125 : i1
    %sub3A_127 = arith.constant 1 : i32
    %sub3A_128 = arith.subi %div3A_107, %sub3A_127 : i32
    %select_n3A_129 = arith.select %and3A_126, %sub3A_128, %div3A_107 : i32
    %rem3A_130 = arith.constant 8 : i32
    %rem3A_131 = arith.remsi %add3A_105, %rem3A_130 : i32
    %dma_start3A_132 = arith.constant 0 : i32
    %dma_start3A_133 = arith.constant 0 : i32
    %dma_start3A_134 = tpu.memref_slice %arg2[%select_n3A_129, %dma_start3A_132, %rem3A_131, %dma_start3A_133] : memref<8x782x8x128xf32, #tpu.memory_space<hbm>> -> memref<1x782x1x128xf32, #tpu.memory_space<hbm>>
    %dma_start3A_135 = tpu.memref_squeeze %dma_start3A_134 : memref<1x782x1x128xf32, #tpu.memory_space<hbm>> -> memref<782x128xf32, #tpu.memory_space<hbm>>
    %dma_start3A_136 = arith.constant 0 : i32
    %dma_start3A_137 = arith.constant 0 : i32
    %dma_start3A_138 = tpu.memref_slice %arg2[%select_n3A_129, %dma_start3A_136, %rem3A_131, %dma_start3A_137] : memref<8x782x8x128xf32, #tpu.memory_space<hbm>> -> memref<1x782x1x128xf32, #tpu.memory_space<hbm>>
    %dma_start3A_139 = tpu.memref_squeeze %dma_start3A_138 : memref<1x782x1x128xf32, #tpu.memory_space<hbm>> -> memref<782x128xf32, #tpu.memory_space<hbm>>
    tpu.enqueue_dma source(%dma_start3A_139 : memref<782x128xf32, #tpu.memory_space<hbm>>) target(%arg6 : memref<782x128xf32, #tpu.memory_space<vmem>>) target_semaphore(%arg10 : memref<!tpu.dma_semaphore, #tpu.memory_space<semaphore_mem>>)
    %dma_wait3A_140 = arith.constant 0 : i32
    %dma_wait3A_141 = arith.constant 0 : i32
    %dma_wait3A_142 = tpu.memref_slice %arg2[%select_n3A_129, %dma_wait3A_140, %rem3A_131, %dma_wait3A_141] : memref<8x782x8x128xf32, #tpu.memory_space<hbm>> -> memref<1x782x1x128xf32, #tpu.memory_space<hbm>>
    %dma_wait3A_143 = tpu.memref_squeeze %dma_wait3A_142 : memref<1x782x1x128xf32, #tpu.memory_space<hbm>> -> memref<782x128xf32, #tpu.memory_space<hbm>>
    %dma_wait3A_144 = arith.constant 0 : i32
    %dma_wait3A_145 = arith.constant 0 : i32
    %dma_wait3A_146 = tpu.memref_slice %arg2[%select_n3A_129, %dma_wait3A_144, %rem3A_131, %dma_wait3A_145] : memref<8x782x8x128xf32, #tpu.memory_space<hbm>> -> memref<1x782x1x128xf32, #tpu.memory_space<hbm>>
    %dma_wait3A_147 = tpu.memref_squeeze %dma_wait3A_146 : memref<1x782x1x128xf32, #tpu.memory_space<hbm>> -> memref<782x128xf32, #tpu.memory_space<hbm>>
    tpu.wait_dma2 semaphore(%arg10 : memref<!tpu.dma_semaphore, #tpu.memory_space<semaphore_mem>>) src(%dma_wait3A_147 : memref<782x128xf32, #tpu.memory_space<hbm>>) dst(%arg6 : memref<782x128xf32, #tpu.memory_space<vmem>>)
    %dma_start3A_148 = arith.constant 0 : i32
    %dma_start3A_149 = arith.constant 0 : i32
    %dma_start3A_150 = arith.constant 0 : i32
    %dma_start3A_151 = tpu.memref_slice %arg7[%dma_start3A_149, %dma_start3A_150] : memref<2x4096xi32, #tpu.memory_space<vmem>> -> memref<1x4096xi32, #tpu.memory_space<vmem>>
    %dma_start3A_152 = tpu.memref_squeeze %dma_start3A_151 : memref<1x4096xi32, #tpu.memory_space<vmem>> -> memref<4096xi32, #tpu.memory_space<vmem>>
    %dma_start3A_153 = arith.constant 0 : i32
    %dma_start3A_154 = tpu.memref_slice %arg9[%dma_start3A_148, %dma_start3A_153] : memref<50x4096xi32, #tpu.memory_space<vmem_shared>> -> memref<1x4096xi32, #tpu.memory_space<vmem_shared>>
    %dma_start3A_155 = tpu.memref_squeeze %dma_start3A_154 : memref<1x4096xi32, #tpu.memory_space<vmem_shared>> -> memref<4096xi32, #tpu.memory_space<vmem_shared>>
    %dma_start3A_156 = arith.constant 0 : i32
    %dma_start3A_157 = tpu.memref_slice %arg7[%dma_start3A_149, %dma_start3A_156] : memref<2x4096xi32, #tpu.memory_space<vmem>> -> memref<1x4096xi32, #tpu.memory_space<vmem>>
    %dma_start3A_158 = tpu.memref_squeeze %dma_start3A_157 : memref<1x4096xi32, #tpu.memory_space<vmem>> -> memref<4096xi32, #tpu.memory_space<vmem>>
    %dma_start3A_159 = arith.constant 0 : i32
    %dma_start3A_160 = tpu.memref_slice %arg9[%dma_start3A_148, %dma_start3A_159] : memref<50x4096xi32, #tpu.memory_space<vmem_shared>> -> memref<1x4096xi32, #tpu.memory_space<vmem_shared>>
    %dma_start3A_161 = tpu.memref_squeeze %dma_start3A_160 : memref<1x4096xi32, #tpu.memory_space<vmem_shared>> -> memref<4096xi32, #tpu.memory_space<vmem_shared>>
    tpu.enqueue_dma source(%dma_start3A_161 : memref<4096xi32, #tpu.memory_space<vmem_shared>>) target(%dma_start3A_158 : memref<4096xi32, #tpu.memory_space<vmem>>) target_semaphore(%arg11 : memref<!tpu.dma_semaphore, #tpu.memory_space<semaphore_mem>>)
    %dma_wait3A_162 = arith.constant 0 : i32
    %dma_wait3A_163 = arith.constant 0 : i32
    %dma_wait3A_164 = arith.constant 0 : i32
    %dma_wait3A_165 = tpu.memref_slice %arg7[%dma_wait3A_163, %dma_wait3A_164] : memref<2x4096xi32, #tpu.memory_space<vmem>> -> memref<1x4096xi32, #tpu.memory_space<vmem>>
    %dma_wait3A_166 = tpu.memref_squeeze %dma_wait3A_165 : memref<1x4096xi32, #tpu.memory_space<vmem>> -> memref<4096xi32, #tpu.memory_space<vmem>>
    %dma_wait3A_167 = arith.constant 0 : i32
    %dma_wait3A_168 = tpu.memref_slice %arg9[%dma_wait3A_162, %dma_wait3A_167] : memref<50x4096xi32, #tpu.memory_space<vmem_shared>> -> memref<1x4096xi32, #tpu.memory_space<vmem_shared>>
    %dma_wait3A_169 = tpu.memref_squeeze %dma_wait3A_168 : memref<1x4096xi32, #tpu.memory_space<vmem_shared>> -> memref<4096xi32, #tpu.memory_space<vmem_shared>>
    %dma_wait3A_170 = arith.constant 0 : i32
    %dma_wait3A_171 = tpu.memref_slice %arg7[%dma_wait3A_163, %dma_wait3A_170] : memref<2x4096xi32, #tpu.memory_space<vmem>> -> memref<1x4096xi32, #tpu.memory_space<vmem>>
    %dma_wait3A_172 = tpu.memref_squeeze %dma_wait3A_171 : memref<1x4096xi32, #tpu.memory_space<vmem>> -> memref<4096xi32, #tpu.memory_space<vmem>>
    %dma_wait3A_173 = arith.constant 0 : i32
    %dma_wait3A_174 = tpu.memref_slice %arg9[%dma_wait3A_162, %dma_wait3A_173] : memref<50x4096xi32, #tpu.memory_space<vmem_shared>> -> memref<1x4096xi32, #tpu.memory_space<vmem_shared>>
    %dma_wait3A_175 = tpu.memref_squeeze %dma_wait3A_174 : memref<1x4096xi32, #tpu.memory_space<vmem_shared>> -> memref<4096xi32, #tpu.memory_space<vmem_shared>>
    tpu.wait_dma2 semaphore(%arg11 : memref<!tpu.dma_semaphore, #tpu.memory_space<semaphore_mem>>) src(%dma_wait3A_175 : memref<4096xi32, #tpu.memory_space<vmem_shared>>) dst(%dma_wait3A_172 : memref<4096xi32, #tpu.memory_space<vmem>>)
    %scan3A_176 = arith.constant 0 : i32
    %scan3A_177 = arith.constant 25 : i32
    %scan3A_178 = arith.addi %scan3A_176, %scan3A_177 : i32
    %scan3A_179 = arith.constant 1 : i32
    scf.for %scan3A_217 = %scan3A_176 to %scan3A_178 step %scan3A_179  : i32 {
      %mul3A_218 = arith.constant 2 : i32
      %mul3A_219 = arith.muli %scan3A_217, %mul3A_218 : i32
      %add3A_220 = arith.constant 0 : i32
      %add3A_221 = arith.addi %add3A_220, %mul3A_219 : i32
      %add3A_222 = arith.constant 0 : i32
      %add3A_223 = arith.addi %add3A_221, %add3A_222 : i32
      %add3A_224 = arith.constant 1 : i32
      %add3A_225 = arith.addi %add3A_223, %add3A_224 : i32
      %add3A_226 = arith.constant 1 : i32
      %add3A_227 = arith.addi %add3A_223, %add3A_226 : i32
      %lt3A_228 = arith.constant 50 : i32
      %lt3A_229 = arith.cmpi slt, %add3A_227, %lt3A_228 : i32
      %convert_element_type3A_230 = arith.extui %lt3A_229 : i1 to i32
      %cond3A_231 = arith.constant 1 : i32
      %cond3A_232 = arith.constant 0 : i32
      %cond3A_233 = arith.cmpi ne, %convert_element_type3A_230, %cond3A_232 : i32
      scf.if %cond3A_233 {
        %dma_start3A_308 = arith.constant 0 : i32
        %dma_start3A_309 = tpu.memref_slice %arg7[%cond3A_231, %dma_start3A_308] : memref<2x4096xi32, #tpu.memory_space<vmem>> -> memref<1x4096xi32, #tpu.memory_space<vmem>>
        %dma_start3A_310 = tpu.memref_squeeze %dma_start3A_309 : memref<1x4096xi32, #tpu.memory_space<vmem>> -> memref<4096xi32, #tpu.memory_space<vmem>>
        %dma_start3A_311 = arith.constant 0 : i32
        %dma_start3A_312 = tpu.memref_slice %arg9[%add3A_225, %dma_start3A_311] : memref<50x4096xi32, #tpu.memory_space<vmem_shared>> -> memref<1x4096xi32, #tpu.memory_space<vmem_shared>>
        %dma_start3A_313 = tpu.memref_squeeze %dma_start3A_312 : memref<1x4096xi32, #tpu.memory_space<vmem_shared>> -> memref<4096xi32, #tpu.memory_space<vmem_shared>>
        %dma_start3A_314 = arith.constant 0 : i32
        %dma_start3A_315 = tpu.memref_slice %arg7[%cond3A_231, %dma_start3A_314] : memref<2x4096xi32, #tpu.memory_space<vmem>> -> memref<1x4096xi32, #tpu.memory_space<vmem>>
        %dma_start3A_316 = tpu.memref_squeeze %dma_start3A_315 : memref<1x4096xi32, #tpu.memory_space<vmem>> -> memref<4096xi32, #tpu.memory_space<vmem>>
        %dma_start3A_317 = arith.constant 0 : i32
        %dma_start3A_318 = tpu.memref_slice %arg9[%add3A_225, %dma_start3A_317] : memref<50x4096xi32, #tpu.memory_space<vmem_shared>> -> memref<1x4096xi32, #tpu.memory_space<vmem_shared>>
        %dma_start3A_319 = tpu.memref_squeeze %dma_start3A_318 : memref<1x4096xi32, #tpu.memory_space<vmem_shared>> -> memref<4096xi32, #tpu.memory_space<vmem_shared>>
        tpu.enqueue_dma source(%dma_start3A_319 : memref<4096xi32, #tpu.memory_space<vmem_shared>>) target(%dma_start3A_316 : memref<4096xi32, #tpu.memory_space<vmem>>) target_semaphore(%arg11 : memref<!tpu.dma_semaphore, #tpu.memory_space<semaphore_mem>>)
      } else {
      }
      %ge3A = arith.constant 2 : i32
      %ge3A_234 = arith.cmpi sge, %add3A_223, %ge3A : i32
      %convert_element_type3A_235 = arith.extui %ge3A_234 : i1 to i32
      %cond3A_236 = arith.constant 0 : i32
      %cond3A_237 = arith.cmpi ne, %convert_element_type3A_235, %cond3A_236 : i32
      scf.if %cond3A_237 {
        %sub3A_308 = arith.constant 2 : i32
        %sub3A_309 = arith.subi %add3A_223, %sub3A_308 : i32
        %dma_wait3A_310 = arith.constant 0 : i32
        %dma_wait3A_311 = arith.constant 0 : i32
        %dma_wait3A_312 = arith.constant 0 : i32
        %dma_wait3A_313 = tpu.memref_slice %arg8[%dma_wait3A_310, %dma_wait3A_311, %dma_wait3A_312] : memref<2x32x128xf32, #tpu.memory_space<vmem>> -> memref<1x32x128xf32, #tpu.memory_space<vmem>>
        %dma_wait3A_314 = tpu.memref_squeeze %dma_wait3A_313 : memref<1x32x128xf32, #tpu.memory_space<vmem>> -> memref<32x128xf32, #tpu.memory_space<vmem>>
        %dma_wait3A_315 = arith.constant 0 : i32
        %dma_wait3A_316 = arith.constant 0 : i32
        %dma_wait3A_317 = tpu.memref_slice %arg5[%sub3A_309, %select_n3A_129, %dma_wait3A_315, %rem3A_131, %dma_wait3A_316] : memref<50x8x32x8x128xf32, #tpu.memory_space<hbm>> -> memref<1x1x32x1x128xf32, #tpu.memory_space<hbm>>
        %dma_wait3A_318 = tpu.memref_squeeze %dma_wait3A_317 : memref<1x1x32x1x128xf32, #tpu.memory_space<hbm>> -> memref<32x128xf32, #tpu.memory_space<hbm>>
        %dma_wait3A_319 = arith.constant 0 : i32
        %dma_wait3A_320 = arith.constant 0 : i32
        %dma_wait3A_321 = tpu.memref_slice %arg5[%sub3A_309, %select_n3A_129, %dma_wait3A_319, %rem3A_131, %dma_wait3A_320] : memref<50x8x32x8x128xf32, #tpu.memory_space<hbm>> -> memref<1x1x32x1x128xf32, #tpu.memory_space<hbm>>
        %dma_wait3A_322 = tpu.memref_squeeze %dma_wait3A_321 : memref<1x1x32x1x128xf32, #tpu.memory_space<hbm>> -> memref<32x128xf32, #tpu.memory_space<hbm>>
        %dma_wait3A_323 = arith.constant 0 : i32
        %dma_wait3A_324 = arith.constant 0 : i32
        %dma_wait3A_325 = tpu.memref_slice %arg8[%dma_wait3A_310, %dma_wait3A_323, %dma_wait3A_324] : memref<2x32x128xf32, #tpu.memory_space<vmem>> -> memref<1x32x128xf32, #tpu.memory_space<vmem>>
        %dma_wait3A_326 = tpu.memref_squeeze %dma_wait3A_325 : memref<1x32x128xf32, #tpu.memory_space<vmem>> -> memref<32x128xf32, #tpu.memory_space<vmem>>
        tpu.wait_dma2 semaphore(%arg12 : memref<!tpu.dma_semaphore, #tpu.memory_space<semaphore_mem>>) src(%dma_wait3A_326 : memref<32x128xf32, #tpu.memory_space<vmem>>) dst(%dma_wait3A_322 : memref<32x128xf32, #tpu.memory_space<hbm>>)
      } else {
      }
      %parallel_loop3A = arith.constant 0 : i32
      %parallel_loop3A_238 = arith.constant 32 : i32
      %parallel_loop3A_239 = arith.constant 1 : i32
      scf.for %parallel_loop3A_308 = %parallel_loop3A to %parallel_loop3A_238 step %parallel_loop3A_239  : i32 {
        %parallel_loop3A_309 = arith.constant 128 : i32
        %parallel_loop3A_310 = arith.muli %parallel_loop3A_308, %parallel_loop3A_309 : i32
        %parallel_loop3A_311 = arith.constant 0 : i32
        %parallel_loop3A_312 = arith.addi %parallel_loop3A_310, %parallel_loop3A_311 : i32
        %parallel_loop3A_313 = arith.constant 0 : i32
        %parallel_loop3A_314 = arith.index_cast %parallel_loop3A_313 : i32 to index
        %parallel_loop3A_315 = arith.index_cast %parallel_loop3A_312 : i32 to index
        %parallel_loop3A_316 = tpu.vector_load %arg7[%parallel_loop3A_314, %parallel_loop3A_315] {strides = array<i32>} : memref<2x4096xi32, #tpu.memory_space<vmem>>, vector<16xi32>,
        %parallel_loop3A_317 = arith.constant 7 : i32
        %parallel_loop3A_318 = vector.broadcast %parallel_loop3A_317 : i32 to vector<16xi32>
        %parallel_loop3A_319 = arith.shrui %parallel_loop3A_316, %parallel_loop3A_318 : vector<16xi32>
        %parallel_loop3A_320 = arith.constant 127 : i32
        %parallel_loop3A_321 = vector.broadcast %parallel_loop3A_320 : i32 to vector<16xi32>
        %parallel_loop3A_322 = arith.andi %parallel_loop3A_316, %parallel_loop3A_321 : vector<16xi32>
        %parallel_loop3A_323 = tpu.vector_load_idx %arg6[%parallel_loop3A_319, %parallel_loop3A_322] : memref<782x128xf32, #tpu.memory_space<vmem>>[vector<16xi32>, vector<16xi32>], vector<16xf32>,
        %parallel_loop3A_324 = vector.broadcast %squeeze3A : f32 to vector<16xf32>
        %parallel_loop3A_325 = arith.mulf %parallel_loop3A_323, %parallel_loop3A_324 : vector<16xf32>
        %parallel_loop3A_326 = arith.constant 0 : i32
        %parallel_loop3A_327 = arith.index_cast %parallel_loop3A_326 : i32 to index
        %parallel_loop3A_328 = arith.index_cast %parallel_loop3A_308 : i32 to index
        %parallel_loop3A_329 = arith.constant 0 : index
        %parallel_loop3A_330 = tpu.vector_load %arg8[%parallel_loop3A_327, %parallel_loop3A_328, %parallel_loop3A_329] {strides = array<i32>} : memref<2x32x128xf32, #tpu.memory_space<vmem>>, vector<16xf32>,
        tpu.vector_store %arg8[%parallel_loop3A_327, %parallel_loop3A_328, %parallel_loop3A_329], %parallel_loop3A_325 {strides = array<i32>} : memref<2x32x128xf32, #tpu.memory_space<vmem>>, vector<16xf32>,
        %parallel_loop3A_331 = arith.constant 128 : i32
        %parallel_loop3A_332 = arith.muli %parallel_loop3A_308, %parallel_loop3A_331 : i32
        %parallel_loop3A_333 = arith.constant 16 : i32
        %parallel_loop3A_334 = arith.addi %parallel_loop3A_332, %parallel_loop3A_333 : i32
        %parallel_loop3A_335 = arith.constant 0 : i32
        %parallel_loop3A_336 = arith.index_cast %parallel_loop3A_335 : i32 to index
        %parallel_loop3A_337 = arith.index_cast %parallel_loop3A_334 : i32 to index
        %parallel_loop3A_338 = tpu.vector_load %arg7[%parallel_loop3A_336, %parallel_loop3A_337] {strides = array<i32>} : memref<2x4096xi32, #tpu.memory_space<vmem>>, vector<16xi32>,
        %parallel_loop3A_339 = arith.constant 7 : i32
        %parallel_loop3A_340 = vector.broadcast %parallel_loop3A_339 : i32 to vector<16xi32>
        %parallel_loop3A_341 = arith.shrui %parallel_loop3A_338, %parallel_loop3A_340 : vector<16xi32>
        %parallel_loop3A_342 = arith.constant 127 : i32
        %parallel_loop3A_343 = vector.broadcast %parallel_loop3A_342 : i32 to vector<16xi32>
        %parallel_loop3A_344 = arith.andi %parallel_loop3A_338, %parallel_loop3A_343 : vector<16xi32>
        %parallel_loop3A_345 = tpu.vector_load_idx %arg6[%parallel_loop3A_341, %parallel_loop3A_344] : memref<782x128xf32, #tpu.memory_space<vmem>>[vector<16xi32>, vector<16xi32>], vector<16xf32>,
        %parallel_loop3A_346 = vector.broadcast %squeeze3A : f32 to vector<16xf32>
        %parallel_loop3A_347 = arith.mulf %parallel_loop3A_345, %parallel_loop3A_346 : vector<16xf32>
        %parallel_loop3A_348 = arith.constant 0 : i32
        %parallel_loop3A_349 = arith.index_cast %parallel_loop3A_348 : i32 to index
        %parallel_loop3A_350 = arith.index_cast %parallel_loop3A_308 : i32 to index
        %parallel_loop3A_351 = arith.constant 16 : index
        %parallel_loop3A_352 = tpu.vector_load %arg8[%parallel_loop3A_349, %parallel_loop3A_350, %parallel_loop3A_351] {strides = array<i32>} : memref<2x32x128xf32, #tpu.memory_space<vmem>>, vector<16xf32>,
        tpu.vector_store %arg8[%parallel_loop3A_349, %parallel_loop3A_350, %parallel_loop3A_351], %parallel_loop3A_347 {strides = array<i32>} : memref<2x32x128xf32, #tpu.memory_space<vmem>>, vector<16xf32>,
        %parallel_loop3A_353 = arith.constant 128 : i32
        %parallel_loop3A_354 = arith.muli %parallel_loop3A_308, %parallel_loop3A_353 : i32
        %parallel_loop3A_355 = arith.constant 32 : i32
        %parallel_loop3A_356 = arith.addi %parallel_loop3A_354, %parallel_loop3A_355 : i32
        %parallel_loop3A_357 = arith.constant 0 : i32
        %parallel_loop3A_358 = arith.index_cast %parallel_loop3A_357 : i32 to index
        %parallel_loop3A_359 = arith.index_cast %parallel_loop3A_356 : i32 to index
        %parallel_loop3A_360 = tpu.vector_load %arg7[%parallel_loop3A_358, %parallel_loop3A_359] {strides = array<i32>} : memref<2x4096xi32, #tpu.memory_space<vmem>>, vector<16xi32>,
        %parallel_loop3A_361 = arith.constant 7 : i32
        %parallel_loop3A_362 = vector.broadcast %parallel_loop3A_361 : i32 to vector<16xi32>
        %parallel_loop3A_363 = arith.shrui %parallel_loop3A_360, %parallel_loop3A_362 : vector<16xi32>
        %parallel_loop3A_364 = arith.constant 127 : i32
        %parallel_loop3A_365 = vector.broadcast %parallel_loop3A_364 : i32 to vector<16xi32>
        %parallel_loop3A_366 = arith.andi %parallel_loop3A_360, %parallel_loop3A_365 : vector<16xi32>
        %parallel_loop3A_367 = tpu.vector_load_idx %arg6[%parallel_loop3A_363, %parallel_loop3A_366] : memref<782x128xf32, #tpu.memory_space<vmem>>[vector<16xi32>, vector<16xi32>], vector<16xf32>,
        %parallel_loop3A_368 = vector.broadcast %squeeze3A : f32 to vector<16xf32>
        %parallel_loop3A_369 = arith.mulf %parallel_loop3A_367, %parallel_loop3A_368 : vector<16xf32>
        %parallel_loop3A_370 = arith.constant 0 : i32
        %parallel_loop3A_371 = arith.index_cast %parallel_loop3A_370 : i32 to index
        %parallel_loop3A_372 = arith.index_cast %parallel_loop3A_308 : i32 to index
        %parallel_loop3A_373 = arith.constant 32 : index
        %parallel_loop3A_374 = tpu.vector_load %arg8[%parallel_loop3A_371, %parallel_loop3A_372, %parallel_loop3A_373] {strides = array<i32>} : memref<2x32x128xf32, #tpu.memory_space<vmem>>, vector<16xf32>,
        tpu.vector_store %arg8[%parallel_loop3A_371, %parallel_loop3A_372, %parallel_loop3A_373], %parallel_loop3A_369 {strides = array<i32>} : memref<2x32x128xf32, #tpu.memory_space<vmem>>, vector<16xf32>,
        %parallel_loop3A_375 = arith.constant 128 : i32
        %parallel_loop3A_376 = arith.muli %parallel_loop3A_308, %parallel_loop3A_375 : i32
        %parallel_loop3A_377 = arith.constant 48 : i32
        %parallel_loop3A_378 = arith.addi %parallel_loop3A_376, %parallel_loop3A_377 : i32
        %parallel_loop3A_379 = arith.constant 0 : i32
        %parallel_loop3A_380 = arith.index_cast %parallel_loop3A_379 : i32 to index
        %parallel_loop3A_381 = arith.index_cast %parallel_loop3A_378 : i32 to index
        %parallel_loop3A_382 = tpu.vector_load %arg7[%parallel_loop3A_380, %parallel_loop3A_381] {strides = array<i32>} : memref<2x4096xi32, #tpu.memory_space<vmem>>, vector<16xi32>,
        %parallel_loop3A_383 = arith.constant 7 : i32
        %parallel_loop3A_384 = vector.broadcast %parallel_loop3A_383 : i32 to vector<16xi32>
        %parallel_loop3A_385 = arith.shrui %parallel_loop3A_382, %parallel_loop3A_384 : vector<16xi32>
        %parallel_loop3A_386 = arith.constant 127 : i32
        %parallel_loop3A_387 = vector.broadcast %parallel_loop3A_386 : i32 to vector<16xi32>
        %parallel_loop3A_388 = arith.andi %parallel_loop3A_382, %parallel_loop3A_387 : vector<16xi32>
        %parallel_loop3A_389 = tpu.vector_load_idx %arg6[%parallel_loop3A_385, %parallel_loop3A_388] : memref<782x128xf32, #tpu.memory_space<vmem>>[vector<16xi32>, vector<16xi32>], vector<16xf32>,
        %parallel_loop3A_390 = vector.broadcast %squeeze3A : f32 to vector<16xf32>
        %parallel_loop3A_391 = arith.mulf %parallel_loop3A_389, %parallel_loop3A_390 : vector<16xf32>
        %parallel_loop3A_392 = arith.constant 0 : i32
        %parallel_loop3A_393 = arith.index_cast %parallel_loop3A_392 : i32 to index
        %parallel_loop3A_394 = arith.index_cast %parallel_loop3A_308 : i32 to index
        %parallel_loop3A_395 = arith.constant 48 : index
        %parallel_loop3A_396 = tpu.vector_load %arg8[%parallel_loop3A_393, %parallel_loop3A_394, %parallel_loop3A_395] {strides = array<i32>} : memref<2x32x128xf32, #tpu.memory_space<vmem>>, vector<16xf32>,
        tpu.vector_store %arg8[%parallel_loop3A_393, %parallel_loop3A_394, %parallel_loop3A_395], %parallel_loop3A_391 {strides = array<i32>} : memref<2x32x128xf32, #tpu.memory_space<vmem>>, vector<16xf32>,
        %parallel_loop3A_397 = arith.constant 128 : i32
        %parallel_loop3A_398 = arith.muli %parallel_loop3A_308, %parallel_loop3A_397 : i32
        %parallel_loop3A_399 = arith.constant 64 : i32
        %parallel_loop3A_400 = arith.addi %parallel_loop3A_398, %parallel_loop3A_399 : i32
        %parallel_loop3A_401 = arith.constant 0 : i32
        %parallel_loop3A_402 = arith.index_cast %parallel_loop3A_401 : i32 to index
        %parallel_loop3A_403 = arith.index_cast %parallel_loop3A_400 : i32 to index
        %parallel_loop3A_404 = tpu.vector_load %arg7[%parallel_loop3A_402, %parallel_loop3A_403] {strides = array<i32>} : memref<2x4096xi32, #tpu.memory_space<vmem>>, vector<16xi32>,
        %parallel_loop3A_405 = arith.constant 7 : i32
        %parallel_loop3A_406 = vector.broadcast %parallel_loop3A_405 : i32 to vector<16xi32>
        %parallel_loop3A_407 = arith.shrui %parallel_loop3A_404, %parallel_loop3A_406 : vector<16xi32>
        %parallel_loop3A_408 = arith.constant 127 : i32
        %parallel_loop3A_409 = vector.broadcast %parallel_loop3A_408 : i32 to vector<16xi32>
        %parallel_loop3A_410 = arith.andi %parallel_loop3A_404, %parallel_loop3A_409 : vector<16xi32>
        %parallel_loop3A_411 = tpu.vector_load_idx %arg6[%parallel_loop3A_407, %parallel_loop3A_410] : memref<782x128xf32, #tpu.memory_space<vmem>>[vector<16xi32>, vector<16xi32>], vector<16xf32>,
        %parallel_loop3A_412 = vector.broadcast %squeeze3A : f32 to vector<16xf32>
        %parallel_loop3A_413 = arith.mulf %parallel_loop3A_411, %parallel_loop3A_412 : vector<16xf32>
        %parallel_loop3A_414 = arith.constant 0 : i32
        %parallel_loop3A_415 = arith.index_cast %parallel_loop3A_414 : i32 to index
        %parallel_loop3A_416 = arith.index_cast %parallel_loop3A_308 : i32 to index
        %parallel_loop3A_417 = arith.constant 64 : index
        %parallel_loop3A_418 = tpu.vector_load %arg8[%parallel_loop3A_415, %parallel_loop3A_416, %parallel_loop3A_417] {strides = array<i32>} : memref<2x32x128xf32, #tpu.memory_space<vmem>>, vector<16xf32>,
        tpu.vector_store %arg8[%parallel_loop3A_415, %parallel_loop3A_416, %parallel_loop3A_417], %parallel_loop3A_413 {strides = array<i32>} : memref<2x32x128xf32, #tpu.memory_space<vmem>>, vector<16xf32>,
        %parallel_loop3A_419 = arith.constant 128 : i32
        %parallel_loop3A_420 = arith.muli %parallel_loop3A_308, %parallel_loop3A_419 : i32
        %parallel_loop3A_421 = arith.constant 80 : i32
        %parallel_loop3A_422 = arith.addi %parallel_loop3A_420, %parallel_loop3A_421 : i32
        %parallel_loop3A_423 = arith.constant 0 : i32
        %parallel_loop3A_424 = arith.index_cast %parallel_loop3A_423 : i32 to index
        %parallel_loop3A_425 = arith.index_cast %parallel_loop3A_422 : i32 to index
        %parallel_loop3A_426 = tpu.vector_load %arg7[%parallel_loop3A_424, %parallel_loop3A_425] {strides = array<i32>} : memref<2x4096xi32, #tpu.memory_space<vmem>>, vector<16xi32>,
        %parallel_loop3A_427 = arith.constant 7 : i32
        %parallel_loop3A_428 = vector.broadcast %parallel_loop3A_427 : i32 to vector<16xi32>
        %parallel_loop3A_429 = arith.shrui %parallel_loop3A_426, %parallel_loop3A_428 : vector<16xi32>
        %parallel_loop3A_430 = arith.constant 127 : i32
        %parallel_loop3A_431 = vector.broadcast %parallel_loop3A_430 : i32 to vector<16xi32>
        %parallel_loop3A_432 = arith.andi %parallel_loop3A_426, %parallel_loop3A_431 : vector<16xi32>
        %parallel_loop3A_433 = tpu.vector_load_idx %arg6[%parallel_loop3A_429, %parallel_loop3A_432] : memref<782x128xf32, #tpu.memory_space<vmem>>[vector<16xi32>, vector<16xi32>], vector<16xf32>,
        %parallel_loop3A_434 = vector.broadcast %squeeze3A : f32 to vector<16xf32>
        %parallel_loop3A_435 = arith.mulf %parallel_loop3A_433, %parallel_loop3A_434 : vector<16xf32>
        %parallel_loop3A_436 = arith.constant 0 : i32
        %parallel_loop3A_437 = arith.index_cast %parallel_loop3A_436 : i32 to index
        %parallel_loop3A_438 = arith.index_cast %parallel_loop3A_308 : i32 to index
        %parallel_loop3A_439 = arith.constant 80 : index
        %parallel_loop3A_440 = tpu.vector_load %arg8[%parallel_loop3A_437, %parallel_loop3A_438, %parallel_loop3A_439] {strides = array<i32>} : memref<2x32x128xf32, #tpu.memory_space<vmem>>, vector<16xf32>,
        tpu.vector_store %arg8[%parallel_loop3A_437, %parallel_loop3A_438, %parallel_loop3A_439], %parallel_loop3A_435 {strides = array<i32>} : memref<2x32x128xf32, #tpu.memory_space<vmem>>, vector<16xf32>,
        %parallel_loop3A_441 = arith.constant 128 : i32
        %parallel_loop3A_442 = arith.muli %parallel_loop3A_308, %parallel_loop3A_441 : i32
        %parallel_loop3A_443 = arith.constant 96 : i32
        %parallel_loop3A_444 = arith.addi %parallel_loop3A_442, %parallel_loop3A_443 : i32
        %parallel_loop3A_445 = arith.constant 0 : i32
        %parallel_loop3A_446 = arith.index_cast %parallel_loop3A_445 : i32 to index
        %parallel_loop3A_447 = arith.index_cast %parallel_loop3A_444 : i32 to index
        %parallel_loop3A_448 = tpu.vector_load %arg7[%parallel_loop3A_446, %parallel_loop3A_447] {strides = array<i32>} : memref<2x4096xi32, #tpu.memory_space<vmem>>, vector<16xi32>,
        %parallel_loop3A_449 = arith.constant 7 : i32
        %parallel_loop3A_450 = vector.broadcast %parallel_loop3A_449 : i32 to vector<16xi32>
        %parallel_loop3A_451 = arith.shrui %parallel_loop3A_448, %parallel_loop3A_450 : vector<16xi32>
        %parallel_loop3A_452 = arith.constant 127 : i32
        %parallel_loop3A_453 = vector.broadcast %parallel_loop3A_452 : i32 to vector<16xi32>
        %parallel_loop3A_454 = arith.andi %parallel_loop3A_448, %parallel_loop3A_453 : vector<16xi32>
        %parallel_loop3A_455 = tpu.vector_load_idx %arg6[%parallel_loop3A_451, %parallel_loop3A_454] : memref<782x128xf32, #tpu.memory_space<vmem>>[vector<16xi32>, vector<16xi32>], vector<16xf32>,
        %parallel_loop3A_456 = vector.broadcast %squeeze3A : f32 to vector<16xf32>
        %parallel_loop3A_457 = arith.mulf %parallel_loop3A_455, %parallel_loop3A_456 : vector<16xf32>
        %parallel_loop3A_458 = arith.constant 0 : i32
        %parallel_loop3A_459 = arith.index_cast %parallel_loop3A_458 : i32 to index
        %parallel_loop3A_460 = arith.index_cast %parallel_loop3A_308 : i32 to index
        %parallel_loop3A_461 = arith.constant 96 : index
        %parallel_loop3A_462 = tpu.vector_load %arg8[%parallel_loop3A_459, %parallel_loop3A_460, %parallel_loop3A_461] {strides = array<i32>} : memref<2x32x128xf32, #tpu.memory_space<vmem>>, vector<16xf32>,
        tpu.vector_store %arg8[%parallel_loop3A_459, %parallel_loop3A_460, %parallel_loop3A_461], %parallel_loop3A_457 {strides = array<i32>} : memref<2x32x128xf32, #tpu.memory_space<vmem>>, vector<16xf32>,
        %parallel_loop3A_463 = arith.constant 128 : i32
        %parallel_loop3A_464 = arith.muli %parallel_loop3A_308, %parallel_loop3A_463 : i32
        %parallel_loop3A_465 = arith.constant 112 : i32
        %parallel_loop3A_466 = arith.addi %parallel_loop3A_464, %parallel_loop3A_465 : i32
        %parallel_loop3A_467 = arith.constant 0 : i32
        %parallel_loop3A_468 = arith.index_cast %parallel_loop3A_467 : i32 to index
        %parallel_loop3A_469 = arith.index_cast %parallel_loop3A_466 : i32 to index
        %parallel_loop3A_470 = tpu.vector_load %arg7[%parallel_loop3A_468, %parallel_loop3A_469] {strides = array<i32>} : memref<2x4096xi32, #tpu.memory_space<vmem>>, vector<16xi32>,
        %parallel_loop3A_471 = arith.constant 7 : i32
        %parallel_loop3A_472 = vector.broadcast %parallel_loop3A_471 : i32 to vector<16xi32>
        %parallel_loop3A_473 = arith.shrui %parallel_loop3A_470, %parallel_loop3A_472 : vector<16xi32>
        %parallel_loop3A_474 = arith.constant 127 : i32
        %parallel_loop3A_475 = vector.broadcast %parallel_loop3A_474 : i32 to vector<16xi32>
        %parallel_loop3A_476 = arith.andi %parallel_loop3A_470, %parallel_loop3A_475 : vector<16xi32>
        %parallel_loop3A_477 = tpu.vector_load_idx %arg6[%parallel_loop3A_473, %parallel_loop3A_476] : memref<782x128xf32, #tpu.memory_space<vmem>>[vector<16xi32>, vector<16xi32>], vector<16xf32>,
        %parallel_loop3A_478 = vector.broadcast %squeeze3A : f32 to vector<16xf32>
        %parallel_loop3A_479 = arith.mulf %parallel_loop3A_477, %parallel_loop3A_478 : vector<16xf32>
        %parallel_loop3A_480 = arith.constant 0 : i32
        %parallel_loop3A_481 = arith.index_cast %parallel_loop3A_480 : i32 to index
        %parallel_loop3A_482 = arith.index_cast %parallel_loop3A_308 : i32 to index
        %parallel_loop3A_483 = arith.constant 112 : index
        %parallel_loop3A_484 = tpu.vector_load %arg8[%parallel_loop3A_481, %parallel_loop3A_482, %parallel_loop3A_483] {strides = array<i32>} : memref<2x32x128xf32, #tpu.memory_space<vmem>>, vector<16xf32>,
        tpu.vector_store %arg8[%parallel_loop3A_481, %parallel_loop3A_482, %parallel_loop3A_483], %parallel_loop3A_479 {strides = array<i32>} : memref<2x32x128xf32, #tpu.memory_space<vmem>>, vector<16xf32>,
      } {sc.loop_unroll_factor = 16 : i64, sc.parallel_access}
      %dma_start3A_240 = arith.constant 0 : i32
      %dma_start3A_241 = arith.constant 0 : i32
      %dma_start3A_242 = arith.constant 0 : i32
      %dma_start3A_243 = tpu.memref_slice %arg8[%dma_start3A_240, %dma_start3A_241, %dma_start3A_242] : memref<2x32x128xf32, #tpu.memory_space<vmem>> -> memref<1x32x128xf32, #tpu.memory_space<vmem>>
      %dma_start3A_244 = tpu.memref_squeeze %dma_start3A_243 : memref<1x32x128xf32, #tpu.memory_space<vmem>> -> memref<32x128xf32, #tpu.memory_space<vmem>>
      %dma_start3A_245 = arith.constant 0 : i32
      %dma_start3A_246 = arith.constant 0 : i32
      %dma_start3A_247 = tpu.memref_slice %arg5[%add3A_223, %select_n3A_129, %dma_start3A_245, %rem3A_131, %dma_start3A_246] : memref<50x8x32x8x128xf32, #tpu.memory_space<hbm>> -> memref<1x1x32x1x128xf32, #tpu.memory_space<hbm>>
      %dma_start3A_248 = tpu.memref_squeeze %dma_start3A_247 : memref<1x1x32x1x128xf32, #tpu.memory_space<hbm>> -> memref<32x128xf32, #tpu.memory_space<hbm>>
      %dma_start3A_249 = arith.constant 0 : i32
      %dma_start3A_250 = arith.constant 0 : i32
      %dma_start3A_251 = tpu.memref_slice %arg5[%add3A_223, %select_n3A_129, %dma_start3A_249, %rem3A_131, %dma_start3A_250] : memref<50x8x32x8x128xf32, #tpu.memory_space<hbm>> -> memref<1x1x32x1x128xf32, #tpu.memory_space<hbm>>
      %dma_start3A_252 = tpu.memref_squeeze %dma_start3A_251 : memref<1x1x32x1x128xf32, #tpu.memory_space<hbm>> -> memref<32x128xf32, #tpu.memory_space<hbm>>
      %dma_start3A_253 = arith.constant 0 : i32
      %dma_start3A_254 = arith.constant 0 : i32
      %dma_start3A_255 = tpu.memref_slice %arg8[%dma_start3A_240, %dma_start3A_253, %dma_start3A_254] : memref<2x32x128xf32, #tpu.memory_space<vmem>> -> memref<1x32x128xf32, #tpu.memory_space<vmem>>
      %dma_start3A_256 = tpu.memref_squeeze %dma_start3A_255 : memref<1x32x128xf32, #tpu.memory_space<vmem>> -> memref<32x128xf32, #tpu.memory_space<vmem>>
      tpu.enqueue_dma source(%dma_start3A_256 : memref<32x128xf32, #tpu.memory_space<vmem>>) target(%dma_start3A_252 : memref<32x128xf32, #tpu.memory_space<hbm>>) target_semaphore(%arg12 : memref<!tpu.dma_semaphore, #tpu.memory_space<semaphore_mem>>)
      %add3A_257 = arith.constant 1 : i32
      %add3A_258 = arith.addi %add3A_223, %add3A_257 : i32
      %lt3A_259 = arith.constant 50 : i32
      %lt3A_260 = arith.cmpi slt, %add3A_258, %lt3A_259 : i32
      %convert_element_type3A_261 = arith.extui %lt3A_260 : i1 to i32
      %cond3A_262 = arith.constant 0 : i32
      %cond3A_263 = arith.cmpi ne, %convert_element_type3A_261, %cond3A_262 : i32
      scf.if %cond3A_263 {
        %add3A_308 = arith.constant 1 : i32
        %add3A_309 = arith.addi %add3A_223, %add3A_308 : i32
        %dma_wait3A_310 = arith.constant 1 : i32
        %dma_wait3A_311 = arith.constant 0 : i32
        %dma_wait3A_312 = tpu.memref_slice %arg7[%dma_wait3A_310, %dma_wait3A_311] : memref<2x4096xi32, #tpu.memory_space<vmem>> -> memref<1x4096xi32, #tpu.memory_space<vmem>>
        %dma_wait3A_313 = tpu.memref_squeeze %dma_wait3A_312 : memref<1x4096xi32, #tpu.memory_space<vmem>> -> memref<4096xi32, #tpu.memory_space<vmem>>
        %dma_wait3A_314 = arith.constant 0 : i32
        %dma_wait3A_315 = tpu.memref_slice %arg9[%add3A_309, %dma_wait3A_314] : memref<50x4096xi32, #tpu.memory_space<vmem_shared>> -> memref<1x4096xi32, #tpu.memory_space<vmem_shared>>
        %dma_wait3A_316 = tpu.memref_squeeze %dma_wait3A_315 : memref<1x4096xi32, #tpu.memory_space<vmem_shared>> -> memref<4096xi32, #tpu.memory_space<vmem_shared>>
        %dma_wait3A_317 = arith.constant 0 : i32
        %dma_wait3A_318 = tpu.memref_slice %arg7[%dma_wait3A_310, %dma_wait3A_317] : memref<2x4096xi32, #tpu.memory_space<vmem>> -> memref<1x4096xi32, #tpu.memory_space<vmem>>
        %dma_wait3A_319 = tpu.memref_squeeze %dma_wait3A_318 : memref<1x4096xi32, #tpu.memory_space<vmem>> -> memref<4096xi32, #tpu.memory_space<vmem>>
        %dma_wait3A_320 = arith.constant 0 : i32
        %dma_wait3A_321 = tpu.memref_slice %arg9[%add3A_309, %dma_wait3A_320] : memref<50x4096xi32, #tpu.memory_space<vmem_shared>> -> memref<1x4096xi32, #tpu.memory_space<vmem_shared>>
        %dma_wait3A_322 = tpu.memref_squeeze %dma_wait3A_321 : memref<1x4096xi32, #tpu.memory_space<vmem_shared>> -> memref<4096xi32, #tpu.memory_space<vmem_shared>>
        tpu.wait_dma2 semaphore(%arg11 : memref<!tpu.dma_semaphore, #tpu.memory_space<semaphore_mem>>) src(%dma_wait3A_322 : memref<4096xi32, #tpu.memory_space<vmem_shared>>) dst(%dma_wait3A_319 : memref<4096xi32, #tpu.memory_space<vmem>>)
      } else {
      }
      %add3A_264 = arith.constant 1 : i32
      %add3A_265 = arith.addi %add3A_221, %add3A_264 : i32
      %add3A_266 = arith.constant 1 : i32
      %add3A_267 = arith.addi %add3A_265, %add3A_266 : i32
      %add3A_268 = arith.constant 1 : i32
      %add3A_269 = arith.addi %add3A_265, %add3A_268 : i32
      %lt3A_270 = arith.constant 50 : i32
      %lt3A_271 = arith.cmpi slt, %add3A_269, %lt3A_270 : i32
      %convert_element_type3A_272 = arith.extui %lt3A_271 : i1 to i32
      %cond3A_273 = arith.constant 0 : i32
      %cond3A_274 = arith.constant 0 : i32
      %cond3A_275 = arith.cmpi ne, %convert_element_type3A_272, %cond3A_274 : i32
      scf.if %cond3A_275 {
        %dma_start3A_308 = arith.constant 0 : i32
        %dma_start3A_309 = tpu.memref_slice %arg7[%cond3A_273, %dma_start3A_308] : memref<2x4096xi32, #tpu.memory_space<vmem>> -> memref<1x4096xi32, #tpu.memory_space<vmem>>
        %dma_start3A_310 = tpu.memref_squeeze %dma_start3A_309 : memref<1x4096xi32, #tpu.memory_space<vmem>> -> memref<4096xi32, #tpu.memory_space<vmem>>
        %dma_start3A_311 = arith.constant 0 : i32
        %dma_start3A_312 = tpu.memref_slice %arg9[%add3A_267, %dma_start3A_311] : memref<50x4096xi32, #tpu.memory_space<vmem_shared>> -> memref<1x4096xi32, #tpu.memory_space<vmem_shared>>
        %dma_start3A_313 = tpu.memref_squeeze %dma_start3A_312 : memref<1x4096xi32, #tpu.memory_space<vmem_shared>> -> memref<4096xi32, #tpu.memory_space<vmem_shared>>
        %dma_start3A_314 = arith.constant 0 : i32
        %dma_start3A_315 = tpu.memref_slice %arg7[%cond3A_273, %dma_start3A_314] : memref<2x4096xi32, #tpu.memory_space<vmem>> -> memref<1x4096xi32, #tpu.memory_space<vmem>>
        %dma_start3A_316 = tpu.memref_squeeze %dma_start3A_315 : memref<1x4096xi32, #tpu.memory_space<vmem>> -> memref<4096xi32, #tpu.memory_space<vmem>>
        %dma_start3A_317 = arith.constant 0 : i32
        %dma_start3A_318 = tpu.memref_slice %arg9[%add3A_267, %dma_start3A_317] : memref<50x4096xi32, #tpu.memory_space<vmem_shared>> -> memref<1x4096xi32, #tpu.memory_space<vmem_shared>>
        %dma_start3A_319 = tpu.memref_squeeze %dma_start3A_318 : memref<1x4096xi32, #tpu.memory_space<vmem_shared>> -> memref<4096xi32, #tpu.memory_space<vmem_shared>>
        tpu.enqueue_dma source(%dma_start3A_319 : memref<4096xi32, #tpu.memory_space<vmem_shared>>) target(%dma_start3A_316 : memref<4096xi32, #tpu.memory_space<vmem>>) target_semaphore(%arg11 : memref<!tpu.dma_semaphore, #tpu.memory_space<semaphore_mem>>)
      } else {
      }
      %ge3A_276 = arith.constant 2 : i32
      %ge3A_277 = arith.cmpi sge, %add3A_265, %ge3A_276 : i32
      %convert_element_type3A_278 = arith.extui %ge3A_277 : i1 to i32
      %cond3A_279 = arith.constant 0 : i32
      %cond3A_280 = arith.cmpi ne, %convert_element_type3A_278, %cond3A_279 : i32
      scf.if %cond3A_280 {
        %sub3A_308 = arith.constant 2 : i32
        %sub3A_309 = arith.subi %add3A_265, %sub3A_308 : i32
        %dma_wait3A_310 = arith.constant 1 : i32
        %dma_wait3A_311 = arith.constant 0 : i32
        %dma_wait3A_312 = arith.constant 0 : i32
        %dma_wait3A_313 = tpu.memref_slice %arg8[%dma_wait3A_310, %dma_wait3A_311, %dma_wait3A_312] : memref<2x32x128xf32, #tpu.memory_space<vmem>> -> memref<1x32x128xf32, #tpu.memory_space<vmem>>
        %dma_wait3A_314 = tpu.memref_squeeze %dma_wait3A_313 : memref<1x32x128xf32, #tpu.memory_space<vmem>> -> memref<32x128xf32, #tpu.memory_space<vmem>>
        %dma_wait3A_315 = arith.constant 0 : i32
        %dma_wait3A_316 = arith.constant 0 : i32
        %dma_wait3A_317 = tpu.memref_slice %arg5[%sub3A_309, %select_n3A_129, %dma_wait3A_315, %rem3A_131, %dma_wait3A_316] : memref<50x8x32x8x128xf32, #tpu.memory_space<hbm>> -> memref<1x1x32x1x128xf32, #tpu.memory_space<hbm>>
        %dma_wait3A_318 = tpu.memref_squeeze %dma_wait3A_317 : memref<1x1x32x1x128xf32, #tpu.memory_space<hbm>> -> memref<32x128xf32, #tpu.memory_space<hbm>>
        %dma_wait3A_319 = arith.constant 0 : i32
        %dma_wait3A_320 = arith.constant 0 : i32
        %dma_wait3A_321 = tpu.memref_slice %arg5[%sub3A_309, %select_n3A_129, %dma_wait3A_319, %rem3A_131, %dma_wait3A_320] : memref<50x8x32x8x128xf32, #tpu.memory_space<hbm>> -> memref<1x1x32x1x128xf32, #tpu.memory_space<hbm>>
        %dma_wait3A_322 = tpu.memref_squeeze %dma_wait3A_321 : memref<1x1x32x1x128xf32, #tpu.memory_space<hbm>> -> memref<32x128xf32, #tpu.memory_space<hbm>>
        %dma_wait3A_323 = arith.constant 0 : i32
        %dma_wait3A_324 = arith.constant 0 : i32
        %dma_wait3A_325 = tpu.memref_slice %arg8[%dma_wait3A_310, %dma_wait3A_323, %dma_wait3A_324] : memref<2x32x128xf32, #tpu.memory_space<vmem>> -> memref<1x32x128xf32, #tpu.memory_space<vmem>>
        %dma_wait3A_326 = tpu.memref_squeeze %dma_wait3A_325 : memref<1x32x128xf32, #tpu.memory_space<vmem>> -> memref<32x128xf32, #tpu.memory_space<vmem>>
        tpu.wait_dma2 semaphore(%arg12 : memref<!tpu.dma_semaphore, #tpu.memory_space<semaphore_mem>>) src(%dma_wait3A_326 : memref<32x128xf32, #tpu.memory_space<vmem>>) dst(%dma_wait3A_322 : memref<32x128xf32, #tpu.memory_space<hbm>>)
      } else {
      }
      %parallel_loop3A_281 = arith.constant 0 : i32
      %parallel_loop3A_282 = arith.constant 32 : i32
      %parallel_loop3A_283 = arith.constant 1 : i32
      scf.for %parallel_loop3A_308 = %parallel_loop3A_281 to %parallel_loop3A_282 step %parallel_loop3A_283  : i32 {
        %parallel_loop3A_309 = arith.constant 128 : i32
        %parallel_loop3A_310 = arith.muli %parallel_loop3A_308, %parallel_loop3A_309 : i32
        %parallel_loop3A_311 = arith.constant 0 : i32
        %parallel_loop3A_312 = arith.addi %parallel_loop3A_310, %parallel_loop3A_311 : i32
        %parallel_loop3A_313 = arith.constant 1 : i32
        %parallel_loop3A_314 = arith.index_cast %parallel_loop3A_313 : i32 to index
        %parallel_loop3A_315 = arith.index_cast %parallel_loop3A_312 : i32 to index
        %parallel_loop3A_316 = tpu.vector_load %arg7[%parallel_loop3A_314, %parallel_loop3A_315] {strides = array<i32>} : memref<2x4096xi32, #tpu.memory_space<vmem>>, vector<16xi32>,
        %parallel_loop3A_317 = arith.constant 7 : i32
        %parallel_loop3A_318 = vector.broadcast %parallel_loop3A_317 : i32 to vector<16xi32>
        %parallel_loop3A_319 = arith.shrui %parallel_loop3A_316, %parallel_loop3A_318 : vector<16xi32>
        %parallel_loop3A_320 = arith.constant 127 : i32
        %parallel_loop3A_321 = vector.broadcast %parallel_loop3A_320 : i32 to vector<16xi32>
        %parallel_loop3A_322 = arith.andi %parallel_loop3A_316, %parallel_loop3A_321 : vector<16xi32>
        %parallel_loop3A_323 = tpu.vector_load_idx %arg6[%parallel_loop3A_319, %parallel_loop3A_322] : memref<782x128xf32, #tpu.memory_space<vmem>>[vector<16xi32>, vector<16xi32>], vector<16xf32>,
        %parallel_loop3A_324 = vector.broadcast %squeeze3A : f32 to vector<16xf32>
        %parallel_loop3A_325 = arith.mulf %parallel_loop3A_323, %parallel_loop3A_324 : vector<16xf32>
        %parallel_loop3A_326 = arith.constant 1 : i32
        %parallel_loop3A_327 = arith.index_cast %parallel_loop3A_326 : i32 to index
        %parallel_loop3A_328 = arith.index_cast %parallel_loop3A_308 : i32 to index
        %parallel_loop3A_329 = arith.constant 0 : index
        %parallel_loop3A_330 = tpu.vector_load %arg8[%parallel_loop3A_327, %parallel_loop3A_328, %parallel_loop3A_329] {strides = array<i32>} : memref<2x32x128xf32, #tpu.memory_space<vmem>>, vector<16xf32>,
        tpu.vector_store %arg8[%parallel_loop3A_327, %parallel_loop3A_328, %parallel_loop3A_329], %parallel_loop3A_325 {strides = array<i32>} : memref<2x32x128xf32, #tpu.memory_space<vmem>>, vector<16xf32>,
        %parallel_loop3A_331 = arith.constant 128 : i32
        %parallel_loop3A_332 = arith.muli %parallel_loop3A_308, %parallel_loop3A_331 : i32
        %parallel_loop3A_333 = arith.constant 16 : i32
        %parallel_loop3A_334 = arith.addi %parallel_loop3A_332, %parallel_loop3A_333 : i32
        %parallel_loop3A_335 = arith.constant 1 : i32
        %parallel_loop3A_336 = arith.index_cast %parallel_loop3A_335 : i32 to index
        %parallel_loop3A_337 = arith.index_cast %parallel_loop3A_334 : i32 to index
        %parallel_loop3A_338 = tpu.vector_load %arg7[%parallel_loop3A_336, %parallel_loop3A_337] {strides = array<i32>} : memref<2x4096xi32, #tpu.memory_space<vmem>>, vector<16xi32>,
        %parallel_loop3A_339 = arith.constant 7 : i32
        %parallel_loop3A_340 = vector.broadcast %parallel_loop3A_339 : i32 to vector<16xi32>
        %parallel_loop3A_341 = arith.shrui %parallel_loop3A_338, %parallel_loop3A_340 : vector<16xi32>
        %parallel_loop3A_342 = arith.constant 127 : i32
        %parallel_loop3A_343 = vector.broadcast %parallel_loop3A_342 : i32 to vector<16xi32>
        %parallel_loop3A_344 = arith.andi %parallel_loop3A_338, %parallel_loop3A_343 : vector<16xi32>
        %parallel_loop3A_345 = tpu.vector_load_idx %arg6[%parallel_loop3A_341, %parallel_loop3A_344] : memref<782x128xf32, #tpu.memory_space<vmem>>[vector<16xi32>, vector<16xi32>], vector<16xf32>,
        %parallel_loop3A_346 = vector.broadcast %squeeze3A : f32 to vector<16xf32>
        %parallel_loop3A_347 = arith.mulf %parallel_loop3A_345, %parallel_loop3A_346 : vector<16xf32>
        %parallel_loop3A_348 = arith.constant 1 : i32
        %parallel_loop3A_349 = arith.index_cast %parallel_loop3A_348 : i32 to index
        %parallel_loop3A_350 = arith.index_cast %parallel_loop3A_308 : i32 to index
        %parallel_loop3A_351 = arith.constant 16 : index
        %parallel_loop3A_352 = tpu.vector_load %arg8[%parallel_loop3A_349, %parallel_loop3A_350, %parallel_loop3A_351] {strides = array<i32>} : memref<2x32x128xf32, #tpu.memory_space<vmem>>, vector<16xf32>,
        tpu.vector_store %arg8[%parallel_loop3A_349, %parallel_loop3A_350, %parallel_loop3A_351], %parallel_loop3A_347 {strides = array<i32>} : memref<2x32x128xf32, #tpu.memory_space<vmem>>, vector<16xf32>,
        %parallel_loop3A_353 = arith.constant 128 : i32
        %parallel_loop3A_354 = arith.muli %parallel_loop3A_308, %parallel_loop3A_353 : i32
        %parallel_loop3A_355 = arith.constant 32 : i32
        %parallel_loop3A_356 = arith.addi %parallel_loop3A_354, %parallel_loop3A_355 : i32
        %parallel_loop3A_357 = arith.constant 1 : i32
        %parallel_loop3A_358 = arith.index_cast %parallel_loop3A_357 : i32 to index
        %parallel_loop3A_359 = arith.index_cast %parallel_loop3A_356 : i32 to index
        %parallel_loop3A_360 = tpu.vector_load %arg7[%parallel_loop3A_358, %parallel_loop3A_359] {strides = array<i32>} : memref<2x4096xi32, #tpu.memory_space<vmem>>, vector<16xi32>,
        %parallel_loop3A_361 = arith.constant 7 : i32
        %parallel_loop3A_362 = vector.broadcast %parallel_loop3A_361 : i32 to vector<16xi32>
        %parallel_loop3A_363 = arith.shrui %parallel_loop3A_360, %parallel_loop3A_362 : vector<16xi32>
        %parallel_loop3A_364 = arith.constant 127 : i32
        %parallel_loop3A_365 = vector.broadcast %parallel_loop3A_364 : i32 to vector<16xi32>
        %parallel_loop3A_366 = arith.andi %parallel_loop3A_360, %parallel_loop3A_365 : vector<16xi32>
        %parallel_loop3A_367 = tpu.vector_load_idx %arg6[%parallel_loop3A_363, %parallel_loop3A_366] : memref<782x128xf32, #tpu.memory_space<vmem>>[vector<16xi32>, vector<16xi32>], vector<16xf32>,
        %parallel_loop3A_368 = vector.broadcast %squeeze3A : f32 to vector<16xf32>
        %parallel_loop3A_369 = arith.mulf %parallel_loop3A_367, %parallel_loop3A_368 : vector<16xf32>
        %parallel_loop3A_370 = arith.constant 1 : i32
        %parallel_loop3A_371 = arith.index_cast %parallel_loop3A_370 : i32 to index
        %parallel_loop3A_372 = arith.index_cast %parallel_loop3A_308 : i32 to index
        %parallel_loop3A_373 = arith.constant 32 : index
        %parallel_loop3A_374 = tpu.vector_load %arg8[%parallel_loop3A_371, %parallel_loop3A_372, %parallel_loop3A_373] {strides = array<i32>} : memref<2x32x128xf32, #tpu.memory_space<vmem>>, vector<16xf32>,
        tpu.vector_store %arg8[%parallel_loop3A_371, %parallel_loop3A_372, %parallel_loop3A_373], %parallel_loop3A_369 {strides = array<i32>} : memref<2x32x128xf32, #tpu.memory_space<vmem>>, vector<16xf32>,
        %parallel_loop3A_375 = arith.constant 128 : i32
        %parallel_loop3A_376 = arith.muli %parallel_loop3A_308, %parallel_loop3A_375 : i32
        %parallel_loop3A_377 = arith.constant 48 : i32
        %parallel_loop3A_378 = arith.addi %parallel_loop3A_376, %parallel_loop3A_377 : i32
        %parallel_loop3A_379 = arith.constant 1 : i32
        %parallel_loop3A_380 = arith.index_cast %parallel_loop3A_379 : i32 to index
        %parallel_loop3A_381 = arith.index_cast %parallel_loop3A_378 : i32 to index
        %parallel_loop3A_382 = tpu.vector_load %arg7[%parallel_loop3A_380, %parallel_loop3A_381] {strides = array<i32>} : memref<2x4096xi32, #tpu.memory_space<vmem>>, vector<16xi32>,
        %parallel_loop3A_383 = arith.constant 7 : i32
        %parallel_loop3A_384 = vector.broadcast %parallel_loop3A_383 : i32 to vector<16xi32>
        %parallel_loop3A_385 = arith.shrui %parallel_loop3A_382, %parallel_loop3A_384 : vector<16xi32>
        %parallel_loop3A_386 = arith.constant 127 : i32
        %parallel_loop3A_387 = vector.broadcast %parallel_loop3A_386 : i32 to vector<16xi32>
        %parallel_loop3A_388 = arith.andi %parallel_loop3A_382, %parallel_loop3A_387 : vector<16xi32>
        %parallel_loop3A_389 = tpu.vector_load_idx %arg6[%parallel_loop3A_385, %parallel_loop3A_388] : memref<782x128xf32, #tpu.memory_space<vmem>>[vector<16xi32>, vector<16xi32>], vector<16xf32>,
        %parallel_loop3A_390 = vector.broadcast %squeeze3A : f32 to vector<16xf32>
        %parallel_loop3A_391 = arith.mulf %parallel_loop3A_389, %parallel_loop3A_390 : vector<16xf32>
        %parallel_loop3A_392 = arith.constant 1 : i32
        %parallel_loop3A_393 = arith.index_cast %parallel_loop3A_392 : i32 to index
        %parallel_loop3A_394 = arith.index_cast %parallel_loop3A_308 : i32 to index
        %parallel_loop3A_395 = arith.constant 48 : index
        %parallel_loop3A_396 = tpu.vector_load %arg8[%parallel_loop3A_393, %parallel_loop3A_394, %parallel_loop3A_395] {strides = array<i32>} : memref<2x32x128xf32, #tpu.memory_space<vmem>>, vector<16xf32>,
        tpu.vector_store %arg8[%parallel_loop3A_393, %parallel_loop3A_394, %parallel_loop3A_395], %parallel_loop3A_391 {strides = array<i32>} : memref<2x32x128xf32, #tpu.memory_space<vmem>>, vector<16xf32>,
        %parallel_loop3A_397 = arith.constant 128 : i32
        %parallel_loop3A_398 = arith.muli %parallel_loop3A_308, %parallel_loop3A_397 : i32
        %parallel_loop3A_399 = arith.constant 64 : i32
        %parallel_loop3A_400 = arith.addi %parallel_loop3A_398, %parallel_loop3A_399 : i32
        %parallel_loop3A_401 = arith.constant 1 : i32
        %parallel_loop3A_402 = arith.index_cast %parallel_loop3A_401 : i32 to index
        %parallel_loop3A_403 = arith.index_cast %parallel_loop3A_400 : i32 to index
        %parallel_loop3A_404 = tpu.vector_load %arg7[%parallel_loop3A_402, %parallel_loop3A_403] {strides = array<i32>} : memref<2x4096xi32, #tpu.memory_space<vmem>>, vector<16xi32>,
        %parallel_loop3A_405 = arith.constant 7 : i32
        %parallel_loop3A_406 = vector.broadcast %parallel_loop3A_405 : i32 to vector<16xi32>
        %parallel_loop3A_407 = arith.shrui %parallel_loop3A_404, %parallel_loop3A_406 : vector<16xi32>
        %parallel_loop3A_408 = arith.constant 127 : i32
        %parallel_loop3A_409 = vector.broadcast %parallel_loop3A_408 : i32 to vector<16xi32>
        %parallel_loop3A_410 = arith.andi %parallel_loop3A_404, %parallel_loop3A_409 : vector<16xi32>
        %parallel_loop3A_411 = tpu.vector_load_idx %arg6[%parallel_loop3A_407, %parallel_loop3A_410] : memref<782x128xf32, #tpu.memory_space<vmem>>[vector<16xi32>, vector<16xi32>], vector<16xf32>,
        %parallel_loop3A_412 = vector.broadcast %squeeze3A : f32 to vector<16xf32>
        %parallel_loop3A_413 = arith.mulf %parallel_loop3A_411, %parallel_loop3A_412 : vector<16xf32>
        %parallel_loop3A_414 = arith.constant 1 : i32
        %parallel_loop3A_415 = arith.index_cast %parallel_loop3A_414 : i32 to index
        %parallel_loop3A_416 = arith.index_cast %parallel_loop3A_308 : i32 to index
        %parallel_loop3A_417 = arith.constant 64 : index
        %parallel_loop3A_418 = tpu.vector_load %arg8[%parallel_loop3A_415, %parallel_loop3A_416, %parallel_loop3A_417] {strides = array<i32>} : memref<2x32x128xf32, #tpu.memory_space<vmem>>, vector<16xf32>,
        tpu.vector_store %arg8[%parallel_loop3A_415, %parallel_loop3A_416, %parallel_loop3A_417], %parallel_loop3A_413 {strides = array<i32>} : memref<2x32x128xf32, #tpu.memory_space<vmem>>, vector<16xf32>,
        %parallel_loop3A_419 = arith.constant 128 : i32
        %parallel_loop3A_420 = arith.muli %parallel_loop3A_308, %parallel_loop3A_419 : i32
        %parallel_loop3A_421 = arith.constant 80 : i32
        %parallel_loop3A_422 = arith.addi %parallel_loop3A_420, %parallel_loop3A_421 : i32
        %parallel_loop3A_423 = arith.constant 1 : i32
        %parallel_loop3A_424 = arith.index_cast %parallel_loop3A_423 : i32 to index
        %parallel_loop3A_425 = arith.index_cast %parallel_loop3A_422 : i32 to index
        %parallel_loop3A_426 = tpu.vector_load %arg7[%parallel_loop3A_424, %parallel_loop3A_425] {strides = array<i32>} : memref<2x4096xi32, #tpu.memory_space<vmem>>, vector<16xi32>,
        %parallel_loop3A_427 = arith.constant 7 : i32
        %parallel_loop3A_428 = vector.broadcast %parallel_loop3A_427 : i32 to vector<16xi32>
        %parallel_loop3A_429 = arith.shrui %parallel_loop3A_426, %parallel_loop3A_428 : vector<16xi32>
        %parallel_loop3A_430 = arith.constant 127 : i32
        %parallel_loop3A_431 = vector.broadcast %parallel_loop3A_430 : i32 to vector<16xi32>
        %parallel_loop3A_432 = arith.andi %parallel_loop3A_426, %parallel_loop3A_431 : vector<16xi32>
        %parallel_loop3A_433 = tpu.vector_load_idx %arg6[%parallel_loop3A_429, %parallel_loop3A_432] : memref<782x128xf32, #tpu.memory_space<vmem>>[vector<16xi32>, vector<16xi32>], vector<16xf32>,
        %parallel_loop3A_434 = vector.broadcast %squeeze3A : f32 to vector<16xf32>
        %parallel_loop3A_435 = arith.mulf %parallel_loop3A_433, %parallel_loop3A_434 : vector<16xf32>
        %parallel_loop3A_436 = arith.constant 1 : i32
        %parallel_loop3A_437 = arith.index_cast %parallel_loop3A_436 : i32 to index
        %parallel_loop3A_438 = arith.index_cast %parallel_loop3A_308 : i32 to index
        %parallel_loop3A_439 = arith.constant 80 : index
        %parallel_loop3A_440 = tpu.vector_load %arg8[%parallel_loop3A_437, %parallel_loop3A_438, %parallel_loop3A_439] {strides = array<i32>} : memref<2x32x128xf32, #tpu.memory_space<vmem>>, vector<16xf32>,
        tpu.vector_store %arg8[%parallel_loop3A_437, %parallel_loop3A_438, %parallel_loop3A_439], %parallel_loop3A_435 {strides = array<i32>} : memref<2x32x128xf32, #tpu.memory_space<vmem>>, vector<16xf32>,
        %parallel_loop3A_441 = arith.constant 128 : i32
        %parallel_loop3A_442 = arith.muli %parallel_loop3A_308, %parallel_loop3A_441 : i32
        %parallel_loop3A_443 = arith.constant 96 : i32
        %parallel_loop3A_444 = arith.addi %parallel_loop3A_442, %parallel_loop3A_443 : i32
        %parallel_loop3A_445 = arith.constant 1 : i32
        %parallel_loop3A_446 = arith.index_cast %parallel_loop3A_445 : i32 to index
        %parallel_loop3A_447 = arith.index_cast %parallel_loop3A_444 : i32 to index
        %parallel_loop3A_448 = tpu.vector_load %arg7[%parallel_loop3A_446, %parallel_loop3A_447] {strides = array<i32>} : memref<2x4096xi32, #tpu.memory_space<vmem>>, vector<16xi32>,
        %parallel_loop3A_449 = arith.constant 7 : i32
        %parallel_loop3A_450 = vector.broadcast %parallel_loop3A_449 : i32 to vector<16xi32>
        %parallel_loop3A_451 = arith.shrui %parallel_loop3A_448, %parallel_loop3A_450 : vector<16xi32>
        %parallel_loop3A_452 = arith.constant 127 : i32
        %parallel_loop3A_453 = vector.broadcast %parallel_loop3A_452 : i32 to vector<16xi32>
        %parallel_loop3A_454 = arith.andi %parallel_loop3A_448, %parallel_loop3A_453 : vector<16xi32>
        %parallel_loop3A_455 = tpu.vector_load_idx %arg6[%parallel_loop3A_451, %parallel_loop3A_454] : memref<782x128xf32, #tpu.memory_space<vmem>>[vector<16xi32>, vector<16xi32>], vector<16xf32>,
        %parallel_loop3A_456 = vector.broadcast %squeeze3A : f32 to vector<16xf32>
        %parallel_loop3A_457 = arith.mulf %parallel_loop3A_455, %parallel_loop3A_456 : vector<16xf32>
        %parallel_loop3A_458 = arith.constant 1 : i32
        %parallel_loop3A_459 = arith.index_cast %parallel_loop3A_458 : i32 to index
        %parallel_loop3A_460 = arith.index_cast %parallel_loop3A_308 : i32 to index
        %parallel_loop3A_461 = arith.constant 96 : index
        %parallel_loop3A_462 = tpu.vector_load %arg8[%parallel_loop3A_459, %parallel_loop3A_460, %parallel_loop3A_461] {strides = array<i32>} : memref<2x32x128xf32, #tpu.memory_space<vmem>>, vector<16xf32>,
        tpu.vector_store %arg8[%parallel_loop3A_459, %parallel_loop3A_460, %parallel_loop3A_461], %parallel_loop3A_457 {strides = array<i32>} : memref<2x32x128xf32, #tpu.memory_space<vmem>>, vector<16xf32>,
        %parallel_loop3A_463 = arith.constant 128 : i32
        %parallel_loop3A_464 = arith.muli %parallel_loop3A_308, %parallel_loop3A_463 : i32
        %parallel_loop3A_465 = arith.constant 112 : i32
        %parallel_loop3A_466 = arith.addi %parallel_loop3A_464, %parallel_loop3A_465 : i32
        %parallel_loop3A_467 = arith.constant 1 : i32
        %parallel_loop3A_468 = arith.index_cast %parallel_loop3A_467 : i32 to index
        %parallel_loop3A_469 = arith.index_cast %parallel_loop3A_466 : i32 to index
        %parallel_loop3A_470 = tpu.vector_load %arg7[%parallel_loop3A_468, %parallel_loop3A_469] {strides = array<i32>} : memref<2x4096xi32, #tpu.memory_space<vmem>>, vector<16xi32>,
        %parallel_loop3A_471 = arith.constant 7 : i32
        %parallel_loop3A_472 = vector.broadcast %parallel_loop3A_471 : i32 to vector<16xi32>
        %parallel_loop3A_473 = arith.shrui %parallel_loop3A_470, %parallel_loop3A_472 : vector<16xi32>
        %parallel_loop3A_474 = arith.constant 127 : i32
        %parallel_loop3A_475 = vector.broadcast %parallel_loop3A_474 : i32 to vector<16xi32>
        %parallel_loop3A_476 = arith.andi %parallel_loop3A_470, %parallel_loop3A_475 : vector<16xi32>
        %parallel_loop3A_477 = tpu.vector_load_idx %arg6[%parallel_loop3A_473, %parallel_loop3A_476] : memref<782x128xf32, #tpu.memory_space<vmem>>[vector<16xi32>, vector<16xi32>], vector<16xf32>,
        %parallel_loop3A_478 = vector.broadcast %squeeze3A : f32 to vector<16xf32>
        %parallel_loop3A_479 = arith.mulf %parallel_loop3A_477, %parallel_loop3A_478 : vector<16xf32>
        %parallel_loop3A_480 = arith.constant 1 : i32
        %parallel_loop3A_481 = arith.index_cast %parallel_loop3A_480 : i32 to index
        %parallel_loop3A_482 = arith.index_cast %parallel_loop3A_308 : i32 to index
        %parallel_loop3A_483 = arith.constant 112 : index
        %parallel_loop3A_484 = tpu.vector_load %arg8[%parallel_loop3A_481, %parallel_loop3A_482, %parallel_loop3A_483] {strides = array<i32>} : memref<2x32x128xf32, #tpu.memory_space<vmem>>, vector<16xf32>,
        tpu.vector_store %arg8[%parallel_loop3A_481, %parallel_loop3A_482, %parallel_loop3A_483], %parallel_loop3A_479 {strides = array<i32>} : memref<2x32x128xf32, #tpu.memory_space<vmem>>, vector<16xf32>,
      } {sc.loop_unroll_factor = 16 : i64, sc.parallel_access}
      %dma_start3A_284 = arith.constant 1 : i32
      %dma_start3A_285 = arith.constant 0 : i32
      %dma_start3A_286 = arith.constant 0 : i32
      %dma_start3A_287 = tpu.memref_slice %arg8[%dma_start3A_284, %dma_start3A_285, %dma_start3A_286] : memref<2x32x128xf32, #tpu.memory_space<vmem>> -> memref<1x32x128xf32, #tpu.memory_space<vmem>>
      %dma_start3A_288 = tpu.memref_squeeze %dma_start3A_287 : memref<1x32x128xf32, #tpu.memory_space<vmem>> -> memref<32x128xf32, #tpu.memory_space<vmem>>
      %dma_start3A_289 = arith.constant 0 : i32
      %dma_start3A_290 = arith.constant 0 : i32
      %dma_start3A_291 = tpu.memref_slice %arg5[%add3A_265, %select_n3A_129, %dma_start3A_289, %rem3A_131, %dma_start3A_290] : memref<50x8x32x8x128xf32, #tpu.memory_space<hbm>> -> memref<1x1x32x1x128xf32, #tpu.memory_space<hbm>>
      %dma_start3A_292 = tpu.memref_squeeze %dma_start3A_291 : memref<1x1x32x1x128xf32, #tpu.memory_space<hbm>> -> memref<32x128xf32, #tpu.memory_space<hbm>>
      %dma_start3A_293 = arith.constant 0 : i32
      %dma_start3A_294 = arith.constant 0 : i32
      %dma_start3A_295 = tpu.memref_slice %arg5[%add3A_265, %select_n3A_129, %dma_start3A_293, %rem3A_131, %dma_start3A_294] : memref<50x8x32x8x128xf32, #tpu.memory_space<hbm>> -> memref<1x1x32x1x128xf32, #tpu.memory_space<hbm>>
      %dma_start3A_296 = tpu.memref_squeeze %dma_start3A_295 : memref<1x1x32x1x128xf32, #tpu.memory_space<hbm>> -> memref<32x128xf32, #tpu.memory_space<hbm>>
      %dma_start3A_297 = arith.constant 0 : i32
      %dma_start3A_298 = arith.constant 0 : i32
      %dma_start3A_299 = tpu.memref_slice %arg8[%dma_start3A_284, %dma_start3A_297, %dma_start3A_298] : memref<2x32x128xf32, #tpu.memory_space<vmem>> -> memref<1x32x128xf32, #tpu.memory_space<vmem>>
      %dma_start3A_300 = tpu.memref_squeeze %dma_start3A_299 : memref<1x32x128xf32, #tpu.memory_space<vmem>> -> memref<32x128xf32, #tpu.memory_space<vmem>>
      tpu.enqueue_dma source(%dma_start3A_300 : memref<32x128xf32, #tpu.memory_space<vmem>>) target(%dma_start3A_296 : memref<32x128xf32, #tpu.memory_space<hbm>>) target_semaphore(%arg12 : memref<!tpu.dma_semaphore, #tpu.memory_space<semaphore_mem>>)
      %add3A_301 = arith.constant 1 : i32
      %add3A_302 = arith.addi %add3A_265, %add3A_301 : i32
      %lt3A_303 = arith.constant 50 : i32
      %lt3A_304 = arith.cmpi slt, %add3A_302, %lt3A_303 : i32
      %convert_element_type3A_305 = arith.extui %lt3A_304 : i1 to i32
      %cond3A_306 = arith.constant 0 : i32
      %cond3A_307 = arith.cmpi ne, %convert_element_type3A_305, %cond3A_306 : i32
      scf.if %cond3A_307 {
        %add3A_308 = arith.constant 1 : i32
        %add3A_309 = arith.addi %add3A_265, %add3A_308 : i32
        %dma_wait3A_310 = arith.constant 0 : i32
        %dma_wait3A_311 = arith.constant 0 : i32
        %dma_wait3A_312 = tpu.memref_slice %arg7[%dma_wait3A_310, %dma_wait3A_311] : memref<2x4096xi32, #tpu.memory_space<vmem>> -> memref<1x4096xi32, #tpu.memory_space<vmem>>
        %dma_wait3A_313 = tpu.memref_squeeze %dma_wait3A_312 : memref<1x4096xi32, #tpu.memory_space<vmem>> -> memref<4096xi32, #tpu.memory_space<vmem>>
        %dma_wait3A_314 = arith.constant 0 : i32
        %dma_wait3A_315 = tpu.memref_slice %arg9[%add3A_309, %dma_wait3A_314] : memref<50x4096xi32, #tpu.memory_space<vmem_shared>> -> memref<1x4096xi32, #tpu.memory_space<vmem_shared>>
        %dma_wait3A_316 = tpu.memref_squeeze %dma_wait3A_315 : memref<1x4096xi32, #tpu.memory_space<vmem_shared>> -> memref<4096xi32, #tpu.memory_space<vmem_shared>>
        %dma_wait3A_317 = arith.constant 0 : i32
        %dma_wait3A_318 = tpu.memref_slice %arg7[%dma_wait3A_310, %dma_wait3A_317] : memref<2x4096xi32, #tpu.memory_space<vmem>> -> memref<1x4096xi32, #tpu.memory_space<vmem>>
        %dma_wait3A_319 = tpu.memref_squeeze %dma_wait3A_318 : memref<1x4096xi32, #tpu.memory_space<vmem>> -> memref<4096xi32, #tpu.memory_space<vmem>>
        %dma_wait3A_320 = arith.constant 0 : i32
        %dma_wait3A_321 = tpu.memref_slice %arg9[%add3A_309, %dma_wait3A_320] : memref<50x4096xi32, #tpu.memory_space<vmem_shared>> -> memref<1x4096xi32, #tpu.memory_space<vmem_shared>>
        %dma_wait3A_322 = tpu.memref_squeeze %dma_wait3A_321 : memref<1x4096xi32, #tpu.memory_space<vmem_shared>> -> memref<4096xi32, #tpu.memory_space<vmem_shared>>
        tpu.wait_dma2 semaphore(%arg11 : memref<!tpu.dma_semaphore, #tpu.memory_space<semaphore_mem>>) src(%dma_wait3A_322 : memref<4096xi32, #tpu.memory_space<vmem_shared>>) dst(%dma_wait3A_319 : memref<4096xi32, #tpu.memory_space<vmem>>)
      } else {
      }
    }
    %scan3A_180 = arith.constant 25 : i32
    %dma_wait3A_181 = arith.constant 0 : i32
    %dma_wait3A_182 = arith.constant 48 : i32
    %dma_wait3A_183 = arith.constant 0 : i32
    %dma_wait3A_184 = arith.constant 0 : i32
    %dma_wait3A_185 = tpu.memref_slice %arg8[%dma_wait3A_181, %dma_wait3A_183, %dma_wait3A_184] : memref<2x32x128xf32, #tpu.memory_space<vmem>> -> memref<1x32x128xf32, #tpu.memory_space<vmem>>
    %dma_wait3A_186 = tpu.memref_squeeze %dma_wait3A_185 : memref<1x32x128xf32, #tpu.memory_space<vmem>> -> memref<32x128xf32, #tpu.memory_space<vmem>>
    %dma_wait3A_187 = arith.constant 0 : i32
    %dma_wait3A_188 = arith.constant 0 : i32
    %dma_wait3A_189 = tpu.memref_slice %arg5[%dma_wait3A_182, %select_n3A_129, %dma_wait3A_187, %rem3A_131, %dma_wait3A_188] : memref<50x8x32x8x128xf32, #tpu.memory_space<hbm>> -> memref<1x1x32x1x128xf32, #tpu.memory_space<hbm>>
    %dma_wait3A_190 = tpu.memref_squeeze %dma_wait3A_189 : memref<1x1x32x1x128xf32, #tpu.memory_space<hbm>> -> memref<32x128xf32, #tpu.memory_space<hbm>>
    %dma_wait3A_191 = arith.constant 0 : i32
    %dma_wait3A_192 = arith.constant 0 : i32
    %dma_wait3A_193 = tpu.memref_slice %arg5[%dma_wait3A_182, %select_n3A_129, %dma_wait3A_191, %rem3A_131, %dma_wait3A_192] : memref<50x8x32x8x128xf32, #tpu.memory_space<hbm>> -> memref<1x1x32x1x128xf32, #tpu.memory_space<hbm>>
    %dma_wait3A_194 = tpu.memref_squeeze %dma_wait3A_193 : memref<1x1x32x1x128xf32, #tpu.memory_space<hbm>> -> memref<32x128xf32, #tpu.memory_space<hbm>>
    %dma_wait3A_195 = arith.constant 0 : i32
    %dma_wait3A_196 = arith.constant 0 : i32
    %dma_wait3A_197 = tpu.memref_slice %arg8[%dma_wait3A_181, %dma_wait3A_195, %dma_wait3A_196] : memref<2x32x128xf32, #tpu.memory_space<vmem>> -> memref<1x32x128xf32, #tpu.memory_space<vmem>>
    %dma_wait3A_198 = tpu.memref_squeeze %dma_wait3A_197 : memref<1x32x128xf32, #tpu.memory_space<vmem>> -> memref<32x128xf32, #tpu.memory_space<vmem>>
    tpu.wait_dma2 semaphore(%arg12 : memref<!tpu.dma_semaphore, #tpu.memory_space<semaphore_mem>>) src(%dma_wait3A_198 : memref<32x128xf32, #tpu.memory_space<vmem>>) dst(%dma_wait3A_194 : memref<32x128xf32, #tpu.memory_space<hbm>>)
    %dma_wait3A_199 = arith.constant 1 : i32
    %dma_wait3A_200 = arith.constant 49 : i32
    %dma_wait3A_201 = arith.constant 0 : i32
    %dma_wait3A_202 = arith.constant 0 : i32
    %dma_wait3A_203 = tpu.memref_slice %arg8[%dma_wait3A_199, %dma_wait3A_201, %dma_wait3A_202] : memref<2x32x128xf32, #tpu.memory_space<vmem>> -> memref<1x32x128xf32, #tpu.memory_space<vmem>>
    %dma_wait3A_204 = tpu.memref_squeeze %dma_wait3A_203 : memref<1x32x128xf32, #tpu.memory_space<vmem>> -> memref<32x128xf32, #tpu.memory_space<vmem>>
    %dma_wait3A_205 = arith.constant 0 : i32
    %dma_wait3A_206 = arith.constant 0 : i32
    %dma_wait3A_207 = tpu.memref_slice %arg5[%dma_wait3A_200, %select_n3A_129, %dma_wait3A_205, %rem3A_131, %dma_wait3A_206] : memref<50x8x32x8x128xf32, #tpu.memory_space<hbm>> -> memref<1x1x32x1x128xf32, #tpu.memory_space<hbm>>
    %dma_wait3A_208 = tpu.memref_squeeze %dma_wait3A_207 : memref<1x1x32x1x128xf32, #tpu.memory_space<hbm>> -> memref<32x128xf32, #tpu.memory_space<hbm>>
    %dma_wait3A_209 = arith.constant 0 : i32
    %dma_wait3A_210 = arith.constant 0 : i32
    %dma_wait3A_211 = tpu.memref_slice %arg5[%dma_wait3A_200, %select_n3A_129, %dma_wait3A_209, %rem3A_131, %dma_wait3A_210] : memref<50x8x32x8x128xf32, #tpu.memory_space<hbm>> -> memref<1x1x32x1x128xf32, #tpu.memory_space<hbm>>
    %dma_wait3A_212 = tpu.memref_squeeze %dma_wait3A_211 : memref<1x1x32x1x128xf32, #tpu.memory_space<hbm>> -> memref<32x128xf32, #tpu.memory_space<hbm>>
    %dma_wait3A_213 = arith.constant 0 : i32
    %dma_wait3A_214 = arith.constant 0 : i32
    %dma_wait3A_215 = tpu.memref_slice %arg8[%dma_wait3A_199, %dma_wait3A_213, %dma_wait3A_214] : memref<2x32x128xf32, #tpu.memory_space<vmem>> -> memref<1x32x128xf32, #tpu.memory_space<vmem>>
    %dma_wait3A_216 = tpu.memref_squeeze %dma_wait3A_215 : memref<1x32x128xf32, #tpu.memory_space<vmem>> -> memref<32x128xf32, #tpu.memory_space<vmem>>
    tpu.wait_dma2 semaphore(%arg12 : memref<!tpu.dma_semaphore, #tpu.memory_space<semaphore_mem>>) src(%dma_wait3A_216 : memref<32x128xf32, #tpu.memory_space<vmem>>) dst(%dma_wait3A_212 : memref<32x128xf32, #tpu.memory_space<hbm>>)
    return
  }
}

module attributes {stable_mosaic.version = 14 : i64} {
  func.func @tx(%arg0: i32, %arg1: memref<64x5888xf32, #tpu.memory_space<vmem>>, %arg2: memref<8x46x8x128xf32, #tpu.memory_space<vmem>>) attributes {dimension_semantics = [#tpu.dimension_semantics<arbitrary>], iteration_bounds = array<i64: 17>, scalar_prefetch = 0 : i64, scratch_operands = 0 : i64, tpu.core_type = #tpu.core_type<tc>, window_params = [{transform_indices = @transform_0, window_bounds = array<i64: 64, 5888>}, {transform_indices = @transform_1, window_bounds = array<i64: 8, 46, 8, 128>}]} {
    %get3A = arith.constant 0 : index
    %get3A_0 = arith.constant 0 : index
    %get3A_1 = vector.load %arg1[%get3A, %get3A_0] : memref<64x5888xf32, #tpu.memory_space<vmem>>, vector<64x5888xf32>
    %reshape3A = vector.shape_cast %get3A_1 : vector<64x5888xf32> to vector<8x8x46x128xf32>
    %transpose3A = tpu.transpose %reshape3A, [0, 2, 1, 3] : vector<8x8x46x128xf32> -> vector<8x46x8x128xf32>
    %swap3A = arith.constant 0 : index
    %swap3A_2 = arith.constant 0 : index
    %swap3A_3 = arith.constant 0 : index
    %swap3A_4 = arith.constant 0 : index
    %swap3A_5 = vector.load %arg2[%swap3A, %swap3A_2, %swap3A_3, %swap3A_4] : memref<8x46x8x128xf32, #tpu.memory_space<vmem>>, vector<8x46x8x128xf32>
    tpu.vector_store %arg2[%swap3A, %swap3A_2, %swap3A_3, %swap3A_4], %transpose3A {strides = array<i32>} : memref<8x46x8x128xf32, #tpu.memory_space<vmem>>, vector<8x46x8x128xf32>,
    return
  }
  func.func @transform_0(%arg0: i32) -> (i32, i32) {
    %c0_i32 = arith.constant 0 : i32
    %c0_i32_0 = arith.constant 0 : i32
    return %c0_i32, %arg0 : i32, i32
  }
  func.func @transform_1(%arg0: i32) -> (i32, i32, i32, i32) {
    %c0_i32 = arith.constant 0 : i32
    %c0_i32_0 = arith.constant 0 : i32
    %c0_i32_1 = arith.constant 0 : i32
    %c0_i32_2 = arith.constant 0 : i32
    return %c0_i32, %arg0, %c0_i32_0, %c0_i32_1 : i32, i32, i32, i32
  }
}

</mosaic_0001>

<sc_bundles>
// kernel: kernel.4.cloned.1.call-start
scs
__scs_entry_jumppad:
0x0: {  	(pc) =	sbr.rel $0x88, $3  }
0x1: {  	(tag) =	ssettag $0x0;
	lr =	simm.s32 $0x1  }
0x2: {  	[smem:$0x3F9F] =	sst lr;
	_ =	strace $0xD0000000  }
0x3: {  	_ = 	snop  }
0x4: {  	_ = 	snop  }
0x5: {  	_ = 	snop  }
0x6: {  	_ = 	snop  }
0x7: {  	_ = 	snop  }
__scs_overlays_trampoline_lowered:
0x8: {  	[smem:$0x3FAE] =	sst s0  }
0x9: {  	[smem:$0x3FAF] =	sst s1  }
0xa: {  	[smem:$0x3FB0] =	sst s2  }
0xb: {  	[smem:$0x3FB1] =	sst s3  }
0xc: {  	[smem:$0x3FB2] =	sst s4  }
0xd: {  	[smem:$0x3FB3] =	sst s5  }
0xe: {  	[smem:$0x3FB4] =	sst s6  }
0xf: {  	[smem:$0x3FB5] =	sst s7  }
0x10: {  	[smem:$0x3FB6] =	sst s8  }
0x11: {  	[smem:$0x3FB7] =	sst s9;
	s0 =	simm.s32 @!p0 $0x0  }
0x12: {  	s1 =	sld [smem:$0x3F9D];
	s0 =	simm.s32 @p0 $0x1  }
0x13: {  	[smem:$0x3FB8] =	sst s0;
	s0 =	simm.s32 @!p1 $0x0  }
0x14: {  	s2 =	sld [smem:$0x3F9C];
	s0 =	simm.s32 @p1 $0x1  }
0x15: {  	[smem:$0x3FB9] =	sst s0;
	s0 =	simm.s32 @!p2 $0x0  }
0x16: {  	s3 =	sld [smem:$0x3FDB];
	s0 =	simm.s32 @p2 $0x1  }
0x17: {  	s4 =	simm.s32 $0x1BF5;
	[smem:$0x3FBB] =	sst s0  }
0x18: {  	s0 =	sld [smem:$0x3F9E];
	_ =	swait.ge [sflag:s4], $0x0  }
0x19: {  	s7 =	sld [smem:$0x3F9F]  }
0x1a: {  	s8 =	sadd.s32 $0xFFFFE003, lr  }
0x1b: {  	s9 =	sadd.s32 $0xFFFFFEF7, lr;
	s5 =	simm.s32 $0xFFFFFFFF;
	p2 =	slt.u32 s8, $0xFFFFF086  }
0x1c: {  	p1 =	slt.u32 s9, $0xF7A;
	s5 =	simm.s32 @!p2 $0x0  }
0x1d: {  	s5 =	simm.s32 @p1 $0x1;
	p0 =	seq.s32 s7, s2  }
0x1e: {  	s7 =	smul.u32 @!p0 $0xF7A, s2;
	p2 =	seq.s32 @!p0 s5, $0x0  }
0x1f: {  	s9 =	smul.u32 $0xF7A, s1;
	s8 =	simm.s32 @!p0 $0x1BF5;
	p2 =	por !p2, p0  }
0x20: {  	[sflag:s8] =	ssyncset.s32 @!p0 $0xFFFFF086;
	s6 =	sadd.s32 @!p0 s3, s7;
	s7 =	simm.s32 @!p0 $0x108  }
0x21: {  	s3 =	sadd.s32 s3, s9;
	s6 =	sadd.s32 @!p0 $0x88, s6;
	s7 =	simm.s32 @p2 $0x1082  }
0x22: {  	[simem:s7], [sflag:s8] =	dma.local @!p0 [hbm:s6], $0xF7A  }
0x23: {  	s9 =	sor.u32 $0xD0000000, s2;
	s6 =	simm.s32 $0x108;
	_ =	swait.ge @!p0 [sflag:s8], $0x0  }
0x24: {  	s3 =	sadd.s32 $0x88, s3;
	s6 =	simm.s32 @!p1 $0x1082;
	[sflag:s4] =	ssyncset.s32 $0xFFFFF086  }
0x25: {  	[simem:s6], [sflag:s4] =	dma.local [hbm:s3], $0xF7A  }
0x26: {  	[smem:$0x3F9F] =	sst s1;
	(tag) =	ssettag s2;
	_ =	strace s9  }
0x27: {  	s1 =	sld [smem:$0x3FAF]  }
0x28: {  	s2 =	sld [smem:$0x3FB0]  }
0x29: {  	s4 =	sld [smem:$0x3FB2]  }
0x2a: {  	p0 =	seq.s32 s5, $0x0;
	s5 =	sld [smem:$0x3FB3]  }
0x2b: {  	s6 =	sld [smem:$0x3FB4]  }
0x2c: {  	s7 =	sld [smem:$0x3FB5]  }
0x2d: {  	s3 =	simm.s32 $0x108;
	s8 =	sld [smem:$0x3FB6]  }
0x2e: {  	s3 =	simm.s32 @!p0 $0x1082;
	s9 =	sld [smem:$0x3FB7]  }
0x2f: {  	lr =	sadd.s32 s0, s3;
	s0 =	sld [smem:$0x3FAE]  }
0x30: {  	s3 =	sld [smem:$0x3FB1]  }
0x31: {  	[smem:$0x3FBA] =	sst s10  }
0x32: {  	s10 =	sld [smem:$0x3FB8];
	_ =	sdelay $0x3  }
0x33: {  	p0 =	seq.s32 s10, $0x1;
	s10 =	sld [smem:$0x3FBA];
	_ =	sdelay $0x3  }
0x34: {  	[smem:$0x3FBA] =	sst s10  }
0x35: {  	s10 =	sld [smem:$0x3FB9];
	_ =	sdelay $0x3  }
0x36: {  	p1 =	seq.s32 s10, $0x1;
	s10 =	sld [smem:$0x3FBA];
	_ =	sdelay $0x3  }
0x37: {  	[smem:$0x3FBA] =	sst s10  }
0x38: {  	s10 =	sld [smem:$0x3FBB]  }
0x39: {  	_ = 	snop;
	(pc) =	sbr.ind lr, $3  }
0x3a: {  	_ = 	snop  }
0x3b: {  	_ = 	snop  }
0x3c: {  	p2 =	seq.s32 s10, $0x1;
	s10 =	sld [smem:$0x3FBA]  }
0x3d: {  	_ =	shalt  }
0x3e: {  	_ =	shalt  }
0x3f: {  	_ =	shalt  }
0x40: {  	_ =	shalt  }
0x41: {  	_ =	shalt  }
0x42: {  	_ =	shalt  }
0x43: {  	_ =	shalt  }
0x44: {  	_ =	shalt  }
0x45: {  	_ =	shalt  }
0x46: {  	_ =	shalt  }
0x47: {  	_ =	shalt  }
0x48: {  	_ =	shalt  }
0x49: {  	_ =	shalt  }
0x4a: {  	_ =	shalt  }
0x4b: {  	_ =	shalt  }
0x4c: {  	_ =	shalt  }
0x4d: {  	_ =	shalt  }
0x4e: {  	_ =	shalt  }
0x4f: {  	_ =	shalt  }
0x50: {  	_ =	shalt  }
0x51: {  	_ =	shalt  }
0x52: {  	_ =	shalt  }
0x53: {  	_ =	shalt  }
0x54: {  	_ =	shalt  }
0x55: {  	_ =	shalt  }
0x56: {  	_ =	shalt  }
0x57: {  	_ =	shalt  }
0x58: {  	_ =	shalt  }
0x59: {  	_ =	shalt  }
0x5a: {  	_ =	shalt  }
0x5b: {  	_ =	shalt  }
0x5c: {  	_ =	shalt  }
0x5d: {  	_ =	shalt  }
0x5e: {  	_ =	shalt  }
0x5f: {  	_ =	shalt  }
0x60: {  	_ =	shalt  }
0x61: {  	_ =	shalt  }
0x62: {  	_ =	shalt  }
0x63: {  	_ =	shalt  }
0x64: {  	_ =	shalt  }
0x65: {  	_ =	shalt  }
0x66: {  	_ =	shalt  }
0x67: {  	_ =	shalt  }
0x68: {  	_ =	shalt  }
0x69: {  	_ =	shalt  }
0x6a: {  	_ =	shalt  }
0x6b: {  	_ =	shalt  }
0x6c: {  	_ =	shalt  }
0x6d: {  	_ =	shalt  }
0x6e: {  	_ =	shalt  }
0x6f: {  	_ =	shalt  }
0x70: {  	_ =	shalt  }
0x71: {  	_ =	shalt  }
0x72: {  	_ =	shalt  }
0x73: {  	_ =	shalt  }
0x74: {  	_ =	shalt  }
0x75: {  	_ =	shalt  }
0x76: {  	_ =	shalt  }
0x77: {  	_ =	shalt  }
0x78: {  	_ =	shalt  }
0x79: {  	_ =	shalt  }
0x7a: {  	_ =	shalt  }
0x7b: {  	_ =	shalt  }
0x7c: {  	_ =	shalt  }
0x7d: {  	_ =	shalt  }
0x7e: {  	_ =	shalt  }
0x7f: {  	_ =	shalt  }
0x80: {  	_ =	shalt  }
0x81: {  	_ =	shalt  }
0x82: {  	_ =	shalt  }
0x83: {  	_ =	shalt  }
0x84: {  	_ =	shalt  }
0x85: {  	_ =	shalt  }
0x86: {  	_ =	shalt  }
0x87: {  	_ =	shalt  }
.Lfunc_end0:
.L_simem_size_0:
called_computation_lowered:
.L_overlay_start_0:
0x88: {  	s2 =	sld [smem:$0x3FD9]  }
0x89: {  	s3 =	sld [smem:$0x3FFE];
	_ =	sdelay $0x1  }
0x8a: {  	s1 =	srdreg.scid  }
0x8b: {  	s0 =	sand.u32 $0x1, s1  }
0x8c: {  	s17 =	sshll.u32 s0, $0xA;
	s2 =	sadd.s32 s3, s2  }
0x8d: {  	s2 =	sadd.s32 s2, s17  }
0x8e: {  	[smem:$0x3FC6] =	sst s2  }
0x8f: {  	_ = 	snop  }
0x90: {  	s2 =	sld [smem:$0x3FD0];
	(tm) =	ssettm $0x1  }
0x91: {  	s18 =	sld [smem:$0x3FFB];
	_ =	sdelay $0x3  }
0x92: {  	_ =	strace s18  }
0x93: {  	s3 =	sld [smem:$0x3FFC];
	_ =	sdelay $0x3  }
0x94: {  	_ =	strace s3  }
0x95: {  	s3 =	sld [smem:$0x3FFD];
	_ =	sdelay $0x3  }
0x96: {  	_ =	strace s3  }
0x97: {  	_ =	strace $0x8FFFFFFF  }
0x98: {  	s19 =	sld [smem:$0x3FDB];
	_ =	sdelay $0x1  }
0x99: {  	s4 =	simm.s32 $_scs_section_size  }
0x9a: {  	s5 =	simm.s32 $_size__tile_overlayer_lowered;
	s6 =	simm.s32 $_tile_overlayer_lowered  }
0x9b: {  	s22 =	simm.s32 $0x1BFF;
	s21 =	sshll.u32 s6, $0x1;
	s3 =	sadd.s32 s4, s19  }
0x9c: {  	s7 =	simm.s32 $0x0;
	s20 =	sshll.u32 s5, $0x1;
	s5 =	sadd.s32 s21, s3  }
0x9d: {  	[timem:s7], [sflag:s22] =	dma.local [hbm:s5], s20  }
0x9e: {  	_ =	swait.ge [sflag:s22], s20  }
0x9f: {  	s4 =	ssub.s32 $0x0, s20;
	[sflag:s22] =	ssyncset.done $0x0  }
0xa0: {  	[sflag:s22] =	ssyncadd.s32 s4;
	_ =	sdelay $0x1  }
0xa1: {  	s23 =	simm.s32 $0x1B8B  }
0xa2: {  	_ =	swait.ge [sflag:s23], $0x1  }
0xa3: {  	[sflag:s23] =	ssyncset.done $0x0  }
0xa4: {  	s25 =	simm.s32 $0x1B8E;
	s24 =	sld [smem:$0x3FFE];
	[sflag:s23] =	ssyncadd.s32 $0xFFFFFFFF  }
0xa5: {  	s26 =	simm.s32 $execute0_lowered;
	[smem:$0x3FD2] =	sst s25  }
0xa6: {  	s5 =	sshll.u32 s26, $0x1;
	_ =	strace $0x80000046;
	[dreg:$0x1] =	wrdreg $0xFFFFFFFF  }
0xa7: {  	s28 =	simm.s32 $_size_execute0_lowered;
	s3 =	sadd.s32 s3, s5;
	[dreg:$0x0] =	wrdreg $0x0  }
0xa8: {  	s5 =	sshll.u32 s28, $0x1;
	[dreg:$0x2] =	wrdreg s3  }
0xa9: {  	[dreg:$0x3] =	wrdreg s5  }
0xaa: {  	[dreg:$0x4] =	wrdreg $0xC0  }
0xab: {  	_ =	task [dreg:s7], $0x5FFFF  }
0xac: {  	[dreg:$0x1] =	wrdreg $0xFFFFFFFF  }
0xad: {  	[dreg:$0x0] =	wrdreg $0x60  }
0xae: {  	[dreg:$0x2] =	wrdreg s24  }
0xaf: {  	[dreg:$0x3] =	wrdreg s2  }
0xb0: {  	[dreg:$0x4] =	wrdreg $0x1C7000  }
0xb1: {  	[dreg:$0x5] =	wrdreg $0x9  }
0xb2: {  	_ =	task.clear_ibuf [dreg:s7], $0x6FFFF;
	_ =	strace $0x90000046  }
0xb3: {  	s29 =	simm.s32 $0x9;
	_ =	strace $0x80000048  }
0xb4: {  	_ =	swait.ge [sflag:s29], $0x1  }
0xb5: {  	[sflag:s29] =	ssyncadd.s32 $0xFFFFFFFF  }
0xb6: {  	_ =	strace $0x90000048  }
0xb7: {  	_ =	sfence  }
0xb8: {  	s30 =	sld [smem:$0x0];
	_ =	sdelay $0x2  }
0xb9: {  	s31 =	sshll.u32 s1, $0xD;
	s1 =	sshrl.u32 s1, $0x2  }
0xba: {  	s3 =	sand.u32 $0x4000, s31;
	s1 =	sadd.s32 s1, s30  }
0xbb: {  	s0 =	sor.u32 s3, s0;
	s1 =	sshll.u32 s1, $0x11  }
0xbc: {  	s0 =	sor.u32 s1, s0  }
0xbd: {  	s0 =	sadd.s32 $0x8F2B, s0  }
0xbe: {  	[sflag:s0] =	ssyncadd.remote.s32 $0x1  }
0xbf: {  	_ =	sfence.sel $0xFFFF  }
0xc0: {  	[dreg:$0x0] =	wrdreg $0xFFFFFFFF;
	(pc) =	sbr.abs _section_cstart, $3  }
0xc1: {  	[dreg:$0x1] =	wrdreg $0xFFFFFFFF  }
0xc2: {  	_ =	task.clear_ibuf [dreg:s7], $0x2FFFF;
	_ =	strace $0x9FFFFFFF  }
0xc3: {  	(tm) =	ssettm $0x7FFFFFFF  }
tec
execute0_lowered:
.L_overlay_start_1:
0x0: {  	(tag) =	ssettag $0x1  }
0x1: {  	s5 =	rddreg [dreg:$0x0]  }
0x2: {  	s2 =	rddreg [dreg:$0x1]  }
0x3: {  	s3 =	rddreg [dreg:$0x2]  }
0x4: {  	s0 =	rddreg [dreg:$0x3];
	s4 =	simm.s32 $0x0  }
0x5: {  	s1 =	stileid.u32;
	s7 =	srdreg.scid;
	s16 =	simm.s32 $0x80  }
0x6: {  	s17 =	simm.s32 $0x400;
	s18 =	simm.s32 $0x1;
	s19 =	simm.s32 $0x18700  }
0x7: {  	s20 =	simm.s32 $0x2;
	s21 =	simm.s32 $0x19700;
	s22 =	simm.s32 $0x1A700  }
0x8: {  	s23 =	simm.s32 $0x1B700;
	s24 =	simm.s32 $0x3;
	s25 =	simm.s32 $0x0  }
0x9: {  	[smem:$0x7FF] =	sst s4;
	s6 =	smul.u32 $0x5000, s1;
	s8 =	sadd.s32 $0x6800, s5  }
0xa: {  	s7 =	sand.u32 $0x1, s7;
	s11 =	sshrl.u32 s1, $0x2;
	s12 =	sshll.u32 s1, $0x8  }
0xb: {  	p0 =	sgt.u32 s1, $0x9;
	_ =	strace $0x80000047;
	s10 =	ssub.s32 $0x2, s7  }
0xc: {  	s7 =	sshll.u32 s7, $0x7;
	s12 =	sand.u32 $0x300, s12;
	s13 =	smul.u32 $0xC3800, s11  }
0xd: {  	s14 =	sor.u32 $0x4, s11;
	s11 =	sshll.u32 s11, $0xF;
	s9 =	sshrl.u32 s6, $0x3  }
0xe: {  	s15 =	sshrl.u32 s10, $0x1;
	s12 =	sor.u32 s7, s12;
	s26 =	smul.u32 $0xC3800, s14  }
0xf: {  	s31 =	sshll.u32 s14, $0xF;
	s14 =	sshll.u32 @!p0 s1, $0x6;
	s9 =	sadd.s32 s9, s5  }
0x10: {  	s5 =	sadd.s32 $0xCA000, s5;
	s10 =	ssub.s32 s10, s15;
	s15 =	sadd.s32 s6, s3  }
.Ltmp0:
0x11: {  	s13 =	sor.u32 s13, s12;
	s14 =	sor.u32 @!p0 $0x1C02, s14;
	(pc) =	sbr.rel .LBB2_1-.Ltmp0, $4  }
0x12: {  	s6 =	sadd.s32 $0x400, s9;
	s28 =	sshrl.u32 s13, $0x3;
	s29 =	sor.u32 s12, s26  }
0x13: {  	s9 =	smax.u32 s10, $0x1;
	s10 =	sor.u32 s12, s11;
	s11 =	sor.u32 s12, s31  }
0x14: {  	s12 =	simm.s32 $0x1F900;
	s13 =	simm.s32 $0x4;
	s30 =	sshrl.u32 s29, $0x3  }
0x15: {  	s15 =	sshrl.u32 @!p0 s15, $0x3;
	s7 =	sadd.s32 s8, s28;
	s8 =	sadd.s32 s8, s30  }
.LBB2_15:
0x16: {  	s25 =	sadd.s32 $0x1, s25  }
0x17: {  	_ =	swait.ge [sflag:s24], $0x1000;
	p1 =	sne.s32 s25, s9  }
.Ltmp1:
0x18: {  	[sflag:s24] =	ssyncset.done $0x0;
	(pc) =	sbr.rel @!p1 .LBB2_16-.Ltmp1, $4  }
0x19: {  	[sflag:s24] =	ssyncadd.s32 $0xFFFFF000  }
0x1a: {  	_ =	swait.ge [sflag:s24], $0x1000  }
0x1b: {  	[sflag:s24] =	ssyncset.done $0x0  }
0x1c: {  	[sflag:s24] =	ssyncadd.s32 $0xFFFFF000  }
.LBB2_1:
0x1d: {  	[tilespmem:s12], [sflag:$0x4] =	stream.linear.gather [hbm4b:s5+s4], $0x1, $0x38;
	[tilespmem:$0x1F910] =	vst v63  }
0x1e: {  	_ =	swait.ge [sflag:s13], $0x1  }
0x1f: {  	[sflag:s13] =	ssyncset.done $0x0  }
0x20: {  	s26 =	simm.s32 @!p0 $0x2;
	[sflag:s13] =	ssyncadd.s32 $0xFFFFFFFF  }
0x21: {  	v0 =	vld [tilespmem:$0x1F900];
	[spmem:s15], [sflag:s14] =	dma.local @!p0 [hbm:s6], $0xA00  }
0x22: {  	_ =	swait.ge @!p0 [sflag:s26], $0xA00  }
0x23: {  	[sflag:s26] =	ssyncset.done @!p0 $0x0  }
0x24: {  	[sflag:s26] =	ssyncadd.s32 @!p0 $0xFFFFF600  }
0x25: {  	[bflag:$0x0] =	sbarrier.arrive $0xFFFF  }
0x26: {  	[tilespmem:s4], [sflag:$0x1] =	stream.strided.gather [hbm4b:s7+s16], $0x18700, s17, s16, $0x38;
	[tilespmem:$0x1F910] =	vst v63  }
0x27: {  	_ =	swait.ge [sflag:s18], $0x18700  }
0x28: {  	[sflag:s18] =	ssyncset.done $0x0  }
0x29: {  	[sflag:s18] =	ssyncadd.s32 $0xFFFE7900  }
0x2a: {  	[tilespmem:s19], [sflag:$0x2] =	stream.linear.gather [spmem:s3], $0x1000, $0x38;
	[tilespmem:$0x1F910] =	vst v63  }
0x2b: {  	_ =	swait.ge [sflag:s20], $0x1000  }
0x2c: {  	[sflag:s20] =	ssyncset.done $0x0  }
0x2d: {  	s26 =	simm.s32 $0x0;
	v0 =	vbroadcast v0, $0x0;
	[sflag:s20] =	ssyncadd.s32 $0xFFFFF000  }
.LBB2_2:
0x2e: {  	s28 =	sshllo.u32 s26, $0x1  }
0x2f: {  	s29 =	sshll.u32 s28, $0xC  }
0x30: {  	s29 =	sand.u32 $0x3FFFF000, s29  }
0x31: {  	p1 =	seq.s32 s26, $0x0;
	s29 =	sadd.s32 s29, s3  }
0x32: {  	[tilespmem:s21], [sflag:$0x2] =	stream.linear.gather [spmem:s29], $0x1000, $0x38;
	[tilespmem:$0x1F910] =	vst v63  }
0x33: {  	s29 =	simm.s32 @!p1 $0x3  }
0x34: {  	_ =	swait.ge @!p1 [sflag:s29], $0x1000  }
0x35: {  	[sflag:s29] =	ssyncset.done @!p1 $0x0  }
0x36: {  	[sflag:s29] =	ssyncadd.s32 @!p1 $0xFFFFF000;
	s29 =	simm.s32 $0x0;
	p1 =	por $0x1, $0x1  }
.LBB2_3:
0x37: {  	v1 =	vld [tilespmem:s29+$0x18700]  }
0x38: {  	v2 =	vld [tilespmem:s29+$0x18780]  }
0x39: {  	v3 =	vld [tilespmem:s29+$0x18800]  }
0x3a: {  	v4 =	vld [tilespmem:s29+$0x18880]  }
0x3b: {  	v5 =	vld [tilespmem:s29+$0x18900]  }
0x3c: {  	v6 =	vld [tilespmem:s29+$0x18980]  }
0x3d: {  	v7 =	vld [tilespmem:s29+$0x18A00]  }
0x3e: {  	v8 =	vld [tilespmem:s29+$0x18A80]  }
0x3f: {  	v50 =	vld [tilespmem:s29+$0x18710]  }
0x40: {  	v51 =	vld [tilespmem:s29+$0x18790]  }
0x41: {  	v52 =	vld [tilespmem:s29+$0x18810]  }
0x42: {  	v53 =	vld [tilespmem:s29+$0x18890]  }
0x43: {  	v54 =	vld [tilespmem:s29+$0x18910]  }
0x44: {  	v55 =	vld [tilespmem:s29+$0x18720]  }
0x45: {  	v57 =	vld [tilespmem:s29+$0x187A0]  }
0x46: {  	v59 =	vld [tilespmem:s29+$0x18820]  }
0x47: {  	v60 =	vld [tilespmem:s29+$0x188A0]  }
0x48: {  	v61 =	vld [tilespmem:s29+$0x18920]  }
0x49: {  	v62 =	vld [tilespmem:s29+$0x18730]  }
0x4a: {  	v63 =	vld [tilespmem:s29+$0x187B0]  }
0x4b: {  	v12 =	vld [tilespmem:s29+$0x18830]  }
0x4c: {  	v13 =	vld [tilespmem:s29+$0x188B0]  }
0x4d: {  	v14 =	vld [tilespmem:s29+$0x18930]  }
0x4e: {  	v15 =	vld [tilespmem:s29+$0x18740]  }
0x4f: {  	v16 =	vld [tilespmem:s29+$0x187C0]  }
0x50: {  	v17 =	vld [tilespmem:s29+$0x18840]  }
0x51: {  	v18 =	vld [tilespmem:s29+$0x188C0]  }
0x52: {  	v19 =	vld [tilespmem:s29+$0x18940]  }
0x53: {  	v20 =	vld [tilespmem:s29+$0x18750]  }
0x54: {  	v21 =	vld [tilespmem:s29+$0x187D0]  }
0x55: {  	v22 =	vld [tilespmem:s29+$0x18850]  }
0x56: {  	v23 =	vld [tilespmem:s29+$0x188D0]  }
0x57: {  	v24 =	vld [tilespmem:s29+$0x18950]  }
0x58: {  	v25 =	vld [tilespmem:s29+$0x18760]  }
0x59: {  	v26 =	vld [tilespmem:s29+$0x187E0]  }
0x5a: {  	v27 =	vld [tilespmem:s29+$0x18860]  }
0x5b: {  	v28 =	vld [tilespmem:s29+$0x188E0]  }
0x5c: {  	v29 =	vld [tilespmem:s29+$0x18960]  }
0x5d: {  	v30 =	vld [tilespmem:s29+$0x18770]  }
0x5e: {  	v31 =	vld [tilespmem:s29+$0x187F0]  }
0x5f: {  	v9 =	vld [tilespmem:s29+$0x18870]  }
0x60: {  	v32 =	vld [tilespmem:s29+$0x188F0]  }
0x61: {  	v10 =	vld [tilespmem:s29+$0x18970]  }
0x62: {  	v11 =	vld [tilespmem:s29+$0x18AF0]  }
0x63: {  	v33 =	vld [tilespmem:s29+$0x18B00]  }
0x64: {  	v34 =	vld [tilespmem:s29+$0x18B80]  }
0x65: {  	v35 =	vld [tilespmem:s29+$0x18C00]  }
0x66: {  	v38 =	vld [tilespmem:s29+$0x18B10]  }
0x67: {  	v40 =	vld [tilespmem:s29+$0x18B90]  }
0x68: {  	v42 =	vld [tilespmem:s29+$0x18C10]  }
0x69: {  	v44 =	vld [tilespmem:s29+$0x18C90]  }
0x6a: {  	v46 =	vld [tilespmem:s29+$0x18D10]  }
0x6b: {  	v48 =	vld [tilespmem:s29+$0x18D90]  }
0x6c: {  	v49 =	vld [tilespmem:s29+$0x18E10]  }
0x6d: {  	v1 =	vld.idx.msk [tilespmem:v1+s4+$0x0], $0xffff  }
0x6e: {  	v2 =	vld.idx.msk [tilespmem:v2+s4+$0x0], $0xffff  }
0x6f: {  	v3 =	vld.idx.msk [tilespmem:v3+s4+$0x0], $0xffff  }
0x70: {  	v4 =	vld.idx.msk [tilespmem:v4+s4+$0x0], $0xffff  }
0x71: {  	v5 =	vld.idx.msk [tilespmem:v5+s4+$0x0], $0xffff  }
0x72: {  	v6 =	vld.idx.msk [tilespmem:v6+s4+$0x0], $0xffff;
	v1 =	vmul.f32 v1, v0  }
0x73: {  	v7 =	vld.idx.msk [tilespmem:v7+s4+$0x0], $0xffff;
	v2 =	vmul.f32 v2, v0  }
0x74: {  	[tilespmem:s29+$0x1A700] =	vst v1;
	v1 =	vmul.f32 v3, v0;
	v3 =	vld.idx.msk [tilespmem:v8+s4+$0x0], $0xffff  }
0x75: {  	[tilespmem:s29+$0x1A780] =	vst v2;
	v8 =	vld.idx.msk [tilespmem:v50+s4+$0x0], $0xffff  }
0x76: {  	v2 =	vmul.f32 v4, v0;
	v4 =	vld.idx.msk [tilespmem:v51+s4+$0x0], $0xffff  }
0x77: {  	v50 =	vld [tilespmem:s29+$0x18E90]  }
0x78: {  	v51 =	vld [tilespmem:s29+$0x18B20];
	[tilespmem:s29+$0x1A800] =	vst v1  }
0x79: {  	v1 =	vmul.f32 v5, v0;
	[tilespmem:s29+$0x1A880] =	vst v2;
	v5 =	vld.idx.msk [tilespmem:v52+s4+$0x0], $0xffff  }
0x7a: {  	v2 =	vmul.f32 v6, v0;
	v6 =	vld.idx.msk [tilespmem:v53+s4+$0x0], $0xffff  }
0x7b: {  	v53 =	vld [tilespmem:s29+$0x18BA0];
	[tilespmem:s29+$0x1A900] =	vst v1;
	v1 =	vmul.f32 v7, v0  }
0x7c: {  	[tilespmem:s29+$0x1A980] =	vst v2;
	v2 =	vmul.f32 v3, v0;
	v3 =	vld [tilespmem:s29+$0x18990]  }
0x7d: {  	v7 =	vld.idx.msk [tilespmem:v54+s4+$0x0], $0xffff;
	[tilespmem:s29+$0x1AA00] =	vst v1;
	v8 =	vmul.f32 v8, v0  }
0x7e: {  	v1 =	vld [tilespmem:s29+$0x18A10];
	v4 =	vmul.f32 v4, v0;
	[tilespmem:s29+$0x1AA80] =	vst v2  }
0x7f: {  	v2 =	vld [tilespmem:s29+$0x18A90];
	[tilespmem:s29+$0x1A710] =	vst v8  }
0x80: {  	[tilespmem:s29+$0x1A790] =	vst v4;
	v8 =	vld.idx.msk [tilespmem:v55+s4+$0x0], $0xffff  }
0x81: {  	v5 =	vmul.f32 v5, v0;
	v56 =	vmul.f32 v6, v0;
	v6 =	vld.idx.msk [tilespmem:v57+s4+$0x0], $0xffff  }
0x82: {  	v55 =	vld [tilespmem:s29+$0x18C20]  }
0x83: {  	v57 =	vld [tilespmem:s29+$0x18D20];
	[tilespmem:s29+$0x1A810] =	vst v5  }
0x84: {  	[tilespmem:s29+$0x1A890] =	vst v56;
	v56 =	vld [tilespmem:s29+$0x18CA0]  }
0x85: {  	v58 =	vmul.f32 v7, v0;
	v7 =	vld.idx.msk [tilespmem:v59+s4+$0x0], $0xffff  }
0x86: {  	v4 =	vld.idx.msk [tilespmem:v60+s4+$0x0], $0xffff  }
0x87: {  	v59 =	vld [tilespmem:s29+$0x18E20]  }
0x88: {  	v60 =	vld [tilespmem:s29+$0x18EA0]  }
0x89: {  	[tilespmem:s29+$0x1A910] =	vst v58;
	v58 =	vld [tilespmem:s29+$0x18DA0]  }
0x8a: {  	v3 =	vld.idx.msk [tilespmem:v3+s4+$0x0], $0xffff  }
0x8b: {  	v5 =	vld.idx.msk [tilespmem:v61+s4+$0x0], $0xffff  }
0x8c: {  	v61 =	vld [tilespmem:s29+$0x18B30];
	v8 =	vmul.f32 v8, v0  }
0x8d: {  	v1 =	vld.idx.msk [tilespmem:v1+s4+$0x0], $0xffff;
	v6 =	vmul.f32 v6, v0  }
0x8e: {  	v2 =	vld.idx.msk [tilespmem:v2+s4+$0x0], $0xffff;
	[tilespmem:s29+$0x1A720] =	vst v8  }
0x8f: {  	[tilespmem:s29+$0x1A7A0] =	vst v6;
	v8 =	vld.idx.msk [tilespmem:v62+s4+$0x0], $0xffff  }
0x90: {  	v7 =	vmul.f32 v7, v0;
	v6 =	vld.idx.msk [tilespmem:v63+s4+$0x0], $0xffff  }
0x91: {  	v4 =	vmul.f32 v4, v0;
	v62 =	vld [tilespmem:s29+$0x18BB0]  }
0x92: {  	v63 =	vld [tilespmem:s29+$0x18C30];
	[tilespmem:s29+$0x1A820] =	vst v7  }
0x93: {  	[tilespmem:s29+$0x1A8A0] =	vst v4;
	v7 =	vld.idx.msk [tilespmem:v12+s4+$0x0], $0xffff  }
0x94: {  	v3 =	vmul.f32 v3, v0;
	v4 =	vld.idx.msk [tilespmem:v13+s4+$0x0], $0xffff  }
0x95: {  	v5 =	vmul.f32 v5, v0;
	v12 =	vld [tilespmem:s29+$0x18C80]  }
0x96: {  	v1 =	vmul.f32 v1, v0;
	v13 =	vld [tilespmem:s29+$0x18D00];
	[tilespmem:s29+$0x1A990] =	vst v3  }
0x97: {  	v3 =	vld [tilespmem:s29+$0x189A0];
	[tilespmem:s29+$0x1A920] =	vst v5  }
0x98: {  	v2 =	vmul.f32 v2, v0;
	[tilespmem:s29+$0x1AA10] =	vst v1;
	v1 =	vld [tilespmem:s29+$0x18A20]  }
0x99: {  	v5 =	vld.idx.msk [tilespmem:v14+s4+$0x0], $0xffff;
	v8 =	vmul.f32 v8, v0  }
0x9a: {  	v14 =	vld [tilespmem:s29+$0x18D80];
	[tilespmem:s29+$0x1AA90] =	vst v2;
	v6 =	vmul.f32 v6, v0  }
0x9b: {  	v2 =	vld [tilespmem:s29+$0x18AA0];
	[tilespmem:s29+$0x1A730] =	vst v8  }
0x9c: {  	[tilespmem:s29+$0x1A7B0] =	vst v6;
	v8 =	vld.idx.msk [tilespmem:v15+s4+$0x0], $0xffff  }
0x9d: {  	v7 =	vmul.f32 v7, v0;
	v6 =	vld.idx.msk [tilespmem:v16+s4+$0x0], $0xffff  }
0x9e: {  	v4 =	vmul.f32 v4, v0;
	v15 =	vld [tilespmem:s29+$0x18E00]  }
0x9f: {  	v16 =	vld [tilespmem:s29+$0x18E80];
	[tilespmem:s29+$0x1A830] =	vst v7  }
0xa0: {  	[tilespmem:s29+$0x1A8B0] =	vst v4;
	v7 =	vld.idx.msk [tilespmem:v17+s4+$0x0], $0xffff  }
0xa1: {  	v4 =	vld.idx.msk [tilespmem:v18+s4+$0x0], $0xffff  }
0xa2: {  	v12 =	vld.idx.msk [tilespmem:v12+s4+$0x0], $0xffff  }
0xa3: {  	v5 =	vmul.f32 v5, v0;
	v13 =	vld.idx.msk [tilespmem:v13+s4+$0x0], $0xffff  }
0xa4: {  	v3 =	vld.idx.msk [tilespmem:v3+s4+$0x0], $0xffff  }
0xa5: {  	[tilespmem:s29+$0x1A930] =	vst v5;
	v1 =	vld.idx.msk [tilespmem:v1+s4+$0x0], $0xffff  }
0xa6: {  	v5 =	vld.idx.msk [tilespmem:v19+s4+$0x0], $0xffff;
	v8 =	vmul.f32 v8, v0  }
0xa7: {  	v14 =	vld.idx.msk [tilespmem:v14+s4+$0x0], $0xffff;
	v6 =	vmul.f32 v6, v0  }
0xa8: {  	v2 =	vld.idx.msk [tilespmem:v2+s4+$0x0], $0xffff;
	[tilespmem:s29+$0x1A740] =	vst v8  }
0xa9: {  	[tilespmem:s29+$0x1A7C0] =	vst v6;
	v8 =	vld.idx.msk [tilespmem:v20+s4+$0x0], $0xffff  }
0xaa: {  	v6 =	vld.idx.msk [tilespmem:v21+s4+$0x0], $0xffff  }
0xab: {  	v15 =	vld.idx.msk [tilespmem:v15+s4+$0x0], $0xffff  }
0xac: {  	v7 =	vmul.f32 v7, v0;
	v37 =	vld.idx.msk [tilespmem:v16+s4+$0x0], $0xffff  }
0xad: {  	v39 =	vmul.f32 v12, v0;
	v20 =	vld [tilespmem:s29+$0x18CB0]  }
0xae: {  	v41 =	vmul.f32 v13, v0;
	v21 =	vld [tilespmem:s29+$0x18D30];
	[tilespmem:s29+$0x1A840] =	vst v7  }
0xaf: {  	v3 =	vmul.f32 v3, v0;
	[tilespmem:s29+$0x1AC80] =	vst v39;
	v39 =	vld [tilespmem:s29+$0x18E50]  }
0xb0: {  	v4 =	vmul.f32 v4, v0;
	[tilespmem:s29+$0x1AD00] =	vst v41;
	v41 =	vld [tilespmem:s29+$0x18B60]  }
0xb1: {  	[tilespmem:s29+$0x1A9A0] =	vst v3;
	v3 =	vld [tilespmem:s29+$0x189B0]  }
0xb2: {  	v1 =	vmul.f32 v1, v0;
	[tilespmem:s29+$0x1A8C0] =	vst v4;
	v7 =	vld.idx.msk [tilespmem:v22+s4+$0x0], $0xffff  }
0xb3: {  	v4 =	vld.idx.msk [tilespmem:v23+s4+$0x0], $0xffff  }
0xb4: {  	[tilespmem:s29+$0x1AA20] =	vst v1;
	v1 =	vld [tilespmem:s29+$0x18A30]  }
0xb5: {  	v43 =	vmul.f32 v14, v0;
	v14 =	vld.idx.msk [tilespmem:v44+s4+$0x0], $0xffff  }
0xb6: {  	v5 =	vmul.f32 v5, v0;
	v22 =	vld [tilespmem:s29+$0x18DB0]  }
0xb7: {  	v23 =	vld [tilespmem:s29+$0x18E30]  }
0xb8: {  	v2 =	vmul.f32 v2, v0;
	v44 =	vld [tilespmem:s29+$0x18CE0];
	[tilespmem:s29+$0x1A940] =	vst v5  }
0xb9: {  	[tilespmem:s29+$0x1AD80] =	vst v43;
	v43 =	vld [tilespmem:s29+$0x18C60]  }
0xba: {  	[tilespmem:s29+$0x1AAA0] =	vst v2;
	v2 =	vld [tilespmem:s29+$0x18AB0]  }
0xbb: {  	v5 =	vld.idx.msk [tilespmem:v24+s4+$0x0], $0xffff  }
0xbc: {  	v1 =	vld.idx.msk [tilespmem:v1+s4+$0x0], $0xffff  }
0xbd: {  	v24 =	vld [tilespmem:s29+$0x18EB0]  }
0xbe: {  	v45 =	vmul.f32 v15, v0;
	v15 =	vld.idx.msk [tilespmem:v46+s4+$0x0], $0xffff  }
0xbf: {  	v47 =	vmul.f32 v37, v0;
	v37 =	vld [tilespmem:s29+$0x18D50]  }
0xc0: {  	v8 =	vmul.f32 v8, v0;
	v46 =	vld [tilespmem:s29+$0x18DE0]  }
0xc1: {  	[tilespmem:s29+$0x1AE00] =	vst v45;
	v45 =	vld [tilespmem:s29+$0x18D60];
	v1 =	vmul.f32 v1, v0  }
0xc2: {  	[tilespmem:s29+$0x1A750] =	vst v8;
	v2 =	vld.idx.msk [tilespmem:v2+s4+$0x0], $0xffff  }
0xc3: {  	v6 =	vmul.f32 v6, v0;
	[tilespmem:s29+$0x1AA30] =	vst v1;
	v1 =	vld [tilespmem:s29+$0x18A40]  }
0xc4: {  	[tilespmem:s29+$0x1AE80] =	vst v47;
	v47 =	vld [tilespmem:s29+$0x18E60]  }
0xc5: {  	[tilespmem:s29+$0x1A7D0] =	vst v6;
	v8 =	vld.idx.msk [tilespmem:v25+s4+$0x0], $0xffff  }
0xc6: {  	v6 =	vld.idx.msk [tilespmem:v26+s4+$0x0], $0xffff  }
0xc7: {  	v25 =	vld [tilespmem:s29+$0x18B40];
	v2 =	vmul.f32 v2, v0  }
0xc8: {  	v52 =	vmul.f32 v14, v0;
	v26 =	vld [tilespmem:s29+$0x18BC0]  }
0xc9: {  	[tilespmem:s29+$0x1AAB0] =	vst v2;
	v2 =	vld [tilespmem:s29+$0x18AC0]  }
0xca: {  	v7 =	vmul.f32 v7, v0;
	[tilespmem:s29+$0x1AC90] =	vst v52;
	v52 =	vld [tilespmem:s29+$0x18CF0]  }
0xcb: {  	v4 =	vmul.f32 v4, v0;
	v1 =	vld.idx.msk [tilespmem:v1+s4+$0x0], $0xffff  }
0xcc: {  	[tilespmem:s29+$0x1A850] =	vst v7;
	v3 =	vld.idx.msk [tilespmem:v3+s4+$0x0], $0xffff  }
0xcd: {  	[tilespmem:s29+$0x1A8D0] =	vst v4;
	v7 =	vld.idx.msk [tilespmem:v27+s4+$0x0], $0xffff  }
0xce: {  	v4 =	vld.idx.msk [tilespmem:v28+s4+$0x0], $0xffff  }
0xcf: {  	v5 =	vmul.f32 v5, v0;
	v27 =	vld [tilespmem:s29+$0x18C40]  }
0xd0: {  	v28 =	vld [tilespmem:s29+$0x18CC0];
	v1 =	vmul.f32 v1, v0  }
0xd1: {  	[tilespmem:s29+$0x1A950] =	vst v5;
	v2 =	vld.idx.msk [tilespmem:v2+s4+$0x0], $0xffff  }
0xd2: {  	v54 =	vmul.f32 v15, v0;
	[tilespmem:s29+$0x1AA40] =	vst v1;
	v1 =	vld [tilespmem:s29+$0x18A50]  }
0xd3: {  	v5 =	vld.idx.msk [tilespmem:v29+s4+$0x0], $0xffff;
	v8 =	vmul.f32 v8, v0  }
0xd4: {  	[tilespmem:s29+$0x1AD10] =	vst v54;
	v29 =	vld [tilespmem:s29+$0x18D40]  }
0xd5: {  	v54 =	vld [tilespmem:s29+$0x18DF0];
	[tilespmem:s29+$0x1A760] =	vst v8  }
0xd6: {  	v8 =	vld.idx.msk [tilespmem:v30+s4+$0x0], $0xffff;
	v2 =	vmul.f32 v2, v0  }
0xd7: {  	v3 =	vmul.f32 v3, v0;
	v30 =	vld [tilespmem:s29+$0x18DC0]  }
0xd8: {  	v6 =	vmul.f32 v6, v0;
	[tilespmem:s29+$0x1AAC0] =	vst v2;
	v2 =	vld [tilespmem:s29+$0x18AD0]  }
0xd9: {  	v7 =	vmul.f32 v7, v0;
	[tilespmem:s29+$0x1A9B0] =	vst v3;
	v3 =	vld [tilespmem:s29+$0x189C0]  }
0xda: {  	[tilespmem:s29+$0x1A7E0] =	vst v6;
	v1 =	vld.idx.msk [tilespmem:v1+s4+$0x0], $0xffff  }
0xdb: {  	[tilespmem:s29+$0x1A860] =	vst v7;
	v7 =	vld.idx.msk [tilespmem:v31+s4+$0x0], $0xffff  }
0xdc: {  	v31 =	vld [tilespmem:s29+$0x18E40]  }
0xdd: {  	v6 =	vld.idx.msk [tilespmem:v9+s4+$0x0], $0xffff  }
0xde: {  	v4 =	vmul.f32 v4, v0;
	v9 =	vld.idx.msk [tilespmem:v33+s4+$0x0], $0xffff  }
0xdf: {  	v33 =	vld [tilespmem:s29+$0x18B50];
	v1 =	vmul.f32 v1, v0  }
0xe0: {  	v5 =	vmul.f32 v5, v0;
	[tilespmem:s29+$0x1A8E0] =	vst v4;
	v2 =	vld.idx.msk [tilespmem:v2+s4+$0x0], $0xffff  }
0xe1: {  	[tilespmem:s29+$0x1AA50] =	vst v1;
	v1 =	vld [tilespmem:s29+$0x18A60]  }
0xe2: {  	[tilespmem:s29+$0x1A960] =	vst v5;
	v5 =	vld.idx.msk [tilespmem:v32+s4+$0x0], $0xffff  }
0xe3: {  	v32 =	vld [tilespmem:s29+$0x18EC0]  }
0xe4: {  	v4 =	vld.idx.msk [tilespmem:v10+s4+$0x0], $0xffff  }
0xe5: {  	v10 =	vld.idx.msk [tilespmem:v34+s4+$0x0], $0xffff  }
0xe6: {  	v34 =	vld [tilespmem:s29+$0x18BD0];
	v2 =	vmul.f32 v2, v0  }
0xe7: {  	v3 =	vld.idx.msk [tilespmem:v3+s4+$0x0], $0xffff  }
0xe8: {  	v9 =	vmul.f32 v9, v0;
	[tilespmem:s29+$0x1AAD0] =	vst v2;
	v2 =	vld [tilespmem:s29+$0x18AE0]  }
0xe9: {  	v1 =	vld.idx.msk [tilespmem:v1+s4+$0x0], $0xffff  }
0xea: {  	[tilespmem:s29+$0x1AB00] =	vst v9;
	v9 =	vld.idx.msk [tilespmem:v49+s4+$0x0], $0xffff  }
0xeb: {  	v49 =	vld [tilespmem:s29+$0x18B70]  }
0xec: {  	v10 =	vmul.f32 v10, v0;
	v16 =	vld.idx.msk [tilespmem:v38+s4+$0x0], $0xffff  }
0xed: {  	v38 =	vld [tilespmem:s29+$0x18DD0]  }
0xee: {  	[tilespmem:s29+$0x1AB80] =	vst v10;
	v10 =	vld.idx.msk [tilespmem:v50+s4+$0x0], $0xffff;
	v1 =	vmul.f32 v1, v0  }
0xef: {  	v50 =	vld [tilespmem:s29+$0x18BF0]  }
0xf0: {  	[tilespmem:s29+$0x1AA60] =	vst v1;
	v1 =	vld [tilespmem:s29+$0x18A70]  }
0xf1: {  	v3 =	vmul.f32 v3, v0;
	v2 =	vld.idx.msk [tilespmem:v2+s4+$0x0], $0xffff  }
0xf2: {  	v12 =	vld.idx.msk [tilespmem:v40+s4+$0x0], $0xffff;
	v9 =	vmul.f32 v9, v0  }
0xf3: {  	v40 =	vld [tilespmem:s29+$0x18ED0];
	v16 =	vmul.f32 v16, v0;
	[tilespmem:s29+$0x1A9C0] =	vst v3  }
0xf4: {  	v3 =	vld [tilespmem:s29+$0x189D0];
	[tilespmem:s29+$0x1AE10] =	vst v9  }
0xf5: {  	[tilespmem:s29+$0x1AB10] =	vst v16;
	v9 =	vld.idx.msk [tilespmem:v59+s4+$0x0], $0xffff  }
0xf6: {  	v16 =	vld.idx.msk [tilespmem:v51+s4+$0x0], $0xffff;
	v2 =	vmul.f32 v2, v0  }
0xf7: {  	v51 =	vld [tilespmem:s29+$0x18C70]  }
0xf8: {  	v10 =	vmul.f32 v10, v0;
	[tilespmem:s29+$0x1AAE0] =	vst v2;
	v2 =	vld.idx.msk [tilespmem:v1+s4+$0x0], $0xffff  }
0xf9: {  	v12 =	vmul.f32 v12, v0;
	v1 =	vld.idx.msk [tilespmem:v11+s4+$0x0], $0xffff  }
0xfa: {  	[tilespmem:s29+$0x1AE90] =	vst v10;
	v11 =	vld.idx.msk [tilespmem:v35+s4+$0x0], $0xffff  }
0xfb: {  	[tilespmem:s29+$0x1AB90] =	vst v12;
	v12 =	vld.idx.msk [tilespmem:v56+s4+$0x0], $0xffff  }
0xfc: {  	v10 =	vld.idx.msk [tilespmem:v60+s4+$0x0], $0xffff  }
0xfd: {  	v56 =	vld [tilespmem:s29+$0x18EF0];
	v9 =	vmul.f32 v9, v0  }
0xfe: {  	v14 =	vld.idx.msk [tilespmem:v53+s4+$0x0], $0xffff;
	v16 =	vmul.f32 v16, v0  }
0xff: {  	v3 =	vld.idx.msk [tilespmem:v3+s4+$0x0], $0xffff;
	[tilespmem:s29+$0x1AE20] =	vst v9;
	v36 =	vmul.f32 v11, v0  }
0x100: {  	[tilespmem:s29+$0x1AB20] =	vst v16;
	v9 =	vld.idx.msk [tilespmem:v23+s4+$0x0], $0xffff  }
0x101: {  	v12 =	vmul.f32 v12, v0;
	v16 =	vld.idx.msk [tilespmem:v61+s4+$0x0], $0xffff;
	[tilespmem:s29+$0x1AC00] =	vst v36  }
0x102: {  	v10 =	vmul.f32 v10, v0;
	v13 =	vld.idx.msk [tilespmem:v42+s4+$0x0], $0xffff  }
0x103: {  	v14 =	vmul.f32 v14, v0;
	[tilespmem:s29+$0x1ACA0] =	vst v12;
	v11 =	vld.idx.msk [tilespmem:v48+s4+$0x0], $0xffff  }
0x104: {  	[tilespmem:s29+$0x1AEA0] =	vst v10;
	v12 =	vld.idx.msk [tilespmem:v20+s4+$0x0], $0xffff;
	v3 =	vmul.f32 v3, v0  }
0x105: {  	[tilespmem:s29+$0x1ABA0] =	vst v14;
	v10 =	vld.idx.msk [tilespmem:v24+s4+$0x0], $0xffff;
	v9 =	vmul.f32 v9, v0  }
0x106: {  	v14 =	vld.idx.msk [tilespmem:v62+s4+$0x0], $0xffff;
	[tilespmem:s29+$0x1A9D0] =	vst v3;
	v16 =	vmul.f32 v16, v0  }
0x107: {  	v3 =	vld [tilespmem:s29+$0x189E0];
	[tilespmem:s29+$0x1AE30] =	vst v9;
	v13 =	vmul.f32 v13, v0  }
0x108: {  	[tilespmem:s29+$0x1AB30] =	vst v16;
	v9 =	vld.idx.msk [tilespmem:v31+s4+$0x0], $0xffff;
	v11 =	vmul.f32 v11, v0  }
0x109: {  	v16 =	vld.idx.msk [tilespmem:v25+s4+$0x0], $0xffff;
	[tilespmem:s29+$0x1AC10] =	vst v13  }
0x10a: {  	v12 =	vmul.f32 v12, v0;
	[tilespmem:s29+$0x1AD90] =	vst v11;
	v15 =	vld.idx.msk [tilespmem:v55+s4+$0x0], $0xffff  }
0x10b: {  	v10 =	vmul.f32 v10, v0;
	v11 =	vld.idx.msk [tilespmem:v58+s4+$0x0], $0xffff  }
0x10c: {  	v14 =	vmul.f32 v14, v0;
	[tilespmem:s29+$0x1ACB0] =	vst v12;
	v13 =	vld.idx.msk [tilespmem:v57+s4+$0x0], $0xffff  }
0x10d: {  	v8 =	vmul.f32 v8, v0;
	[tilespmem:s29+$0x1AEB0] =	vst v10;
	v12 =	vld.idx.msk [tilespmem:v28+s4+$0x0], $0xffff  }
0x10e: {  	[tilespmem:s29+$0x1ABB0] =	vst v14;
	v10 =	vld.idx.msk [tilespmem:v32+s4+$0x0], $0xffff;
	v9 =	vmul.f32 v9, v0  }
0x10f: {  	[tilespmem:s29+$0x1A770] =	vst v8;
	v14 =	vld.idx.msk [tilespmem:v26+s4+$0x0], $0xffff;
	v15 =	vmul.f32 v15, v0  }
0x110: {  	v3 =	vld.idx.msk [tilespmem:v3+s4+$0x0], $0xffff;
	[tilespmem:s29+$0x1AE40] =	vst v9;
	v11 =	vmul.f32 v11, v0  }
0x111: {  	v9 =	vld.idx.msk [tilespmem:v39+s4+$0x0], $0xffff;
	v13 =	vmul.f32 v13, v0;
	[tilespmem:s29+$0x1AC20] =	vst v15  }
0x112: {  	v16 =	vmul.f32 v16, v0;
	[tilespmem:s29+$0x1ADA0] =	vst v11;
	v15 =	vld.idx.msk [tilespmem:v63+s4+$0x0], $0xffff  }
0x113: {  	v10 =	vmul.f32 v10, v0;
	v11 =	vld.idx.msk [tilespmem:v22+s4+$0x0], $0xffff;
	[tilespmem:s29+$0x1AD20] =	vst v13  }
0x114: {  	v14 =	vmul.f32 v14, v0;
	[tilespmem:s29+$0x1AB40] =	vst v16;
	v13 =	vld.idx.msk [tilespmem:v21+s4+$0x0], $0xffff  }
0x115: {  	v7 =	vmul.f32 v7, v0;
	[tilespmem:s29+$0x1AEC0] =	vst v10;
	v16 =	vld.idx.msk [tilespmem:v33+s4+$0x0], $0xffff  }
0x116: {  	v6 =	vmul.f32 v6, v0;
	[tilespmem:s29+$0x1ABC0] =	vst v14;
	v10 =	vld.idx.msk [tilespmem:v40+s4+$0x0], $0xffff  }
0x117: {  	[tilespmem:s29+$0x1A7F0] =	vst v7;
	v14 =	vld.idx.msk [tilespmem:v34+s4+$0x0], $0xffff;
	v15 =	vmul.f32 v15, v0  }
0x118: {  	[tilespmem:s29+$0x1A870] =	vst v6;
	v35 =	vld [tilespmem:s29+$0x18C50];
	v11 =	vmul.f32 v11, v0  }
0x119: {  	v36 =	vld [tilespmem:s29+$0x18CD0];
	v13 =	vmul.f32 v13, v0;
	[tilespmem:s29+$0x1AC30] =	vst v15  }
0x11a: {  	v3 =	vmul.f32 v3, v0;
	[tilespmem:s29+$0x1ADB0] =	vst v11;
	v15 =	vld.idx.msk [tilespmem:v27+s4+$0x0], $0xffff  }
0x11b: {  	v9 =	vmul.f32 v9, v0;
	v11 =	vld.idx.msk [tilespmem:v30+s4+$0x0], $0xffff;
	[tilespmem:s29+$0x1AD30] =	vst v13  }
0x11c: {  	v5 =	vmul.f32 v5, v0;
	[tilespmem:s29+$0x1A9E0] =	vst v3;
	v13 =	vld.idx.msk [tilespmem:v29+s4+$0x0], $0xffff  }
0x11d: {  	v3 =	vld [tilespmem:s29+$0x189F0];
	v16 =	vmul.f32 v16, v0;
	[tilespmem:s29+$0x1AE50] =	vst v9  }
0x11e: {  	[tilespmem:s29+$0x1A8F0] =	vst v5;
	v12 =	vmul.f32 v12, v0;
	v9 =	vld.idx.msk [tilespmem:v47+s4+$0x0], $0xffff  }
0x11f: {  	[tilespmem:s29+$0x1AB50] =	vst v16;
	v42 =	vld [tilespmem:s29+$0x18BE0];
	v15 =	vmul.f32 v15, v0  }
0x120: {  	[tilespmem:s29+$0x1ACC0] =	vst v12;
	v16 =	vld.idx.msk [tilespmem:v41+s4+$0x0], $0xffff;
	v11 =	vmul.f32 v11, v0  }
0x121: {  	v12 =	vld.idx.msk [tilespmem:v36+s4+$0x0], $0xffff;
	v13 =	vmul.f32 v13, v0;
	[tilespmem:s29+$0x1AC40] =	vst v15  }
0x122: {  	v4 =	vmul.f32 v4, v0;
	[tilespmem:s29+$0x1ADC0] =	vst v11;
	v15 =	vld.idx.msk [tilespmem:v35+s4+$0x0], $0xffff  }
0x123: {  	v10 =	vmul.f32 v10, v0;
	v11 =	vld.idx.msk [tilespmem:v38+s4+$0x0], $0xffff;
	[tilespmem:s29+$0x1AD40] =	vst v13  }
0x124: {  	[tilespmem:s29+$0x1A970] =	vst v4;
	v14 =	vmul.f32 v14, v0;
	v13 =	vld.idx.msk [tilespmem:v37+s4+$0x0], $0xffff  }
0x125: {  	[tilespmem:s29+$0x1AED0] =	vst v10;
	v9 =	vmul.f32 v9, v0;
	v48 =	vld [tilespmem:s29+$0x18EE0]  }
0x126: {  	[tilespmem:s29+$0x1ABD0] =	vst v14;
	v3 =	vld.idx.msk [tilespmem:v3+s4+$0x0], $0xffff;
	v12 =	vmul.f32 v12, v0  }
0x127: {  	[tilespmem:s29+$0x1AE60] =	vst v9;
	v14 =	vld.idx.msk [tilespmem:v42+s4+$0x0], $0xffff;
	v15 =	vmul.f32 v15, v0  }
0x128: {  	v53 =	vld [tilespmem:s29+$0x18D70];
	[tilespmem:s29+$0x1ACD0] =	vst v12;
	v11 =	vmul.f32 v11, v0  }
0x129: {  	v12 =	vld.idx.msk [tilespmem:v44+s4+$0x0], $0xffff;
	v13 =	vmul.f32 v13, v0;
	[tilespmem:s29+$0x1AC50] =	vst v15  }
0x12a: {  	v16 =	vmul.f32 v16, v0;
	[tilespmem:s29+$0x1ADD0] =	vst v11;
	v15 =	vld.idx.msk [tilespmem:v43+s4+$0x0], $0xffff  }
0x12b: {  	v3 =	vmul.f32 v3, v0;
	v11 =	vld.idx.msk [tilespmem:v46+s4+$0x0], $0xffff;
	[tilespmem:s29+$0x1AD50] =	vst v13  }
0x12c: {  	[tilespmem:s29+$0x1AB60] =	vst v16;
	v14 =	vmul.f32 v14, v0;
	v13 =	vld.idx.msk [tilespmem:v45+s4+$0x0], $0xffff  }
0x12d: {  	v1 =	vmul.f32 v1, v0;
	[tilespmem:s29+$0x1A9F0] =	vst v3;
	v10 =	vld.idx.msk [tilespmem:v48+s4+$0x0], $0xffff  }
0x12e: {  	v55 =	vld [tilespmem:s29+$0x18E70];
	[tilespmem:s29+$0x1ABE0] =	vst v14;
	v12 =	vmul.f32 v12, v0  }
0x12f: {  	[tilespmem:s29+$0x1AAF0] =	vst v1;
	v58 =	vld.idx.msk [tilespmem:v50+s4+$0x0], $0xffff;
	v15 =	vmul.f32 v15, v0  }
0x130: {  	v57 =	vld.idx.msk [tilespmem:v49+s4+$0x0], $0xffff;
	[tilespmem:s29+$0x1ACE0] =	vst v12;
	v11 =	vmul.f32 v11, v0  }
0x131: {  	v60 =	vld.idx.msk [tilespmem:v52+s4+$0x0], $0xffff;
	v13 =	vmul.f32 v13, v0;
	[tilespmem:s29+$0x1AC60] =	vst v15  }
0x132: {  	v10 =	vmul.f32 v10, v0;
	[tilespmem:s29+$0x1ADE0] =	vst v11;
	v59 =	vld.idx.msk [tilespmem:v51+s4+$0x0], $0xffff  }
0x133: {  	v2 =	vmul.f32 v2, v0;
	v61 =	vld.idx.msk [tilespmem:v54+s4+$0x0], $0xffff;
	[tilespmem:s29+$0x1AD60] =	vst v13  }
0x134: {  	[tilespmem:s29+$0x1AEE0] =	vst v10;
	v1 =	vmul.f32 v58, v0;
	v3 =	vld.idx.msk [tilespmem:v53+s4+$0x0], $0xffff  }
0x135: {  	[tilespmem:s29+$0x1AA70] =	vst v2;
	v2 =	vmul.f32 v57, v0;
	v63 =	vld.idx.msk [tilespmem:v56+s4+$0x0], $0xffff  }
0x136: {  	v62 =	vld.idx.msk [tilespmem:v55+s4+$0x0], $0xffff;
	[tilespmem:s29+$0x1ABF0] =	vst v1;
	v1 =	vmul.f32 v60, v0  }
0x137: {  	[tilespmem:s29+$0x1AB70] =	vst v2;
	v2 =	vmul.f32 v59, v0  }
0x138: {  	p2 =	por p1, p1;
	[tilespmem:s29+$0x1ACF0] =	vst v1;
	v1 =	vmul.f32 v61, v0  }
.Ltmp2:
0x139: {  	[tilespmem:s29+$0x1AC70] =	vst v2;
	v2 =	vmul.f32 v3, v0;
	(pc) =	sbr.rel @p2 .LBB2_3-.Ltmp2, $4  }
0x13a: {  	[tilespmem:s29+$0x1ADF0] =	vst v1;
	v1 =	vmul.f32 v63, v0  }
0x13b: {  	[tilespmem:s29+$0x1AD70] =	vst v2;
	v2 =	vmul.f32 v62, v0  }
0x13c: {  	[tilespmem:s29+$0x1AEF0] =	vst v1  }
0x13d: {  	p1 =	por $0x0, $0x0;
	[tilespmem:s29+$0x1AE70] =	vst v2;
	s29 =	simm.s32 $0x800  }
0x13e: {  	s29 =	sshll.u32 s26, $0x13  }
0x13f: {  	s29 =	sor.u32 s10, s29  }
0x140: {  	s29 =	sshrl.u32 s29, $0x3  }
0x141: {  	p1 =	seq.s32 s26, $0x18;
	s29 =	sadd.s32 s2, s29  }
0x142: {  	[hbm4b:s29+s16] =	stream.strided.scatter [tilespmem:s22], [sflag:$0x3], $0x1000, s17, s16, $0x38;
	[tilespmem:$0x1F910] =	vst v63  }
0x143: {  	s29 =	sshll.u32 @!p1 s26, $0xD  }
0x144: {  	p2 =	seq.s32 @!p1 s26, $0x0;
	_ =	swait.ge [sflag:s20], $0x1000;
	s29 =	sand.u32 @!p1 $0x3FFFE000, s29  }
0x145: {  	s30 =	simm.s32 @!p1 $0x18700;
	[sflag:s20] =	ssyncset.done $0x0;
	s29 =	sadd.s32 @!p1 s29, s3  }
0x146: {  	p2 =	por p1, !p2;
	[sflag:s20] =	ssyncadd.s32 $0xFFFFF000;
	s29 =	sadd.s32 @!p1 $0x2000, s29  }
0x147: {  	[tilespmem:s30], [sflag:$0x2] =	stream.linear.gather @!p1 [spmem:s29], $0x1000, $0x38;
	[tilespmem:$0x1F910] =	vst v63  }
0x148: {  	_ =	swait.ge @p2 [sflag:s24], $0x1000  }
0x149: {  	[sflag:s24] =	ssyncset.done @p2 $0x0  }
0x14a: {  	s29 =	simm.s32 $0x0;
	[sflag:s24] =	ssyncadd.s32 @p2 $0xFFFFF000;
	p2 =	por $0x1, $0x1  }
.LBB2_5:
0x14b: {  	v1 =	vld [tilespmem:s29+$0x19700]  }
0x14c: {  	v2 =	vld [tilespmem:s29+$0x19780]  }
0x14d: {  	v3 =	vld [tilespmem:s29+$0x19800]  }
0x14e: {  	v4 =	vld [tilespmem:s29+$0x19880]  }
0x14f: {  	v5 =	vld [tilespmem:s29+$0x19900]  }
0x150: {  	v6 =	vld [tilespmem:s29+$0x19980]  }
0x151: {  	v7 =	vld [tilespmem:s29+$0x19A00]  }
0x152: {  	v8 =	vld [tilespmem:s29+$0x19A80]  }
0x153: {  	v50 =	vld [tilespmem:s29+$0x19710]  }
0x154: {  	v51 =	vld [tilespmem:s29+$0x19790]  }
0x155: {  	v52 =	vld [tilespmem:s29+$0x19810]  }
0x156: {  	v53 =	vld [tilespmem:s29+$0x19890]  }
0x157: {  	v54 =	vld [tilespmem:s29+$0x19910]  }
0x158: {  	v55 =	vld [tilespmem:s29+$0x19720]  }
0x159: {  	v57 =	vld [tilespmem:s29+$0x197A0]  }
0x15a: {  	v59 =	vld [tilespmem:s29+$0x19820]  }
0x15b: {  	v60 =	vld [tilespmem:s29+$0x198A0]  }
0x15c: {  	v61 =	vld [tilespmem:s29+$0x19920]  }
0x15d: {  	v62 =	vld [tilespmem:s29+$0x19730]  }
0x15e: {  	v63 =	vld [tilespmem:s29+$0x197B0]  }
0x15f: {  	v12 =	vld [tilespmem:s29+$0x19830]  }
0x160: {  	v13 =	vld [tilespmem:s29+$0x198B0]  }
0x161: {  	v14 =	vld [tilespmem:s29+$0x19930]  }
0x162: {  	v15 =	vld [tilespmem:s29+$0x19740]  }
0x163: {  	v16 =	vld [tilespmem:s29+$0x197C0]  }
0x164: {  	v17 =	vld [tilespmem:s29+$0x19840]  }
0x165: {  	v18 =	vld [tilespmem:s29+$0x198C0]  }
0x166: {  	v19 =	vld [tilespmem:s29+$0x19940]  }
0x167: {  	v20 =	vld [tilespmem:s29+$0x19750]  }
0x168: {  	v21 =	vld [tilespmem:s29+$0x197D0]  }
0x169: {  	v22 =	vld [tilespmem:s29+$0x19850]  }
0x16a: {  	v23 =	vld [tilespmem:s29+$0x198D0]  }
0x16b: {  	v24 =	vld [tilespmem:s29+$0x19950]  }
0x16c: {  	v25 =	vld [tilespmem:s29+$0x19760]  }
0x16d: {  	v26 =	vld [tilespmem:s29+$0x197E0]  }
0x16e: {  	v27 =	vld [tilespmem:s29+$0x19860]  }
0x16f: {  	v28 =	vld [tilespmem:s29+$0x198E0]  }
0x170: {  	v29 =	vld [tilespmem:s29+$0x19960]  }
0x171: {  	v30 =	vld [tilespmem:s29+$0x19770]  }
0x172: {  	v31 =	vld [tilespmem:s29+$0x197F0]  }
0x173: {  	v9 =	vld [tilespmem:s29+$0x19870]  }
0x174: {  	v32 =	vld [tilespmem:s29+$0x198F0]  }
0x175: {  	v10 =	vld [tilespmem:s29+$0x19970]  }
0x176: {  	v11 =	vld [tilespmem:s29+$0x19AF0]  }
0x177: {  	v33 =	vld [tilespmem:s29+$0x19B00]  }
0x178: {  	v34 =	vld [tilespmem:s29+$0x19B80]  }
0x179: {  	v35 =	vld [tilespmem:s29+$0x19C00]  }
0x17a: {  	v38 =	vld [tilespmem:s29+$0x19B10]  }
0x17b: {  	v40 =	vld [tilespmem:s29+$0x19B90]  }
0x17c: {  	v42 =	vld [tilespmem:s29+$0x19C10]  }
0x17d: {  	v44 =	vld [tilespmem:s29+$0x19C90]  }
0x17e: {  	v46 =	vld [tilespmem:s29+$0x19D10]  }
0x17f: {  	v48 =	vld [tilespmem:s29+$0x19D90]  }
0x180: {  	v49 =	vld [tilespmem:s29+$0x19E10]  }
0x181: {  	v1 =	vld.idx.msk [tilespmem:v1+s4+$0x0], $0xffff  }
0x182: {  	v2 =	vld.idx.msk [tilespmem:v2+s4+$0x0], $0xffff  }
0x183: {  	v3 =	vld.idx.msk [tilespmem:v3+s4+$0x0], $0xffff  }
0x184: {  	v4 =	vld.idx.msk [tilespmem:v4+s4+$0x0], $0xffff  }
0x185: {  	v5 =	vld.idx.msk [tilespmem:v5+s4+$0x0], $0xffff  }
0x186: {  	v6 =	vld.idx.msk [tilespmem:v6+s4+$0x0], $0xffff;
	v1 =	vmul.f32 v1, v0  }
0x187: {  	v7 =	vld.idx.msk [tilespmem:v7+s4+$0x0], $0xffff;
	v2 =	vmul.f32 v2, v0  }
0x188: {  	[tilespmem:s29+$0x1B700] =	vst v1;
	v1 =	vmul.f32 v3, v0;
	v3 =	vld.idx.msk [tilespmem:v8+s4+$0x0], $0xffff  }
0x189: {  	[tilespmem:s29+$0x1B780] =	vst v2;
	v8 =	vld.idx.msk [tilespmem:v50+s4+$0x0], $0xffff  }
0x18a: {  	v2 =	vmul.f32 v4, v0;
	v4 =	vld.idx.msk [tilespmem:v51+s4+$0x0], $0xffff  }
0x18b: {  	v50 =	vld [tilespmem:s29+$0x19E90]  }
0x18c: {  	v51 =	vld [tilespmem:s29+$0x19B20];
	[tilespmem:s29+$0x1B800] =	vst v1  }
0x18d: {  	v1 =	vmul.f32 v5, v0;
	[tilespmem:s29+$0x1B880] =	vst v2;
	v5 =	vld.idx.msk [tilespmem:v52+s4+$0x0], $0xffff  }
0x18e: {  	v2 =	vmul.f32 v6, v0;
	v6 =	vld.idx.msk [tilespmem:v53+s4+$0x0], $0xffff  }
0x18f: {  	v53 =	vld [tilespmem:s29+$0x19BA0];
	[tilespmem:s29+$0x1B900] =	vst v1;
	v1 =	vmul.f32 v7, v0  }
0x190: {  	[tilespmem:s29+$0x1B980] =	vst v2;
	v2 =	vmul.f32 v3, v0;
	v3 =	vld [tilespmem:s29+$0x19990]  }
0x191: {  	v7 =	vld.idx.msk [tilespmem:v54+s4+$0x0], $0xffff;
	[tilespmem:s29+$0x1BA00] =	vst v1;
	v8 =	vmul.f32 v8, v0  }
0x192: {  	v1 =	vld [tilespmem:s29+$0x19A10];
	v4 =	vmul.f32 v4, v0;
	[tilespmem:s29+$0x1BA80] =	vst v2  }
0x193: {  	v2 =	vld [tilespmem:s29+$0x19A90];
	[tilespmem:s29+$0x1B710] =	vst v8  }
0x194: {  	[tilespmem:s29+$0x1B790] =	vst v4;
	v8 =	vld.idx.msk [tilespmem:v55+s4+$0x0], $0xffff  }
0x195: {  	v5 =	vmul.f32 v5, v0;
	v56 =	vmul.f32 v6, v0;
	v6 =	vld.idx.msk [tilespmem:v57+s4+$0x0], $0xffff  }
0x196: {  	v55 =	vld [tilespmem:s29+$0x19C20]  }
0x197: {  	v57 =	vld [tilespmem:s29+$0x19D20];
	[tilespmem:s29+$0x1B810] =	vst v5  }
0x198: {  	[tilespmem:s29+$0x1B890] =	vst v56;
	v56 =	vld [tilespmem:s29+$0x19CA0]  }
0x199: {  	v58 =	vmul.f32 v7, v0;
	v7 =	vld.idx.msk [tilespmem:v59+s4+$0x0], $0xffff  }
0x19a: {  	v4 =	vld.idx.msk [tilespmem:v60+s4+$0x0], $0xffff  }
0x19b: {  	v59 =	vld [tilespmem:s29+$0x19E20]  }
0x19c: {  	v60 =	vld [tilespmem:s29+$0x19EA0]  }
0x19d: {  	[tilespmem:s29+$0x1B910] =	vst v58;
	v58 =	vld [tilespmem:s29+$0x19DA0]  }
0x19e: {  	v3 =	vld.idx.msk [tilespmem:v3+s4+$0x0], $0xffff  }
0x19f: {  	v5 =	vld.idx.msk [tilespmem:v61+s4+$0x0], $0xffff  }
0x1a0: {  	v61 =	vld [tilespmem:s29+$0x19B30];
	v8 =	vmul.f32 v8, v0  }
0x1a1: {  	v1 =	vld.idx.msk [tilespmem:v1+s4+$0x0], $0xffff;
	v6 =	vmul.f32 v6, v0  }
0x1a2: {  	v2 =	vld.idx.msk [tilespmem:v2+s4+$0x0], $0xffff;
	[tilespmem:s29+$0x1B720] =	vst v8  }
0x1a3: {  	[tilespmem:s29+$0x1B7A0] =	vst v6;
	v8 =	vld.idx.msk [tilespmem:v62+s4+$0x0], $0xffff  }
0x1a4: {  	v7 =	vmul.f32 v7, v0;
	v6 =	vld.idx.msk [tilespmem:v63+s4+$0x0], $0xffff  }
0x1a5: {  	v4 =	vmul.f32 v4, v0;
	v62 =	vld [tilespmem:s29+$0x19BB0]  }
0x1a6: {  	v63 =	vld [tilespmem:s29+$0x19C30];
	[tilespmem:s29+$0x1B820] =	vst v7  }
0x1a7: {  	[tilespmem:s29+$0x1B8A0] =	vst v4;
	v7 =	vld.idx.msk [tilespmem:v12+s4+$0x0], $0xffff  }
0x1a8: {  	v3 =	vmul.f32 v3, v0;
	v4 =	vld.idx.msk [tilespmem:v13+s4+$0x0], $0xffff  }
0x1a9: {  	v5 =	vmul.f32 v5, v0;
	v12 =	vld [tilespmem:s29+$0x19C80]  }
0x1aa: {  	v1 =	vmul.f32 v1, v0;
	v13 =	vld [tilespmem:s29+$0x19D00];
	[tilespmem:s29+$0x1B990] =	vst v3  }
0x1ab: {  	v3 =	vld [tilespmem:s29+$0x199A0];
	[tilespmem:s29+$0x1B920] =	vst v5  }
0x1ac: {  	v2 =	vmul.f32 v2, v0;
	[tilespmem:s29+$0x1BA10] =	vst v1;
	v1 =	vld [tilespmem:s29+$0x19A20]  }
0x1ad: {  	v5 =	vld.idx.msk [tilespmem:v14+s4+$0x0], $0xffff;
	v8 =	vmul.f32 v8, v0  }
0x1ae: {  	v14 =	vld [tilespmem:s29+$0x19D80];
	[tilespmem:s29+$0x1BA90] =	vst v2;
	v6 =	vmul.f32 v6, v0  }
0x1af: {  	v2 =	vld [tilespmem:s29+$0x19AA0];
	[tilespmem:s29+$0x1B730] =	vst v8  }
0x1b0: {  	[tilespmem:s29+$0x1B7B0] =	vst v6;
	v8 =	vld.idx.msk [tilespmem:v15+s4+$0x0], $0xffff  }
0x1b1: {  	v7 =	vmul.f32 v7, v0;
	v6 =	vld.idx.msk [tilespmem:v16+s4+$0x0], $0xffff  }
0x1b2: {  	v4 =	vmul.f32 v4, v0;
	v15 =	vld [tilespmem:s29+$0x19E00]  }
0x1b3: {  	v16 =	vld [tilespmem:s29+$0x19E80];
	[tilespmem:s29+$0x1B830] =	vst v7  }
0x1b4: {  	[tilespmem:s29+$0x1B8B0] =	vst v4;
	v7 =	vld.idx.msk [tilespmem:v17+s4+$0x0], $0xffff  }
0x1b5: {  	v4 =	vld.idx.msk [tilespmem:v18+s4+$0x0], $0xffff  }
0x1b6: {  	v12 =	vld.idx.msk [tilespmem:v12+s4+$0x0], $0xffff  }
0x1b7: {  	v5 =	vmul.f32 v5, v0;
	v13 =	vld.idx.msk [tilespmem:v13+s4+$0x0], $0xffff  }
0x1b8: {  	v3 =	vld.idx.msk [tilespmem:v3+s4+$0x0], $0xffff  }
0x1b9: {  	[tilespmem:s29+$0x1B930] =	vst v5;
	v1 =	vld.idx.msk [tilespmem:v1+s4+$0x0], $0xffff  }
0x1ba: {  	v5 =	vld.idx.msk [tilespmem:v19+s4+$0x0], $0xffff;
	v8 =	vmul.f32 v8, v0  }
0x1bb: {  	v14 =	vld.idx.msk [tilespmem:v14+s4+$0x0], $0xffff;
	v6 =	vmul.f32 v6, v0  }
0x1bc: {  	v2 =	vld.idx.msk [tilespmem:v2+s4+$0x0], $0xffff;
	[tilespmem:s29+$0x1B740] =	vst v8  }
0x1bd: {  	[tilespmem:s29+$0x1B7C0] =	vst v6;
	v8 =	vld.idx.msk [tilespmem:v20+s4+$0x0], $0xffff  }
0x1be: {  	v6 =	vld.idx.msk [tilespmem:v21+s4+$0x0], $0xffff  }
0x1bf: {  	v15 =	vld.idx.msk [tilespmem:v15+s4+$0x0], $0xffff  }
0x1c0: {  	v7 =	vmul.f32 v7, v0;
	v37 =	vld.idx.msk [tilespmem:v16+s4+$0x0], $0xffff  }
0x1c1: {  	v39 =	vmul.f32 v12, v0;
	v20 =	vld [tilespmem:s29+$0x19CB0]  }
0x1c2: {  	v41 =	vmul.f32 v13, v0;
	v21 =	vld [tilespmem:s29+$0x19D30];
	[tilespmem:s29+$0x1B840] =	vst v7  }
0x1c3: {  	v3 =	vmul.f32 v3, v0;
	[tilespmem:s29+$0x1BC80] =	vst v39;
	v39 =	vld [tilespmem:s29+$0x19E50]  }
0x1c4: {  	v4 =	vmul.f32 v4, v0;
	[tilespmem:s29+$0x1BD00] =	vst v41;
	v41 =	vld [tilespmem:s29+$0x19B60]  }
0x1c5: {  	[tilespmem:s29+$0x1B9A0] =	vst v3;
	v3 =	vld [tilespmem:s29+$0x199B0]  }
0x1c6: {  	v1 =	vmul.f32 v1, v0;
	[tilespmem:s29+$0x1B8C0] =	vst v4;
	v7 =	vld.idx.msk [tilespmem:v22+s4+$0x0], $0xffff  }
0x1c7: {  	v4 =	vld.idx.msk [tilespmem:v23+s4+$0x0], $0xffff  }
0x1c8: {  	[tilespmem:s29+$0x1BA20] =	vst v1;
	v1 =	vld [tilespmem:s29+$0x19A30]  }
0x1c9: {  	v43 =	vmul.f32 v14, v0;
	v14 =	vld.idx.msk [tilespmem:v44+s4+$0x0], $0xffff  }
0x1ca: {  	v5 =	vmul.f32 v5, v0;
	v22 =	vld [tilespmem:s29+$0x19DB0]  }
0x1cb: {  	v23 =	vld [tilespmem:s29+$0x19E30]  }
0x1cc: {  	v2 =	vmul.f32 v2, v0;
	v44 =	vld [tilespmem:s29+$0x19CE0];
	[tilespmem:s29+$0x1B940] =	vst v5  }
0x1cd: {  	[tilespmem:s29+$0x1BD80] =	vst v43;
	v43 =	vld [tilespmem:s29+$0x19C60]  }
0x1ce: {  	[tilespmem:s29+$0x1BAA0] =	vst v2;
	v2 =	vld [tilespmem:s29+$0x19AB0]  }
0x1cf: {  	v5 =	vld.idx.msk [tilespmem:v24+s4+$0x0], $0xffff  }
0x1d0: {  	v1 =	vld.idx.msk [tilespmem:v1+s4+$0x0], $0xffff  }
0x1d1: {  	v24 =	vld [tilespmem:s29+$0x19EB0]  }
0x1d2: {  	v45 =	vmul.f32 v15, v0;
	v15 =	vld.idx.msk [tilespmem:v46+s4+$0x0], $0xffff  }
0x1d3: {  	v47 =	vmul.f32 v37, v0;
	v37 =	vld [tilespmem:s29+$0x19D50]  }
0x1d4: {  	v8 =	vmul.f32 v8, v0;
	v46 =	vld [tilespmem:s29+$0x19DE0]  }
0x1d5: {  	[tilespmem:s29+$0x1BE00] =	vst v45;
	v45 =	vld [tilespmem:s29+$0x19D60];
	v1 =	vmul.f32 v1, v0  }
0x1d6: {  	[tilespmem:s29+$0x1B750] =	vst v8;
	v2 =	vld.idx.msk [tilespmem:v2+s4+$0x0], $0xffff  }
0x1d7: {  	v6 =	vmul.f32 v6, v0;
	[tilespmem:s29+$0x1BA30] =	vst v1;
	v1 =	vld [tilespmem:s29+$0x19A40]  }
0x1d8: {  	[tilespmem:s29+$0x1BE80] =	vst v47;
	v47 =	vld [tilespmem:s29+$0x19E60]  }
0x1d9: {  	[tilespmem:s29+$0x1B7D0] =	vst v6;
	v8 =	vld.idx.msk [tilespmem:v25+s4+$0x0], $0xffff  }
0x1da: {  	v6 =	vld.idx.msk [tilespmem:v26+s4+$0x0], $0xffff  }
0x1db: {  	v25 =	vld [tilespmem:s29+$0x19B40];
	v2 =	vmul.f32 v2, v0  }
0x1dc: {  	v52 =	vmul.f32 v14, v0;
	v26 =	vld [tilespmem:s29+$0x19BC0]  }
0x1dd: {  	[tilespmem:s29+$0x1BAB0] =	vst v2;
	v2 =	vld [tilespmem:s29+$0x19AC0]  }
0x1de: {  	v7 =	vmul.f32 v7, v0;
	[tilespmem:s29+$0x1BC90] =	vst v52;
	v52 =	vld [tilespmem:s29+$0x19CF0]  }
0x1df: {  	v4 =	vmul.f32 v4, v0;
	v1 =	vld.idx.msk [tilespmem:v1+s4+$0x0], $0xffff  }
0x1e0: {  	[tilespmem:s29+$0x1B850] =	vst v7;
	v3 =	vld.idx.msk [tilespmem:v3+s4+$0x0], $0xffff  }
0x1e1: {  	[tilespmem:s29+$0x1B8D0] =	vst v4;
	v7 =	vld.idx.msk [tilespmem:v27+s4+$0x0], $0xffff  }
0x1e2: {  	v4 =	vld.idx.msk [tilespmem:v28+s4+$0x0], $0xffff  }
0x1e3: {  	v5 =	vmul.f32 v5, v0;
	v27 =	vld [tilespmem:s29+$0x19C40]  }
0x1e4: {  	v28 =	vld [tilespmem:s29+$0x19CC0];
	v1 =	vmul.f32 v1, v0  }
0x1e5: {  	[tilespmem:s29+$0x1B950] =	vst v5;
	v2 =	vld.idx.msk [tilespmem:v2+s4+$0x0], $0xffff  }
0x1e6: {  	v54 =	vmul.f32 v15, v0;
	[tilespmem:s29+$0x1BA40] =	vst v1;
	v1 =	vld [tilespmem:s29+$0x19A50]  }
0x1e7: {  	v5 =	vld.idx.msk [tilespmem:v29+s4+$0x0], $0xffff;
	v8 =	vmul.f32 v8, v0  }
0x1e8: {  	[tilespmem:s29+$0x1BD10] =	vst v54;
	v29 =	vld [tilespmem:s29+$0x19D40]  }
0x1e9: {  	v54 =	vld [tilespmem:s29+$0x19DF0];
	[tilespmem:s29+$0x1B760] =	vst v8  }
0x1ea: {  	v8 =	vld.idx.msk [tilespmem:v30+s4+$0x0], $0xffff;
	v2 =	vmul.f32 v2, v0  }
0x1eb: {  	v3 =	vmul.f32 v3, v0;
	v30 =	vld [tilespmem:s29+$0x19DC0]  }
0x1ec: {  	v6 =	vmul.f32 v6, v0;
	[tilespmem:s29+$0x1BAC0] =	vst v2;
	v2 =	vld [tilespmem:s29+$0x19AD0]  }
0x1ed: {  	v7 =	vmul.f32 v7, v0;
	[tilespmem:s29+$0x1B9B0] =	vst v3;
	v3 =	vld [tilespmem:s29+$0x199C0]  }
0x1ee: {  	[tilespmem:s29+$0x1B7E0] =	vst v6;
	v1 =	vld.idx.msk [tilespmem:v1+s4+$0x0], $0xffff  }
0x1ef: {  	[tilespmem:s29+$0x1B860] =	vst v7;
	v7 =	vld.idx.msk [tilespmem:v31+s4+$0x0], $0xffff  }
0x1f0: {  	v31 =	vld [tilespmem:s29+$0x19E40]  }
0x1f1: {  	v6 =	vld.idx.msk [tilespmem:v9+s4+$0x0], $0xffff  }
0x1f2: {  	v4 =	vmul.f32 v4, v0;
	v9 =	vld.idx.msk [tilespmem:v33+s4+$0x0], $0xffff  }
0x1f3: {  	v33 =	vld [tilespmem:s29+$0x19B50];
	v1 =	vmul.f32 v1, v0  }
0x1f4: {  	v5 =	vmul.f32 v5, v0;
	[tilespmem:s29+$0x1B8E0] =	vst v4;
	v2 =	vld.idx.msk [tilespmem:v2+s4+$0x0], $0xffff  }
0x1f5: {  	[tilespmem:s29+$0x1BA50] =	vst v1;
	v1 =	vld [tilespmem:s29+$0x19A60]  }
0x1f6: {  	[tilespmem:s29+$0x1B960] =	vst v5;
	v5 =	vld.idx.msk [tilespmem:v32+s4+$0x0], $0xffff  }
0x1f7: {  	v32 =	vld [tilespmem:s29+$0x19EC0]  }
0x1f8: {  	v4 =	vld.idx.msk [tilespmem:v10+s4+$0x0], $0xffff  }
0x1f9: {  	v10 =	vld.idx.msk [tilespmem:v34+s4+$0x0], $0xffff  }
0x1fa: {  	v34 =	vld [tilespmem:s29+$0x19BD0];
	v2 =	vmul.f32 v2, v0  }
0x1fb: {  	v3 =	vld.idx.msk [tilespmem:v3+s4+$0x0], $0xffff  }
0x1fc: {  	v9 =	vmul.f32 v9, v0;
	[tilespmem:s29+$0x1BAD0] =	vst v2;
	v2 =	vld [tilespmem:s29+$0x19AE0]  }
0x1fd: {  	v1 =	vld.idx.msk [tilespmem:v1+s4+$0x0], $0xffff  }
0x1fe: {  	[tilespmem:s29+$0x1BB00] =	vst v9;
	v9 =	vld.idx.msk [tilespmem:v49+s4+$0x0], $0xffff  }
0x1ff: {  	v49 =	vld [tilespmem:s29+$0x19B70]  }
0x200: {  	v10 =	vmul.f32 v10, v0;
	v16 =	vld.idx.msk [tilespmem:v38+s4+$0x0], $0xffff  }
0x201: {  	v38 =	vld [tilespmem:s29+$0x19DD0]  }
0x202: {  	[tilespmem:s29+$0x1BB80] =	vst v10;
	v10 =	vld.idx.msk [tilespmem:v50+s4+$0x0], $0xffff;
	v1 =	vmul.f32 v1, v0  }
0x203: {  	v50 =	vld [tilespmem:s29+$0x19BF0]  }
0x204: {  	[tilespmem:s29+$0x1BA60] =	vst v1;
	v1 =	vld [tilespmem:s29+$0x19A70]  }
0x205: {  	v3 =	vmul.f32 v3, v0;
	v2 =	vld.idx.msk [tilespmem:v2+s4+$0x0], $0xffff  }
0x206: {  	v12 =	vld.idx.msk [tilespmem:v40+s4+$0x0], $0xffff;
	v9 =	vmul.f32 v9, v0  }
0x207: {  	v40 =	vld [tilespmem:s29+$0x19ED0];
	v16 =	vmul.f32 v16, v0;
	[tilespmem:s29+$0x1B9C0] =	vst v3  }
0x208: {  	v3 =	vld [tilespmem:s29+$0x199D0];
	[tilespmem:s29+$0x1BE10] =	vst v9  }
0x209: {  	[tilespmem:s29+$0x1BB10] =	vst v16;
	v9 =	vld.idx.msk [tilespmem:v59+s4+$0x0], $0xffff  }
0x20a: {  	v16 =	vld.idx.msk [tilespmem:v51+s4+$0x0], $0xffff;
	v2 =	vmul.f32 v2, v0  }
0x20b: {  	v51 =	vld [tilespmem:s29+$0x19C70]  }
0x20c: {  	v10 =	vmul.f32 v10, v0;
	[tilespmem:s29+$0x1BAE0] =	vst v2;
	v2 =	vld.idx.msk [tilespmem:v1+s4+$0x0], $0xffff  }
0x20d: {  	v12 =	vmul.f32 v12, v0;
	v1 =	vld.idx.msk [tilespmem:v11+s4+$0x0], $0xffff  }
0x20e: {  	[tilespmem:s29+$0x1BE90] =	vst v10;
	v11 =	vld.idx.msk [tilespmem:v35+s4+$0x0], $0xffff  }
0x20f: {  	[tilespmem:s29+$0x1BB90] =	vst v12;
	v12 =	vld.idx.msk [tilespmem:v56+s4+$0x0], $0xffff  }
0x210: {  	v10 =	vld.idx.msk [tilespmem:v60+s4+$0x0], $0xffff  }
0x211: {  	v56 =	vld [tilespmem:s29+$0x19EF0];
	v9 =	vmul.f32 v9, v0  }
0x212: {  	v14 =	vld.idx.msk [tilespmem:v53+s4+$0x0], $0xffff;
	v16 =	vmul.f32 v16, v0  }
0x213: {  	v3 =	vld.idx.msk [tilespmem:v3+s4+$0x0], $0xffff;
	[tilespmem:s29+$0x1BE20] =	vst v9;
	v36 =	vmul.f32 v11, v0  }
0x214: {  	[tilespmem:s29+$0x1BB20] =	vst v16;
	v9 =	vld.idx.msk [tilespmem:v23+s4+$0x0], $0xffff  }
0x215: {  	v12 =	vmul.f32 v12, v0;
	v16 =	vld.idx.msk [tilespmem:v61+s4+$0x0], $0xffff;
	[tilespmem:s29+$0x1BC00] =	vst v36  }
0x216: {  	v10 =	vmul.f32 v10, v0;
	v13 =	vld.idx.msk [tilespmem:v42+s4+$0x0], $0xffff  }
0x217: {  	v14 =	vmul.f32 v14, v0;
	[tilespmem:s29+$0x1BCA0] =	vst v12;
	v11 =	vld.idx.msk [tilespmem:v48+s4+$0x0], $0xffff  }
0x218: {  	[tilespmem:s29+$0x1BEA0] =	vst v10;
	v12 =	vld.idx.msk [tilespmem:v20+s4+$0x0], $0xffff;
	v3 =	vmul.f32 v3, v0  }
0x219: {  	[tilespmem:s29+$0x1BBA0] =	vst v14;
	v10 =	vld.idx.msk [tilespmem:v24+s4+$0x0], $0xffff;
	v9 =	vmul.f32 v9, v0  }
0x21a: {  	v14 =	vld.idx.msk [tilespmem:v62+s4+$0x0], $0xffff;
	[tilespmem:s29+$0x1B9D0] =	vst v3;
	v16 =	vmul.f32 v16, v0  }
0x21b: {  	v3 =	vld [tilespmem:s29+$0x199E0];
	[tilespmem:s29+$0x1BE30] =	vst v9;
	v13 =	vmul.f32 v13, v0  }
0x21c: {  	[tilespmem:s29+$0x1BB30] =	vst v16;
	v9 =	vld.idx.msk [tilespmem:v31+s4+$0x0], $0xffff;
	v11 =	vmul.f32 v11, v0  }
0x21d: {  	v16 =	vld.idx.msk [tilespmem:v25+s4+$0x0], $0xffff;
	[tilespmem:s29+$0x1BC10] =	vst v13  }
0x21e: {  	v12 =	vmul.f32 v12, v0;
	[tilespmem:s29+$0x1BD90] =	vst v11;
	v15 =	vld.idx.msk [tilespmem:v55+s4+$0x0], $0xffff  }
0x21f: {  	v10 =	vmul.f32 v10, v0;
	v11 =	vld.idx.msk [tilespmem:v58+s4+$0x0], $0xffff  }
0x220: {  	v14 =	vmul.f32 v14, v0;
	[tilespmem:s29+$0x1BCB0] =	vst v12;
	v13 =	vld.idx.msk [tilespmem:v57+s4+$0x0], $0xffff  }
0x221: {  	v8 =	vmul.f32 v8, v0;
	[tilespmem:s29+$0x1BEB0] =	vst v10;
	v12 =	vld.idx.msk [tilespmem:v28+s4+$0x0], $0xffff  }
0x222: {  	[tilespmem:s29+$0x1BBB0] =	vst v14;
	v10 =	vld.idx.msk [tilespmem:v32+s4+$0x0], $0xffff;
	v9 =	vmul.f32 v9, v0  }
0x223: {  	[tilespmem:s29+$0x1B770] =	vst v8;
	v14 =	vld.idx.msk [tilespmem:v26+s4+$0x0], $0xffff;
	v15 =	vmul.f32 v15, v0  }
0x224: {  	v3 =	vld.idx.msk [tilespmem:v3+s4+$0x0], $0xffff;
	[tilespmem:s29+$0x1BE40] =	vst v9;
	v11 =	vmul.f32 v11, v0  }
0x225: {  	v9 =	vld.idx.msk [tilespmem:v39+s4+$0x0], $0xffff;
	v13 =	vmul.f32 v13, v0;
	[tilespmem:s29+$0x1BC20] =	vst v15  }
0x226: {  	v16 =	vmul.f32 v16, v0;
	[tilespmem:s29+$0x1BDA0] =	vst v11;
	v15 =	vld.idx.msk [tilespmem:v63+s4+$0x0], $0xffff  }
0x227: {  	v10 =	vmul.f32 v10, v0;
	v11 =	vld.idx.msk [tilespmem:v22+s4+$0x0], $0xffff;
	[tilespmem:s29+$0x1BD20] =	vst v13  }
0x228: {  	v14 =	vmul.f32 v14, v0;
	[tilespmem:s29+$0x1BB40] =	vst v16;
	v13 =	vld.idx.msk [tilespmem:v21+s4+$0x0], $0xffff  }
0x229: {  	v7 =	vmul.f32 v7, v0;
	[tilespmem:s29+$0x1BEC0] =	vst v10;
	v16 =	vld.idx.msk [tilespmem:v33+s4+$0x0], $0xffff  }
0x22a: {  	v6 =	vmul.f32 v6, v0;
	[tilespmem:s29+$0x1BBC0] =	vst v14;
	v10 =	vld.idx.msk [tilespmem:v40+s4+$0x0], $0xffff  }
0x22b: {  	[tilespmem:s29+$0x1B7F0] =	vst v7;
	v14 =	vld.idx.msk [tilespmem:v34+s4+$0x0], $0xffff;
	v15 =	vmul.f32 v15, v0  }
0x22c: {  	[tilespmem:s29+$0x1B870] =	vst v6;
	v35 =	vld [tilespmem:s29+$0x19C50];
	v11 =	vmul.f32 v11, v0  }
0x22d: {  	v36 =	vld [tilespmem:s29+$0x19CD0];
	v13 =	vmul.f32 v13, v0;
	[tilespmem:s29+$0x1BC30] =	vst v15  }
0x22e: {  	v3 =	vmul.f32 v3, v0;
	[tilespmem:s29+$0x1BDB0] =	vst v11;
	v15 =	vld.idx.msk [tilespmem:v27+s4+$0x0], $0xffff  }
0x22f: {  	v9 =	vmul.f32 v9, v0;
	v11 =	vld.idx.msk [tilespmem:v30+s4+$0x0], $0xffff;
	[tilespmem:s29+$0x1BD30] =	vst v13  }
0x230: {  	v5 =	vmul.f32 v5, v0;
	[tilespmem:s29+$0x1B9E0] =	vst v3;
	v13 =	vld.idx.msk [tilespmem:v29+s4+$0x0], $0xffff  }
0x231: {  	v3 =	vld [tilespmem:s29+$0x199F0];
	v16 =	vmul.f32 v16, v0;
	[tilespmem:s29+$0x1BE50] =	vst v9  }
0x232: {  	[tilespmem:s29+$0x1B8F0] =	vst v5;
	v12 =	vmul.f32 v12, v0;
	v9 =	vld.idx.msk [tilespmem:v47+s4+$0x0], $0xffff  }
0x233: {  	[tilespmem:s29+$0x1BB50] =	vst v16;
	v42 =	vld [tilespmem:s29+$0x19BE0];
	v15 =	vmul.f32 v15, v0  }
0x234: {  	[tilespmem:s29+$0x1BCC0] =	vst v12;
	v16 =	vld.idx.msk [tilespmem:v41+s4+$0x0], $0xffff;
	v11 =	vmul.f32 v11, v0  }
0x235: {  	v12 =	vld.idx.msk [tilespmem:v36+s4+$0x0], $0xffff;
	v13 =	vmul.f32 v13, v0;
	[tilespmem:s29+$0x1BC40] =	vst v15  }
0x236: {  	v4 =	vmul.f32 v4, v0;
	[tilespmem:s29+$0x1BDC0] =	vst v11;
	v15 =	vld.idx.msk [tilespmem:v35+s4+$0x0], $0xffff  }
0x237: {  	v10 =	vmul.f32 v10, v0;
	v11 =	vld.idx.msk [tilespmem:v38+s4+$0x0], $0xffff;
	[tilespmem:s29+$0x1BD40] =	vst v13  }
0x238: {  	[tilespmem:s29+$0x1B970] =	vst v4;
	v14 =	vmul.f32 v14, v0;
	v13 =	vld.idx.msk [tilespmem:v37+s4+$0x0], $0xffff  }
0x239: {  	[tilespmem:s29+$0x1BED0] =	vst v10;
	v9 =	vmul.f32 v9, v0;
	v48 =	vld [tilespmem:s29+$0x19EE0]  }
0x23a: {  	[tilespmem:s29+$0x1BBD0] =	vst v14;
	v3 =	vld.idx.msk [tilespmem:v3+s4+$0x0], $0xffff;
	v12 =	vmul.f32 v12, v0  }
0x23b: {  	[tilespmem:s29+$0x1BE60] =	vst v9;
	v14 =	vld.idx.msk [tilespmem:v42+s4+$0x0], $0xffff;
	v15 =	vmul.f32 v15, v0  }
0x23c: {  	v53 =	vld [tilespmem:s29+$0x19D70];
	[tilespmem:s29+$0x1BCD0] =	vst v12;
	v11 =	vmul.f32 v11, v0  }
0x23d: {  	v12 =	vld.idx.msk [tilespmem:v44+s4+$0x0], $0xffff;
	v13 =	vmul.f32 v13, v0;
	[tilespmem:s29+$0x1BC50] =	vst v15  }
0x23e: {  	v16 =	vmul.f32 v16, v0;
	[tilespmem:s29+$0x1BDD0] =	vst v11;
	v15 =	vld.idx.msk [tilespmem:v43+s4+$0x0], $0xffff  }
0x23f: {  	v3 =	vmul.f32 v3, v0;
	v11 =	vld.idx.msk [tilespmem:v46+s4+$0x0], $0xffff;
	[tilespmem:s29+$0x1BD50] =	vst v13  }
0x240: {  	[tilespmem:s29+$0x1BB60] =	vst v16;
	v14 =	vmul.f32 v14, v0;
	v13 =	vld.idx.msk [tilespmem:v45+s4+$0x0], $0xffff  }
0x241: {  	v1 =	vmul.f32 v1, v0;
	[tilespmem:s29+$0x1B9F0] =	vst v3;
	v10 =	vld.idx.msk [tilespmem:v48+s4+$0x0], $0xffff  }
0x242: {  	v55 =	vld [tilespmem:s29+$0x19E70];
	[tilespmem:s29+$0x1BBE0] =	vst v14;
	v12 =	vmul.f32 v12, v0  }
0x243: {  	[tilespmem:s29+$0x1BAF0] =	vst v1;
	v58 =	vld.idx.msk [tilespmem:v50+s4+$0x0], $0xffff;
	v15 =	vmul.f32 v15, v0  }
0x244: {  	v57 =	vld.idx.msk [tilespmem:v49+s4+$0x0], $0xffff;
	[tilespmem:s29+$0x1BCE0] =	vst v12;
	v11 =	vmul.f32 v11, v0  }
0x245: {  	v60 =	vld.idx.msk [tilespmem:v52+s4+$0x0], $0xffff;
	v13 =	vmul.f32 v13, v0;
	[tilespmem:s29+$0x1BC60] =	vst v15  }
0x246: {  	v10 =	vmul.f32 v10, v0;
	[tilespmem:s29+$0x1BDE0] =	vst v11;
	v59 =	vld.idx.msk [tilespmem:v51+s4+$0x0], $0xffff  }
0x247: {  	v2 =	vmul.f32 v2, v0;
	v61 =	vld.idx.msk [tilespmem:v54+s4+$0x0], $0xffff;
	[tilespmem:s29+$0x1BD60] =	vst v13  }
0x248: {  	[tilespmem:s29+$0x1BEE0] =	vst v10;
	v1 =	vmul.f32 v58, v0;
	v3 =	vld.idx.msk [tilespmem:v53+s4+$0x0], $0xffff  }
0x249: {  	[tilespmem:s29+$0x1BA70] =	vst v2;
	v2 =	vmul.f32 v57, v0;
	v63 =	vld.idx.msk [tilespmem:v56+s4+$0x0], $0xffff  }
0x24a: {  	v62 =	vld.idx.msk [tilespmem:v55+s4+$0x0], $0xffff;
	[tilespmem:s29+$0x1BBF0] =	vst v1;
	v1 =	vmul.f32 v60, v0  }
0x24b: {  	[tilespmem:s29+$0x1BB70] =	vst v2;
	v2 =	vmul.f32 v59, v0  }
0x24c: {  	p3 =	por p2, p2;
	[tilespmem:s29+$0x1BCF0] =	vst v1;
	v1 =	vmul.f32 v61, v0  }
.Ltmp3:
0x24d: {  	[tilespmem:s29+$0x1BC70] =	vst v2;
	v2 =	vmul.f32 v3, v0;
	(pc) =	sbr.rel @p3 .LBB2_5-.Ltmp3, $4  }
0x24e: {  	[tilespmem:s29+$0x1BDF0] =	vst v1;
	v1 =	vmul.f32 v63, v0  }
0x24f: {  	[tilespmem:s29+$0x1BD70] =	vst v2;
	v2 =	vmul.f32 v62, v0  }
0x250: {  	[tilespmem:s29+$0x1BEF0] =	vst v1  }
0x251: {  	p2 =	por $0x0, $0x0;
	[tilespmem:s29+$0x1BE70] =	vst v2;
	s29 =	simm.s32 $0x800  }
.Ltmp4:
0x252: {  	s28 =	sshll.u32 s28, $0x12;
	(pc) =	sbr.rel @p1 .LBB2_8-.Ltmp4, $4  }
0x253: {  	s28 =	sor.u32 s10, s28  }
0x254: {  	s28 =	sshrl.u32 s28, $0x3  }
0x255: {  	s28 =	sadd.s32 s2, s28  }
0x256: {  	[hbm4b:s28+s16] =	stream.strided.scatter [tilespmem:s23], [sflag:$0x3], $0x1000, s17, s16, $0x38;
	[tilespmem:$0x1F910] =	vst v63  }
.Ltmp5:
0x257: {  	(pc) =	sbr.rel .LBB2_2-.Ltmp5, $4  }
0x258: {  	_ = 	snop  }
0x259: {  	_ =	swait.ge [sflag:s20], $0x1000  }
0x25a: {  	[sflag:s20] =	ssyncset.done $0x0  }
0x25b: {  	s26 =	sadd.s32 $0x1, s26;
	[sflag:s20] =	ssyncadd.s32 $0xFFFFF000  }
.LBB2_8:
0x25c: {  	_ =	swait.ge [sflag:s24], $0x1000  }
0x25d: {  	[sflag:s24] =	ssyncset.done $0x0  }
0x25e: {  	[sflag:s24] =	ssyncadd.s32 $0xFFFFF000  }
0x25f: {  	_ =	swait.ge [sflag:s24], $0x1000  }
0x260: {  	[sflag:s24] =	ssyncset.done $0x0  }
0x261: {  	s26 =	simm.s32 $0x0;
	[sflag:s24] =	ssyncadd.s32 $0xFFFFF000  }
0x262: {  	[tilespmem:s26], [sflag:$0x1] =	stream.strided.gather [hbm4b:s8+s16], $0x18700, s17, s16, $0x38;
	[tilespmem:$0x1F910] =	vst v63  }
0x263: {  	_ =	swait.ge [sflag:s18], $0x18700  }
0x264: {  	[sflag:s18] =	ssyncset.done $0x0  }
0x265: {  	[sflag:s18] =	ssyncadd.s32 $0xFFFE7900  }
0x266: {  	[tilespmem:s19], [sflag:$0x2] =	stream.linear.gather [spmem:s3], $0x1000, $0x38;
	[tilespmem:$0x1F910] =	vst v63  }
0x267: {  	_ =	swait.ge [sflag:s20], $0x1000  }
0x268: {  	[sflag:s20] =	ssyncset.done $0x0  }
0x269: {  	[sflag:s20] =	ssyncadd.s32 $0xFFFFF000  }
.LBB2_9:
0x26a: {  	s28 =	sshllo.u32 s26, $0x1  }
0x26b: {  	s29 =	sshll.u32 s28, $0xC  }
0x26c: {  	s29 =	sand.u32 $0x3FFFF000, s29  }
0x26d: {  	p1 =	seq.s32 s26, $0x0;
	s29 =	sadd.s32 s29, s3  }
0x26e: {  	[tilespmem:s21], [sflag:$0x2] =	stream.linear.gather [spmem:s29], $0x1000, $0x38;
	[tilespmem:$0x1F910] =	vst v63  }
0x26f: {  	s29 =	simm.s32 @!p1 $0x3  }
0x270: {  	_ =	swait.ge @!p1 [sflag:s29], $0x1000  }
0x271: {  	[sflag:s29] =	ssyncset.done @!p1 $0x0  }
0x272: {  	[sflag:s29] =	ssyncadd.s32 @!p1 $0xFFFFF000;
	p1 =	por $0x1, $0x1;
	s29 =	simm.s32 $0x0  }
.LBB2_10:
0x273: {  	v1 =	vld [tilespmem:s29+$0x18700]  }
0x274: {  	v2 =	vld [tilespmem:s29+$0x18780]  }
0x275: {  	v3 =	vld [tilespmem:s29+$0x18800]  }
0x276: {  	v4 =	vld [tilespmem:s29+$0x18880]  }
0x277: {  	v5 =	vld [tilespmem:s29+$0x18900]  }
0x278: {  	v6 =	vld [tilespmem:s29+$0x18980]  }
0x279: {  	v7 =	vld [tilespmem:s29+$0x18A00]  }
0x27a: {  	v8 =	vld [tilespmem:s29+$0x18A80]  }
0x27b: {  	v50 =	vld [tilespmem:s29+$0x18710]  }
0x27c: {  	v51 =	vld [tilespmem:s29+$0x18790]  }
0x27d: {  	v52 =	vld [tilespmem:s29+$0x18810]  }
0x27e: {  	v53 =	vld [tilespmem:s29+$0x18890]  }
0x27f: {  	v54 =	vld [tilespmem:s29+$0x18910]  }
0x280: {  	v55 =	vld [tilespmem:s29+$0x18720]  }
0x281: {  	v57 =	vld [tilespmem:s29+$0x187A0]  }
0x282: {  	v59 =	vld [tilespmem:s29+$0x18820]  }
0x283: {  	v60 =	vld [tilespmem:s29+$0x188A0]  }
0x284: {  	v61 =	vld [tilespmem:s29+$0x18920]  }
0x285: {  	v62 =	vld [tilespmem:s29+$0x18730]  }
0x286: {  	v63 =	vld [tilespmem:s29+$0x187B0]  }
0x287: {  	v12 =	vld [tilespmem:s29+$0x18830]  }
0x288: {  	v13 =	vld [tilespmem:s29+$0x188B0]  }
0x289: {  	v14 =	vld [tilespmem:s29+$0x18930]  }
0x28a: {  	v15 =	vld [tilespmem:s29+$0x18740]  }
0x28b: {  	v16 =	vld [tilespmem:s29+$0x187C0]  }
0x28c: {  	v17 =	vld [tilespmem:s29+$0x18840]  }
0x28d: {  	v18 =	vld [tilespmem:s29+$0x188C0]  }
0x28e: {  	v19 =	vld [tilespmem:s29+$0x18940]  }
0x28f: {  	v20 =	vld [tilespmem:s29+$0x18750]  }
0x290: {  	v21 =	vld [tilespmem:s29+$0x187D0]  }
0x291: {  	v22 =	vld [tilespmem:s29+$0x18850]  }
0x292: {  	v23 =	vld [tilespmem:s29+$0x188D0]  }
0x293: {  	v24 =	vld [tilespmem:s29+$0x18950]  }
0x294: {  	v25 =	vld [tilespmem:s29+$0x18760]  }
0x295: {  	v26 =	vld [tilespmem:s29+$0x187E0]  }
0x296: {  	v27 =	vld [tilespmem:s29+$0x18860]  }
0x297: {  	v28 =	vld [tilespmem:s29+$0x188E0]  }
0x298: {  	v29 =	vld [tilespmem:s29+$0x18960]  }
0x299: {  	v30 =	vld [tilespmem:s29+$0x18770]  }
0x29a: {  	v31 =	vld [tilespmem:s29+$0x187F0]  }
0x29b: {  	v9 =	vld [tilespmem:s29+$0x18870]  }
0x29c: {  	v32 =	vld [tilespmem:s29+$0x188F0]  }
0x29d: {  	v10 =	vld [tilespmem:s29+$0x18970]  }
0x29e: {  	v11 =	vld [tilespmem:s29+$0x18AF0]  }
0x29f: {  	v33 =	vld [tilespmem:s29+$0x18B00]  }
0x2a0: {  	v34 =	vld [tilespmem:s29+$0x18B80]  }
0x2a1: {  	v35 =	vld [tilespmem:s29+$0x18C00]  }
0x2a2: {  	v38 =	vld [tilespmem:s29+$0x18B10]  }
0x2a3: {  	v40 =	vld [tilespmem:s29+$0x18B90]  }
0x2a4: {  	v42 =	vld [tilespmem:s29+$0x18C10]  }
0x2a5: {  	v44 =	vld [tilespmem:s29+$0x18C90]  }
0x2a6: {  	v46 =	vld [tilespmem:s29+$0x18D10]  }
0x2a7: {  	v48 =	vld [tilespmem:s29+$0x18D90]  }
0x2a8: {  	v49 =	vld [tilespmem:s29+$0x18E10]  }
0x2a9: {  	v1 =	vld.idx.msk [tilespmem:v1+s4+$0x0], $0xffff  }
0x2aa: {  	v2 =	vld.idx.msk [tilespmem:v2+s4+$0x0], $0xffff  }
0x2ab: {  	v3 =	vld.idx.msk [tilespmem:v3+s4+$0x0], $0xffff  }
0x2ac: {  	v4 =	vld.idx.msk [tilespmem:v4+s4+$0x0], $0xffff  }
0x2ad: {  	v5 =	vld.idx.msk [tilespmem:v5+s4+$0x0], $0xffff  }
0x2ae: {  	v6 =	vld.idx.msk [tilespmem:v6+s4+$0x0], $0xffff;
	v1 =	vmul.f32 v1, v0  }
0x2af: {  	v7 =	vld.idx.msk [tilespmem:v7+s4+$0x0], $0xffff;
	v2 =	vmul.f32 v2, v0  }
0x2b0: {  	[tilespmem:s29+$0x1A700] =	vst v1;
	v1 =	vmul.f32 v3, v0;
	v3 =	vld.idx.msk [tilespmem:v8+s4+$0x0], $0xffff  }
0x2b1: {  	[tilespmem:s29+$0x1A780] =	vst v2;
	v8 =	vld.idx.msk [tilespmem:v50+s4+$0x0], $0xffff  }
0x2b2: {  	v2 =	vmul.f32 v4, v0;
	v4 =	vld.idx.msk [tilespmem:v51+s4+$0x0], $0xffff  }
0x2b3: {  	v50 =	vld [tilespmem:s29+$0x18E90]  }
0x2b4: {  	v51 =	vld [tilespmem:s29+$0x18B20];
	[tilespmem:s29+$0x1A800] =	vst v1  }
0x2b5: {  	v1 =	vmul.f32 v5, v0;
	[tilespmem:s29+$0x1A880] =	vst v2;
	v5 =	vld.idx.msk [tilespmem:v52+s4+$0x0], $0xffff  }
0x2b6: {  	v2 =	vmul.f32 v6, v0;
	v6 =	vld.idx.msk [tilespmem:v53+s4+$0x0], $0xffff  }
0x2b7: {  	v53 =	vld [tilespmem:s29+$0x18BA0];
	[tilespmem:s29+$0x1A900] =	vst v1;
	v1 =	vmul.f32 v7, v0  }
0x2b8: {  	[tilespmem:s29+$0x1A980] =	vst v2;
	v2 =	vmul.f32 v3, v0;
	v3 =	vld [tilespmem:s29+$0x18990]  }
0x2b9: {  	v7 =	vld.idx.msk [tilespmem:v54+s4+$0x0], $0xffff;
	[tilespmem:s29+$0x1AA00] =	vst v1;
	v8 =	vmul.f32 v8, v0  }
0x2ba: {  	v1 =	vld [tilespmem:s29+$0x18A10];
	v4 =	vmul.f32 v4, v0;
	[tilespmem:s29+$0x1AA80] =	vst v2  }
0x2bb: {  	v2 =	vld [tilespmem:s29+$0x18A90];
	[tilespmem:s29+$0x1A710] =	vst v8  }
0x2bc: {  	[tilespmem:s29+$0x1A790] =	vst v4;
	v8 =	vld.idx.msk [tilespmem:v55+s4+$0x0], $0xffff  }
0x2bd: {  	v5 =	vmul.f32 v5, v0;
	v56 =	vmul.f32 v6, v0;
	v6 =	vld.idx.msk [tilespmem:v57+s4+$0x0], $0xffff  }
0x2be: {  	v55 =	vld [tilespmem:s29+$0x18C20]  }
0x2bf: {  	v57 =	vld [tilespmem:s29+$0x18D20];
	[tilespmem:s29+$0x1A810] =	vst v5  }
0x2c0: {  	[tilespmem:s29+$0x1A890] =	vst v56;
	v56 =	vld [tilespmem:s29+$0x18CA0]  }
0x2c1: {  	v58 =	vmul.f32 v7, v0;
	v7 =	vld.idx.msk [tilespmem:v59+s4+$0x0], $0xffff  }
0x2c2: {  	v4 =	vld.idx.msk [tilespmem:v60+s4+$0x0], $0xffff  }
0x2c3: {  	v59 =	vld [tilespmem:s29+$0x18E20]  }
0x2c4: {  	v60 =	vld [tilespmem:s29+$0x18EA0]  }
0x2c5: {  	[tilespmem:s29+$0x1A910] =	vst v58;
	v58 =	vld [tilespmem:s29+$0x18DA0]  }
0x2c6: {  	v3 =	vld.idx.msk [tilespmem:v3+s4+$0x0], $0xffff  }
0x2c7: {  	v5 =	vld.idx.msk [tilespmem:v61+s4+$0x0], $0xffff  }
0x2c8: {  	v61 =	vld [tilespmem:s29+$0x18B30];
	v8 =	vmul.f32 v8, v0  }
0x2c9: {  	v1 =	vld.idx.msk [tilespmem:v1+s4+$0x0], $0xffff;
	v6 =	vmul.f32 v6, v0  }
0x2ca: {  	v2 =	vld.idx.msk [tilespmem:v2+s4+$0x0], $0xffff;
	[tilespmem:s29+$0x1A720] =	vst v8  }
0x2cb: {  	[tilespmem:s29+$0x1A7A0] =	vst v6;
	v8 =	vld.idx.msk [tilespmem:v62+s4+$0x0], $0xffff  }
0x2cc: {  	v7 =	vmul.f32 v7, v0;
	v6 =	vld.idx.msk [tilespmem:v63+s4+$0x0], $0xffff  }
0x2cd: {  	v4 =	vmul.f32 v4, v0;
	v62 =	vld [tilespmem:s29+$0x18BB0]  }
0x2ce: {  	v63 =	vld [tilespmem:s29+$0x18C30];
	[tilespmem:s29+$0x1A820] =	vst v7  }
0x2cf: {  	[tilespmem:s29+$0x1A8A0] =	vst v4;
	v7 =	vld.idx.msk [tilespmem:v12+s4+$0x0], $0xffff  }
0x2d0: {  	v3 =	vmul.f32 v3, v0;
	v4 =	vld.idx.msk [tilespmem:v13+s4+$0x0], $0xffff  }
0x2d1: {  	v5 =	vmul.f32 v5, v0;
	v12 =	vld [tilespmem:s29+$0x18C80]  }
0x2d2: {  	v1 =	vmul.f32 v1, v0;
	v13 =	vld [tilespmem:s29+$0x18D00];
	[tilespmem:s29+$0x1A990] =	vst v3  }
0x2d3: {  	v3 =	vld [tilespmem:s29+$0x189A0];
	[tilespmem:s29+$0x1A920] =	vst v5  }
0x2d4: {  	v2 =	vmul.f32 v2, v0;
	[tilespmem:s29+$0x1AA10] =	vst v1;
	v1 =	vld [tilespmem:s29+$0x18A20]  }
0x2d5: {  	v5 =	vld.idx.msk [tilespmem:v14+s4+$0x0], $0xffff;
	v8 =	vmul.f32 v8, v0  }
0x2d6: {  	v14 =	vld [tilespmem:s29+$0x18D80];
	[tilespmem:s29+$0x1AA90] =	vst v2;
	v6 =	vmul.f32 v6, v0  }
0x2d7: {  	v2 =	vld [tilespmem:s29+$0x18AA0];
	[tilespmem:s29+$0x1A730] =	vst v8  }
0x2d8: {  	[tilespmem:s29+$0x1A7B0] =	vst v6;
	v8 =	vld.idx.msk [tilespmem:v15+s4+$0x0], $0xffff  }
0x2d9: {  	v7 =	vmul.f32 v7, v0;
	v6 =	vld.idx.msk [tilespmem:v16+s4+$0x0], $0xffff  }
0x2da: {  	v4 =	vmul.f32 v4, v0;
	v15 =	vld [tilespmem:s29+$0x18E00]  }
0x2db: {  	v16 =	vld [tilespmem:s29+$0x18E80];
	[tilespmem:s29+$0x1A830] =	vst v7  }
0x2dc: {  	[tilespmem:s29+$0x1A8B0] =	vst v4;
	v7 =	vld.idx.msk [tilespmem:v17+s4+$0x0], $0xffff  }
0x2dd: {  	v4 =	vld.idx.msk [tilespmem:v18+s4+$0x0], $0xffff  }
0x2de: {  	v12 =	vld.idx.msk [tilespmem:v12+s4+$0x0], $0xffff  }
0x2df: {  	v5 =	vmul.f32 v5, v0;
	v13 =	vld.idx.msk [tilespmem:v13+s4+$0x0], $0xffff  }
0x2e0: {  	v3 =	vld.idx.msk [tilespmem:v3+s4+$0x0], $0xffff  }
0x2e1: {  	[tilespmem:s29+$0x1A930] =	vst v5;
	v1 =	vld.idx.msk [tilespmem:v1+s4+$0x0], $0xffff  }
0x2e2: {  	v5 =	vld.idx.msk [tilespmem:v19+s4+$0x0], $0xffff;
	v8 =	vmul.f32 v8, v0  }
0x2e3: {  	v14 =	vld.idx.msk [tilespmem:v14+s4+$0x0], $0xffff;
	v6 =	vmul.f32 v6, v0  }
0x2e4: {  	v2 =	vld.idx.msk [tilespmem:v2+s4+$0x0], $0xffff;
	[tilespmem:s29+$0x1A740] =	vst v8  }
0x2e5: {  	[tilespmem:s29+$0x1A7C0] =	vst v6;
	v8 =	vld.idx.msk [tilespmem:v20+s4+$0x0], $0xffff  }
0x2e6: {  	v6 =	vld.idx.msk [tilespmem:v21+s4+$0x0], $0xffff  }
0x2e7: {  	v15 =	vld.idx.msk [tilespmem:v15+s4+$0x0], $0xffff  }
0x2e8: {  	v7 =	vmul.f32 v7, v0;
	v37 =	vld.idx.msk [tilespmem:v16+s4+$0x0], $0xffff  }
0x2e9: {  	v39 =	vmul.f32 v12, v0;
	v20 =	vld [tilespmem:s29+$0x18CB0]  }
0x2ea: {  	v41 =	vmul.f32 v13, v0;
	v21 =	vld [tilespmem:s29+$0x18D30];
	[tilespmem:s29+$0x1A840] =	vst v7  }
0x2eb: {  	v3 =	vmul.f32 v3, v0;
	[tilespmem:s29+$0x1AC80] =	vst v39;
	v39 =	vld [tilespmem:s29+$0x18E50]  }
0x2ec: {  	v4 =	vmul.f32 v4, v0;
	[tilespmem:s29+$0x1AD00] =	vst v41;
	v41 =	vld [tilespmem:s29+$0x18B60]  }
0x2ed: {  	[tilespmem:s29+$0x1A9A0] =	vst v3;
	v3 =	vld [tilespmem:s29+$0x189B0]  }
0x2ee: {  	v1 =	vmul.f32 v1, v0;
	[tilespmem:s29+$0x1A8C0] =	vst v4;
	v7 =	vld.idx.msk [tilespmem:v22+s4+$0x0], $0xffff  }
0x2ef: {  	v4 =	vld.idx.msk [tilespmem:v23+s4+$0x0], $0xffff  }
0x2f0: {  	[tilespmem:s29+$0x1AA20] =	vst v1;
	v1 =	vld [tilespmem:s29+$0x18A30]  }
0x2f1: {  	v43 =	vmul.f32 v14, v0;
	v14 =	vld.idx.msk [tilespmem:v44+s4+$0x0], $0xffff  }
0x2f2: {  	v5 =	vmul.f32 v5, v0;
	v22 =	vld [tilespmem:s29+$0x18DB0]  }
0x2f3: {  	v23 =	vld [tilespmem:s29+$0x18E30]  }
0x2f4: {  	v2 =	vmul.f32 v2, v0;
	v44 =	vld [tilespmem:s29+$0x18CE0];
	[tilespmem:s29+$0x1A940] =	vst v5  }
0x2f5: {  	[tilespmem:s29+$0x1AD80] =	vst v43;
	v43 =	vld [tilespmem:s29+$0x18C60]  }
0x2f6: {  	[tilespmem:s29+$0x1AAA0] =	vst v2;
	v2 =	vld [tilespmem:s29+$0x18AB0]  }
0x2f7: {  	v5 =	vld.idx.msk [tilespmem:v24+s4+$0x0], $0xffff  }
0x2f8: {  	v1 =	vld.idx.msk [tilespmem:v1+s4+$0x0], $0xffff  }
0x2f9: {  	v24 =	vld [tilespmem:s29+$0x18EB0]  }
0x2fa: {  	v45 =	vmul.f32 v15, v0;
	v15 =	vld.idx.msk [tilespmem:v46+s4+$0x0], $0xffff  }
0x2fb: {  	v47 =	vmul.f32 v37, v0;
	v37 =	vld [tilespmem:s29+$0x18D50]  }
0x2fc: {  	v8 =	vmul.f32 v8, v0;
	v46 =	vld [tilespmem:s29+$0x18DE0]  }
0x2fd: {  	[tilespmem:s29+$0x1AE00] =	vst v45;
	v45 =	vld [tilespmem:s29+$0x18D60];
	v1 =	vmul.f32 v1, v0  }
0x2fe: {  	[tilespmem:s29+$0x1A750] =	vst v8;
	v2 =	vld.idx.msk [tilespmem:v2+s4+$0x0], $0xffff  }
0x2ff: {  	v6 =	vmul.f32 v6, v0;
	[tilespmem:s29+$0x1AA30] =	vst v1;
	v1 =	vld [tilespmem:s29+$0x18A40]  }
0x300: {  	[tilespmem:s29+$0x1AE80] =	vst v47;
	v47 =	vld [tilespmem:s29+$0x18E60]  }
0x301: {  	[tilespmem:s29+$0x1A7D0] =	vst v6;
	v8 =	vld.idx.msk [tilespmem:v25+s4+$0x0], $0xffff  }
0x302: {  	v6 =	vld.idx.msk [tilespmem:v26+s4+$0x0], $0xffff  }
0x303: {  	v25 =	vld [tilespmem:s29+$0x18B40];
	v2 =	vmul.f32 v2, v0  }
0x304: {  	v52 =	vmul.f32 v14, v0;
	v26 =	vld [tilespmem:s29+$0x18BC0]  }
0x305: {  	[tilespmem:s29+$0x1AAB0] =	vst v2;
	v2 =	vld [tilespmem:s29+$0x18AC0]  }
0x306: {  	v7 =	vmul.f32 v7, v0;
	[tilespmem:s29+$0x1AC90] =	vst v52;
	v52 =	vld [tilespmem:s29+$0x18CF0]  }
0x307: {  	v4 =	vmul.f32 v4, v0;
	v1 =	vld.idx.msk [tilespmem:v1+s4+$0x0], $0xffff  }
0x308: {  	[tilespmem:s29+$0x1A850] =	vst v7;
	v3 =	vld.idx.msk [tilespmem:v3+s4+$0x0], $0xffff  }
0x309: {  	[tilespmem:s29+$0x1A8D0] =	vst v4;
	v7 =	vld.idx.msk [tilespmem:v27+s4+$0x0], $0xffff  }
0x30a: {  	v4 =	vld.idx.msk [tilespmem:v28+s4+$0x0], $0xffff  }
0x30b: {  	v5 =	vmul.f32 v5, v0;
	v27 =	vld [tilespmem:s29+$0x18C40]  }
0x30c: {  	v28 =	vld [tilespmem:s29+$0x18CC0];
	v1 =	vmul.f32 v1, v0  }
0x30d: {  	[tilespmem:s29+$0x1A950] =	vst v5;
	v2 =	vld.idx.msk [tilespmem:v2+s4+$0x0], $0xffff  }
0x30e: {  	v54 =	vmul.f32 v15, v0;
	[tilespmem:s29+$0x1AA40] =	vst v1;
	v1 =	vld [tilespmem:s29+$0x18A50]  }
0x30f: {  	v5 =	vld.idx.msk [tilespmem:v29+s4+$0x0], $0xffff;
	v8 =	vmul.f32 v8, v0  }
0x310: {  	[tilespmem:s29+$0x1AD10] =	vst v54;
	v29 =	vld [tilespmem:s29+$0x18D40]  }
0x311: {  	v54 =	vld [tilespmem:s29+$0x18DF0];
	[tilespmem:s29+$0x1A760] =	vst v8  }
0x312: {  	v8 =	vld.idx.msk [tilespmem:v30+s4+$0x0], $0xffff;
	v2 =	vmul.f32 v2, v0  }
0x313: {  	v3 =	vmul.f32 v3, v0;
	v30 =	vld [tilespmem:s29+$0x18DC0]  }
0x314: {  	v6 =	vmul.f32 v6, v0;
	[tilespmem:s29+$0x1AAC0] =	vst v2;
	v2 =	vld [tilespmem:s29+$0x18AD0]  }
0x315: {  	v7 =	vmul.f32 v7, v0;
	[tilespmem:s29+$0x1A9B0] =	vst v3;
	v3 =	vld [tilespmem:s29+$0x189C0]  }
0x316: {  	[tilespmem:s29+$0x1A7E0] =	vst v6;
	v1 =	vld.idx.msk [tilespmem:v1+s4+$0x0], $0xffff  }
0x317: {  	[tilespmem:s29+$0x1A860] =	vst v7;
	v7 =	vld.idx.msk [tilespmem:v31+s4+$0x0], $0xffff  }
0x318: {  	v31 =	vld [tilespmem:s29+$0x18E40]  }
0x319: {  	v6 =	vld.idx.msk [tilespmem:v9+s4+$0x0], $0xffff  }
0x31a: {  	v4 =	vmul.f32 v4, v0;
	v9 =	vld.idx.msk [tilespmem:v33+s4+$0x0], $0xffff  }
0x31b: {  	v33 =	vld [tilespmem:s29+$0x18B50];
	v1 =	vmul.f32 v1, v0  }
0x31c: {  	v5 =	vmul.f32 v5, v0;
	[tilespmem:s29+$0x1A8E0] =	vst v4;
	v2 =	vld.idx.msk [tilespmem:v2+s4+$0x0], $0xffff  }
0x31d: {  	[tilespmem:s29+$0x1AA50] =	vst v1;
	v1 =	vld [tilespmem:s29+$0x18A60]  }
0x31e: {  	[tilespmem:s29+$0x1A960] =	vst v5;
	v5 =	vld.idx.msk [tilespmem:v32+s4+$0x0], $0xffff  }
0x31f: {  	v32 =	vld [tilespmem:s29+$0x18EC0]  }
0x320: {  	v4 =	vld.idx.msk [tilespmem:v10+s4+$0x0], $0xffff  }
0x321: {  	v10 =	vld.idx.msk [tilespmem:v34+s4+$0x0], $0xffff  }
0x322: {  	v34 =	vld [tilespmem:s29+$0x18BD0];
	v2 =	vmul.f32 v2, v0  }
0x323: {  	v3 =	vld.idx.msk [tilespmem:v3+s4+$0x0], $0xffff  }
0x324: {  	v9 =	vmul.f32 v9, v0;
	[tilespmem:s29+$0x1AAD0] =	vst v2;
	v2 =	vld [tilespmem:s29+$0x18AE0]  }
0x325: {  	v1 =	vld.idx.msk [tilespmem:v1+s4+$0x0], $0xffff  }
0x326: {  	[tilespmem:s29+$0x1AB00] =	vst v9;
	v9 =	vld.idx.msk [tilespmem:v49+s4+$0x0], $0xffff  }
0x327: {  	v49 =	vld [tilespmem:s29+$0x18B70]  }
0x328: {  	v10 =	vmul.f32 v10, v0;
	v16 =	vld.idx.msk [tilespmem:v38+s4+$0x0], $0xffff  }
0x329: {  	v38 =	vld [tilespmem:s29+$0x18DD0]  }
0x32a: {  	[tilespmem:s29+$0x1AB80] =	vst v10;
	v10 =	vld.idx.msk [tilespmem:v50+s4+$0x0], $0xffff;
	v1 =	vmul.f32 v1, v0  }
0x32b: {  	v50 =	vld [tilespmem:s29+$0x18BF0]  }
0x32c: {  	[tilespmem:s29+$0x1AA60] =	vst v1;
	v1 =	vld [tilespmem:s29+$0x18A70]  }
0x32d: {  	v3 =	vmul.f32 v3, v0;
	v2 =	vld.idx.msk [tilespmem:v2+s4+$0x0], $0xffff  }
0x32e: {  	v12 =	vld.idx.msk [tilespmem:v40+s4+$0x0], $0xffff;
	v9 =	vmul.f32 v9, v0  }
0x32f: {  	v40 =	vld [tilespmem:s29+$0x18ED0];
	v16 =	vmul.f32 v16, v0;
	[tilespmem:s29+$0x1A9C0] =	vst v3  }
0x330: {  	v3 =	vld [tilespmem:s29+$0x189D0];
	[tilespmem:s29+$0x1AE10] =	vst v9  }
0x331: {  	[tilespmem:s29+$0x1AB10] =	vst v16;
	v9 =	vld.idx.msk [tilespmem:v59+s4+$0x0], $0xffff  }
0x332: {  	v16 =	vld.idx.msk [tilespmem:v51+s4+$0x0], $0xffff;
	v2 =	vmul.f32 v2, v0  }
0x333: {  	v51 =	vld [tilespmem:s29+$0x18C70]  }
0x334: {  	v10 =	vmul.f32 v10, v0;
	[tilespmem:s29+$0x1AAE0] =	vst v2;
	v2 =	vld.idx.msk [tilespmem:v1+s4+$0x0], $0xffff  }
0x335: {  	v12 =	vmul.f32 v12, v0;
	v1 =	vld.idx.msk [tilespmem:v11+s4+$0x0], $0xffff  }
0x336: {  	[tilespmem:s29+$0x1AE90] =	vst v10;
	v11 =	vld.idx.msk [tilespmem:v35+s4+$0x0], $0xffff  }
0x337: {  	[tilespmem:s29+$0x1AB90] =	vst v12;
	v12 =	vld.idx.msk [tilespmem:v56+s4+$0x0], $0xffff  }
0x338: {  	v10 =	vld.idx.msk [tilespmem:v60+s4+$0x0], $0xffff  }
0x339: {  	v56 =	vld [tilespmem:s29+$0x18EF0];
	v9 =	vmul.f32 v9, v0  }
0x33a: {  	v14 =	vld.idx.msk [tilespmem:v53+s4+$0x0], $0xffff;
	v16 =	vmul.f32 v16, v0  }
0x33b: {  	v3 =	vld.idx.msk [tilespmem:v3+s4+$0x0], $0xffff;
	[tilespmem:s29+$0x1AE20] =	vst v9;
	v36 =	vmul.f32 v11, v0  }
0x33c: {  	[tilespmem:s29+$0x1AB20] =	vst v16;
	v9 =	vld.idx.msk [tilespmem:v23+s4+$0x0], $0xffff  }
0x33d: {  	v12 =	vmul.f32 v12, v0;
	v16 =	vld.idx.msk [tilespmem:v61+s4+$0x0], $0xffff;
	[tilespmem:s29+$0x1AC00] =	vst v36  }
0x33e: {  	v10 =	vmul.f32 v10, v0;
	v13 =	vld.idx.msk [tilespmem:v42+s4+$0x0], $0xffff  }
0x33f: {  	v14 =	vmul.f32 v14, v0;
	[tilespmem:s29+$0x1ACA0] =	vst v12;
	v11 =	vld.idx.msk [tilespmem:v48+s4+$0x0], $0xffff  }
0x340: {  	[tilespmem:s29+$0x1AEA0] =	vst v10;
	v12 =	vld.idx.msk [tilespmem:v20+s4+$0x0], $0xffff;
	v3 =	vmul.f32 v3, v0  }
0x341: {  	[tilespmem:s29+$0x1ABA0] =	vst v14;
	v10 =	vld.idx.msk [tilespmem:v24+s4+$0x0], $0xffff;
	v9 =	vmul.f32 v9, v0  }
0x342: {  	v14 =	vld.idx.msk [tilespmem:v62+s4+$0x0], $0xffff;
	[tilespmem:s29+$0x1A9D0] =	vst v3;
	v16 =	vmul.f32 v16, v0  }
0x343: {  	v3 =	vld [tilespmem:s29+$0x189E0];
	[tilespmem:s29+$0x1AE30] =	vst v9;
	v13 =	vmul.f32 v13, v0  }
0x344: {  	[tilespmem:s29+$0x1AB30] =	vst v16;
	v9 =	vld.idx.msk [tilespmem:v31+s4+$0x0], $0xffff;
	v11 =	vmul.f32 v11, v0  }
0x345: {  	v16 =	vld.idx.msk [tilespmem:v25+s4+$0x0], $0xffff;
	[tilespmem:s29+$0x1AC10] =	vst v13  }
0x346: {  	v12 =	vmul.f32 v12, v0;
	[tilespmem:s29+$0x1AD90] =	vst v11;
	v15 =	vld.idx.msk [tilespmem:v55+s4+$0x0], $0xffff  }
0x347: {  	v10 =	vmul.f32 v10, v0;
	v11 =	vld.idx.msk [tilespmem:v58+s4+$0x0], $0xffff  }
0x348: {  	v14 =	vmul.f32 v14, v0;
	[tilespmem:s29+$0x1ACB0] =	vst v12;
	v13 =	vld.idx.msk [tilespmem:v57+s4+$0x0], $0xffff  }
0x349: {  	v8 =	vmul.f32 v8, v0;
	[tilespmem:s29+$0x1AEB0] =	vst v10;
	v12 =	vld.idx.msk [tilespmem:v28+s4+$0x0], $0xffff  }
0x34a: {  	[tilespmem:s29+$0x1ABB0] =	vst v14;
	v10 =	vld.idx.msk [tilespmem:v32+s4+$0x0], $0xffff;
	v9 =	vmul.f32 v9, v0  }
0x34b: {  	[tilespmem:s29+$0x1A770] =	vst v8;
	v14 =	vld.idx.msk [tilespmem:v26+s4+$0x0], $0xffff;
	v15 =	vmul.f32 v15, v0  }
0x34c: {  	v3 =	vld.idx.msk [tilespmem:v3+s4+$0x0], $0xffff;
	[tilespmem:s29+$0x1AE40] =	vst v9;
	v11 =	vmul.f32 v11, v0  }
0x34d: {  	v9 =	vld.idx.msk [tilespmem:v39+s4+$0x0], $0xffff;
	v13 =	vmul.f32 v13, v0;
	[tilespmem:s29+$0x1AC20] =	vst v15  }
0x34e: {  	v16 =	vmul.f32 v16, v0;
	[tilespmem:s29+$0x1ADA0] =	vst v11;
	v15 =	vld.idx.msk [tilespmem:v63+s4+$0x0], $0xffff  }
0x34f: {  	v10 =	vmul.f32 v10, v0;
	v11 =	vld.idx.msk [tilespmem:v22+s4+$0x0], $0xffff;
	[tilespmem:s29+$0x1AD20] =	vst v13  }
0x350: {  	v14 =	vmul.f32 v14, v0;
	[tilespmem:s29+$0x1AB40] =	vst v16;
	v13 =	vld.idx.msk [tilespmem:v21+s4+$0x0], $0xffff  }
0x351: {  	v7 =	vmul.f32 v7, v0;
	[tilespmem:s29+$0x1AEC0] =	vst v10;
	v16 =	vld.idx.msk [tilespmem:v33+s4+$0x0], $0xffff  }
0x352: {  	v6 =	vmul.f32 v6, v0;
	[tilespmem:s29+$0x1ABC0] =	vst v14;
	v10 =	vld.idx.msk [tilespmem:v40+s4+$0x0], $0xffff  }
0x353: {  	[tilespmem:s29+$0x1A7F0] =	vst v7;
	v14 =	vld.idx.msk [tilespmem:v34+s4+$0x0], $0xffff;
	v15 =	vmul.f32 v15, v0  }
0x354: {  	[tilespmem:s29+$0x1A870] =	vst v6;
	v35 =	vld [tilespmem:s29+$0x18C50];
	v11 =	vmul.f32 v11, v0  }
0x355: {  	v36 =	vld [tilespmem:s29+$0x18CD0];
	v13 =	vmul.f32 v13, v0;
	[tilespmem:s29+$0x1AC30] =	vst v15  }
0x356: {  	v3 =	vmul.f32 v3, v0;
	[tilespmem:s29+$0x1ADB0] =	vst v11;
	v15 =	vld.idx.msk [tilespmem:v27+s4+$0x0], $0xffff  }
0x357: {  	v9 =	vmul.f32 v9, v0;
	v11 =	vld.idx.msk [tilespmem:v30+s4+$0x0], $0xffff;
	[tilespmem:s29+$0x1AD30] =	vst v13  }
0x358: {  	v5 =	vmul.f32 v5, v0;
	[tilespmem:s29+$0x1A9E0] =	vst v3;
	v13 =	vld.idx.msk [tilespmem:v29+s4+$0x0], $0xffff  }
0x359: {  	v3 =	vld [tilespmem:s29+$0x189F0];
	v16 =	vmul.f32 v16, v0;
	[tilespmem:s29+$0x1AE50] =	vst v9  }
0x35a: {  	[tilespmem:s29+$0x1A8F0] =	vst v5;
	v12 =	vmul.f32 v12, v0;
	v9 =	vld.idx.msk [tilespmem:v47+s4+$0x0], $0xffff  }
0x35b: {  	[tilespmem:s29+$0x1AB50] =	vst v16;
	v42 =	vld [tilespmem:s29+$0x18BE0];
	v15 =	vmul.f32 v15, v0  }
0x35c: {  	[tilespmem:s29+$0x1ACC0] =	vst v12;
	v16 =	vld.idx.msk [tilespmem:v41+s4+$0x0], $0xffff;
	v11 =	vmul.f32 v11, v0  }
0x35d: {  	v12 =	vld.idx.msk [tilespmem:v36+s4+$0x0], $0xffff;
	v13 =	vmul.f32 v13, v0;
	[tilespmem:s29+$0x1AC40] =	vst v15  }
0x35e: {  	v4 =	vmul.f32 v4, v0;
	[tilespmem:s29+$0x1ADC0] =	vst v11;
	v15 =	vld.idx.msk [tilespmem:v35+s4+$0x0], $0xffff  }
0x35f: {  	v10 =	vmul.f32 v10, v0;
	v11 =	vld.idx.msk [tilespmem:v38+s4+$0x0], $0xffff;
	[tilespmem:s29+$0x1AD40] =	vst v13  }
0x360: {  	[tilespmem:s29+$0x1A970] =	vst v4;
	v14 =	vmul.f32 v14, v0;
	v13 =	vld.idx.msk [tilespmem:v37+s4+$0x0], $0xffff  }
0x361: {  	[tilespmem:s29+$0x1AED0] =	vst v10;
	v9 =	vmul.f32 v9, v0;
	v48 =	vld [tilespmem:s29+$0x18EE0]  }
0x362: {  	[tilespmem:s29+$0x1ABD0] =	vst v14;
	v3 =	vld.idx.msk [tilespmem:v3+s4+$0x0], $0xffff;
	v12 =	vmul.f32 v12, v0  }
0x363: {  	[tilespmem:s29+$0x1AE60] =	vst v9;
	v14 =	vld.idx.msk [tilespmem:v42+s4+$0x0], $0xffff;
	v15 =	vmul.f32 v15, v0  }
0x364: {  	v53 =	vld [tilespmem:s29+$0x18D70];
	[tilespmem:s29+$0x1ACD0] =	vst v12;
	v11 =	vmul.f32 v11, v0  }
0x365: {  	v12 =	vld.idx.msk [tilespmem:v44+s4+$0x0], $0xffff;
	v13 =	vmul.f32 v13, v0;
	[tilespmem:s29+$0x1AC50] =	vst v15  }
0x366: {  	v16 =	vmul.f32 v16, v0;
	[tilespmem:s29+$0x1ADD0] =	vst v11;
	v15 =	vld.idx.msk [tilespmem:v43+s4+$0x0], $0xffff  }
0x367: {  	v3 =	vmul.f32 v3, v0;
	v11 =	vld.idx.msk [tilespmem:v46+s4+$0x0], $0xffff;
	[tilespmem:s29+$0x1AD50] =	vst v13  }
0x368: {  	[tilespmem:s29+$0x1AB60] =	vst v16;
	v14 =	vmul.f32 v14, v0;
	v13 =	vld.idx.msk [tilespmem:v45+s4+$0x0], $0xffff  }
0x369: {  	v1 =	vmul.f32 v1, v0;
	[tilespmem:s29+$0x1A9F0] =	vst v3;
	v10 =	vld.idx.msk [tilespmem:v48+s4+$0x0], $0xffff  }
0x36a: {  	v55 =	vld [tilespmem:s29+$0x18E70];
	[tilespmem:s29+$0x1ABE0] =	vst v14;
	v12 =	vmul.f32 v12, v0  }
0x36b: {  	[tilespmem:s29+$0x1AAF0] =	vst v1;
	v58 =	vld.idx.msk [tilespmem:v50+s4+$0x0], $0xffff;
	v15 =	vmul.f32 v15, v0  }
0x36c: {  	v57 =	vld.idx.msk [tilespmem:v49+s4+$0x0], $0xffff;
	[tilespmem:s29+$0x1ACE0] =	vst v12;
	v11 =	vmul.f32 v11, v0  }
0x36d: {  	v60 =	vld.idx.msk [tilespmem:v52+s4+$0x0], $0xffff;
	v13 =	vmul.f32 v13, v0;
	[tilespmem:s29+$0x1AC60] =	vst v15  }
0x36e: {  	v10 =	vmul.f32 v10, v0;
	[tilespmem:s29+$0x1ADE0] =	vst v11;
	v59 =	vld.idx.msk [tilespmem:v51+s4+$0x0], $0xffff  }
0x36f: {  	v2 =	vmul.f32 v2, v0;
	v61 =	vld.idx.msk [tilespmem:v54+s4+$0x0], $0xffff;
	[tilespmem:s29+$0x1AD60] =	vst v13  }
0x370: {  	[tilespmem:s29+$0x1AEE0] =	vst v10;
	v1 =	vmul.f32 v58, v0;
	v3 =	vld.idx.msk [tilespmem:v53+s4+$0x0], $0xffff  }
0x371: {  	[tilespmem:s29+$0x1AA70] =	vst v2;
	v2 =	vmul.f32 v57, v0;
	v63 =	vld.idx.msk [tilespmem:v56+s4+$0x0], $0xffff  }
0x372: {  	v62 =	vld.idx.msk [tilespmem:v55+s4+$0x0], $0xffff;
	[tilespmem:s29+$0x1ABF0] =	vst v1;
	v1 =	vmul.f32 v60, v0  }
0x373: {  	[tilespmem:s29+$0x1AB70] =	vst v2;
	v2 =	vmul.f32 v59, v0  }
0x374: {  	p2 =	por p1, p1;
	[tilespmem:s29+$0x1ACF0] =	vst v1;
	v1 =	vmul.f32 v61, v0  }
.Ltmp6:
0x375: {  	[tilespmem:s29+$0x1AC70] =	vst v2;
	v2 =	vmul.f32 v3, v0;
	(pc) =	sbr.rel @p2 .LBB2_10-.Ltmp6, $4  }
0x376: {  	[tilespmem:s29+$0x1ADF0] =	vst v1;
	v1 =	vmul.f32 v63, v0  }
0x377: {  	[tilespmem:s29+$0x1AD70] =	vst v2;
	v2 =	vmul.f32 v62, v0  }
0x378: {  	[tilespmem:s29+$0x1AEF0] =	vst v1  }
0x379: {  	p1 =	por $0x0, $0x0;
	[tilespmem:s29+$0x1AE70] =	vst v2;
	s29 =	simm.s32 $0x800  }
0x37a: {  	s29 =	sshll.u32 s26, $0x13  }
0x37b: {  	s29 =	sor.u32 s11, s29  }
0x37c: {  	s29 =	sshrl.u32 s29, $0x3  }
0x37d: {  	p1 =	seq.s32 s26, $0x18;
	s29 =	sadd.s32 s2, s29  }
0x37e: {  	[hbm4b:s29+s16] =	stream.strided.scatter [tilespmem:s22], [sflag:$0x3], $0x1000, s17, s16, $0x38;
	[tilespmem:$0x1F910] =	vst v63  }
0x37f: {  	s29 =	sshll.u32 @!p1 s26, $0xD  }
0x380: {  	p2 =	seq.s32 @!p1 s26, $0x0;
	_ =	swait.ge [sflag:s20], $0x1000;
	s29 =	sand.u32 @!p1 $0x3FFFE000, s29  }
0x381: {  	s30 =	simm.s32 @!p1 $0x18700;
	[sflag:s20] =	ssyncset.done $0x0;
	s29 =	sadd.s32 @!p1 s29, s3  }
0x382: {  	p2 =	por p1, !p2;
	[sflag:s20] =	ssyncadd.s32 $0xFFFFF000;
	s29 =	sadd.s32 @!p1 $0x2000, s29  }
0x383: {  	[tilespmem:s30], [sflag:$0x2] =	stream.linear.gather @!p1 [spmem:s29], $0x1000, $0x38;
	[tilespmem:$0x1F910] =	vst v63  }
0x384: {  	_ =	swait.ge @p2 [sflag:s24], $0x1000  }
0x385: {  	[sflag:s24] =	ssyncset.done @p2 $0x0  }
0x386: {  	s29 =	simm.s32 $0x0;
	[sflag:s24] =	ssyncadd.s32 @p2 $0xFFFFF000;
	p2 =	por $0x1, $0x1  }
.LBB2_12:
0x387: {  	v1 =	vld [tilespmem:s29+$0x19700]  }
0x388: {  	v2 =	vld [tilespmem:s29+$0x19780]  }
0x389: {  	v3 =	vld [tilespmem:s29+$0x19800]  }
0x38a: {  	v4 =	vld [tilespmem:s29+$0x19880]  }
0x38b: {  	v5 =	vld [tilespmem:s29+$0x19900]  }
0x38c: {  	v6 =	vld [tilespmem:s29+$0x19980]  }
0x38d: {  	v7 =	vld [tilespmem:s29+$0x19A00]  }
0x38e: {  	v8 =	vld [tilespmem:s29+$0x19A80]  }
0x38f: {  	v50 =	vld [tilespmem:s29+$0x19710]  }
0x390: {  	v51 =	vld [tilespmem:s29+$0x19790]  }
0x391: {  	v52 =	vld [tilespmem:s29+$0x19810]  }
0x392: {  	v53 =	vld [tilespmem:s29+$0x19890]  }
0x393: {  	v54 =	vld [tilespmem:s29+$0x19910]  }
0x394: {  	v55 =	vld [tilespmem:s29+$0x19720]  }
0x395: {  	v57 =	vld [tilespmem:s29+$0x197A0]  }
0x396: {  	v59 =	vld [tilespmem:s29+$0x19820]  }
0x397: {  	v60 =	vld [tilespmem:s29+$0x198A0]  }
0x398: {  	v61 =	vld [tilespmem:s29+$0x19920]  }
0x399: {  	v62 =	vld [tilespmem:s29+$0x19730]  }
0x39a: {  	v63 =	vld [tilespmem:s29+$0x197B0]  }
0x39b: {  	v12 =	vld [tilespmem:s29+$0x19830]  }
0x39c: {  	v13 =	vld [tilespmem:s29+$0x198B0]  }
0x39d: {  	v14 =	vld [tilespmem:s29+$0x19930]  }
0x39e: {  	v15 =	vld [tilespmem:s29+$0x19740]  }
0x39f: {  	v16 =	vld [tilespmem:s29+$0x197C0]  }
0x3a0: {  	v17 =	vld [tilespmem:s29+$0x19840]  }
0x3a1: {  	v18 =	vld [tilespmem:s29+$0x198C0]  }
0x3a2: {  	v19 =	vld [tilespmem:s29+$0x19940]  }
0x3a3: {  	v20 =	vld [tilespmem:s29+$0x19750]  }
0x3a4: {  	v21 =	vld [tilespmem:s29+$0x197D0]  }
0x3a5: {  	v22 =	vld [tilespmem:s29+$0x19850]  }
0x3a6: {  	v23 =	vld [tilespmem:s29+$0x198D0]  }
0x3a7: {  	v24 =	vld [tilespmem:s29+$0x19950]  }
0x3a8: {  	v25 =	vld [tilespmem:s29+$0x19760]  }
0x3a9: {  	v26 =	vld [tilespmem:s29+$0x197E0]  }
0x3aa: {  	v27 =	vld [tilespmem:s29+$0x19860]  }
0x3ab: {  	v28 =	vld [tilespmem:s29+$0x198E0]  }
0x3ac: {  	v29 =	vld [tilespmem:s29+$0x19960]  }
0x3ad: {  	v30 =	vld [tilespmem:s29+$0x19770]  }
0x3ae: {  	v31 =	vld [tilespmem:s29+$0x197F0]  }
0x3af: {  	v9 =	vld [tilespmem:s29+$0x19870]  }
0x3b0: {  	v32 =	vld [tilespmem:s29+$0x198F0]  }
0x3b1: {  	v10 =	vld [tilespmem:s29+$0x19970]  }
0x3b2: {  	v11 =	vld [tilespmem:s29+$0x19AF0]  }
0x3b3: {  	v33 =	vld [tilespmem:s29+$0x19B00]  }
0x3b4: {  	v34 =	vld [tilespmem:s29+$0x19B80]  }
0x3b5: {  	v35 =	vld [tilespmem:s29+$0x19C00]  }
0x3b6: {  	v38 =	vld [tilespmem:s29+$0x19B10]  }
0x3b7: {  	v40 =	vld [tilespmem:s29+$0x19B90]  }
0x3b8: {  	v42 =	vld [tilespmem:s29+$0x19C10]  }
0x3b9: {  	v44 =	vld [tilespmem:s29+$0x19C90]  }
0x3ba: {  	v46 =	vld [tilespmem:s29+$0x19D10]  }
0x3bb: {  	v48 =	vld [tilespmem:s29+$0x19D90]  }
0x3bc: {  	v49 =	vld [tilespmem:s29+$0x19E10]  }
0x3bd: {  	v1 =	vld.idx.msk [tilespmem:v1+s4+$0x0], $0xffff  }
0x3be: {  	v2 =	vld.idx.msk [tilespmem:v2+s4+$0x0], $0xffff  }
0x3bf: {  	v3 =	vld.idx.msk [tilespmem:v3+s4+$0x0], $0xffff  }
0x3c0: {  	v4 =	vld.idx.msk [tilespmem:v4+s4+$0x0], $0xffff  }
0x3c1: {  	v5 =	vld.idx.msk [tilespmem:v5+s4+$0x0], $0xffff  }
0x3c2: {  	v6 =	vld.idx.msk [tilespmem:v6+s4+$0x0], $0xffff;
	v1 =	vmul.f32 v1, v0  }
0x3c3: {  	v7 =	vld.idx.msk [tilespmem:v7+s4+$0x0], $0xffff;
	v2 =	vmul.f32 v2, v0  }
0x3c4: {  	[tilespmem:s29+$0x1B700] =	vst v1;
	v1 =	vmul.f32 v3, v0;
	v3 =	vld.idx.msk [tilespmem:v8+s4+$0x0], $0xffff  }
0x3c5: {  	[tilespmem:s29+$0x1B780] =	vst v2;
	v8 =	vld.idx.msk [tilespmem:v50+s4+$0x0], $0xffff  }
0x3c6: {  	v2 =	vmul.f32 v4, v0;
	v4 =	vld.idx.msk [tilespmem:v51+s4+$0x0], $0xffff  }
0x3c7: {  	v50 =	vld [tilespmem:s29+$0x19E90]  }
0x3c8: {  	v51 =	vld [tilespmem:s29+$0x19B20];
	[tilespmem:s29+$0x1B800] =	vst v1  }
0x3c9: {  	v1 =	vmul.f32 v5, v0;
	[tilespmem:s29+$0x1B880] =	vst v2;
	v5 =	vld.idx.msk [tilespmem:v52+s4+$0x0], $0xffff  }
0x3ca: {  	v2 =	vmul.f32 v6, v0;
	v6 =	vld.idx.msk [tilespmem:v53+s4+$0x0], $0xffff  }
0x3cb: {  	v53 =	vld [tilespmem:s29+$0x19BA0];
	[tilespmem:s29+$0x1B900] =	vst v1;
	v1 =	vmul.f32 v7, v0  }
0x3cc: {  	[tilespmem:s29+$0x1B980] =	vst v2;
	v2 =	vmul.f32 v3, v0;
	v3 =	vld [tilespmem:s29+$0x19990]  }
0x3cd: {  	v7 =	vld.idx.msk [tilespmem:v54+s4+$0x0], $0xffff;
	[tilespmem:s29+$0x1BA00] =	vst v1;
	v8 =	vmul.f32 v8, v0  }
0x3ce: {  	v1 =	vld [tilespmem:s29+$0x19A10];
	v4 =	vmul.f32 v4, v0;
	[tilespmem:s29+$0x1BA80] =	vst v2  }
0x3cf: {  	v2 =	vld [tilespmem:s29+$0x19A90];
	[tilespmem:s29+$0x1B710] =	vst v8  }
0x3d0: {  	[tilespmem:s29+$0x1B790] =	vst v4;
	v8 =	vld.idx.msk [tilespmem:v55+s4+$0x0], $0xffff  }
0x3d1: {  	v5 =	vmul.f32 v5, v0;
	v56 =	vmul.f32 v6, v0;
	v6 =	vld.idx.msk [tilespmem:v57+s4+$0x0], $0xffff  }
0x3d2: {  	v55 =	vld [tilespmem:s29+$0x19C20]  }
0x3d3: {  	v57 =	vld [tilespmem:s29+$0x19D20];
	[tilespmem:s29+$0x1B810] =	vst v5  }
0x3d4: {  	[tilespmem:s29+$0x1B890] =	vst v56;
	v56 =	vld [tilespmem:s29+$0x19CA0]  }
0x3d5: {  	v58 =	vmul.f32 v7, v0;
	v7 =	vld.idx.msk [tilespmem:v59+s4+$0x0], $0xffff  }
0x3d6: {  	v4 =	vld.idx.msk [tilespmem:v60+s4+$0x0], $0xffff  }
0x3d7: {  	v59 =	vld [tilespmem:s29+$0x19E20]  }
0x3d8: {  	v60 =	vld [tilespmem:s29+$0x19EA0]  }
0x3d9: {  	[tilespmem:s29+$0x1B910] =	vst v58;
	v58 =	vld [tilespmem:s29+$0x19DA0]  }
0x3da: {  	v3 =	vld.idx.msk [tilespmem:v3+s4+$0x0], $0xffff  }
0x3db: {  	v5 =	vld.idx.msk [tilespmem:v61+s4+$0x0], $0xffff  }
0x3dc: {  	v61 =	vld [tilespmem:s29+$0x19B30];
	v8 =	vmul.f32 v8, v0  }
0x3dd: {  	v1 =	vld.idx.msk [tilespmem:v1+s4+$0x0], $0xffff;
	v6 =	vmul.f32 v6, v0  }
0x3de: {  	v2 =	vld.idx.msk [tilespmem:v2+s4+$0x0], $0xffff;
	[tilespmem:s29+$0x1B720] =	vst v8  }
0x3df: {  	[tilespmem:s29+$0x1B7A0] =	vst v6;
	v8 =	vld.idx.msk [tilespmem:v62+s4+$0x0], $0xffff  }
0x3e0: {  	v7 =	vmul.f32 v7, v0;
	v6 =	vld.idx.msk [tilespmem:v63+s4+$0x0], $0xffff  }
0x3e1: {  	v4 =	vmul.f32 v4, v0;
	v62 =	vld [tilespmem:s29+$0x19BB0]  }
0x3e2: {  	v63 =	vld [tilespmem:s29+$0x19C30];
	[tilespmem:s29+$0x1B820] =	vst v7  }
0x3e3: {  	[tilespmem:s29+$0x1B8A0] =	vst v4;
	v7 =	vld.idx.msk [tilespmem:v12+s4+$0x0], $0xffff  }
0x3e4: {  	v3 =	vmul.f32 v3, v0;
	v4 =	vld.idx.msk [tilespmem:v13+s4+$0x0], $0xffff  }
0x3e5: {  	v5 =	vmul.f32 v5, v0;
	v12 =	vld [tilespmem:s29+$0x19C80]  }
0x3e6: {  	v1 =	vmul.f32 v1, v0;
	v13 =	vld [tilespmem:s29+$0x19D00];
	[tilespmem:s29+$0x1B990] =	vst v3  }
0x3e7: {  	v3 =	vld [tilespmem:s29+$0x199A0];
	[tilespmem:s29+$0x1B920] =	vst v5  }
0x3e8: {  	v2 =	vmul.f32 v2, v0;
	[tilespmem:s29+$0x1BA10] =	vst v1;
	v1 =	vld [tilespmem:s29+$0x19A20]  }
0x3e9: {  	v5 =	vld.idx.msk [tilespmem:v14+s4+$0x0], $0xffff;
	v8 =	vmul.f32 v8, v0  }
0x3ea: {  	v14 =	vld [tilespmem:s29+$0x19D80];
	[tilespmem:s29+$0x1BA90] =	vst v2;
	v6 =	vmul.f32 v6, v0  }
0x3eb: {  	v2 =	vld [tilespmem:s29+$0x19AA0];
	[tilespmem:s29+$0x1B730] =	vst v8  }
0x3ec: {  	[tilespmem:s29+$0x1B7B0] =	vst v6;
	v8 =	vld.idx.msk [tilespmem:v15+s4+$0x0], $0xffff  }
0x3ed: {  	v7 =	vmul.f32 v7, v0;
	v6 =	vld.idx.msk [tilespmem:v16+s4+$0x0], $0xffff  }
0x3ee: {  	v4 =	vmul.f32 v4, v0;
	v15 =	vld [tilespmem:s29+$0x19E00]  }
0x3ef: {  	v16 =	vld [tilespmem:s29+$0x19E80];
	[tilespmem:s29+$0x1B830] =	vst v7  }
0x3f0: {  	[tilespmem:s29+$0x1B8B0] =	vst v4;
	v7 =	vld.idx.msk [tilespmem:v17+s4+$0x0], $0xffff  }
0x3f1: {  	v4 =	vld.idx.msk [tilespmem:v18+s4+$0x0], $0xffff  }
0x3f2: {  	v12 =	vld.idx.msk [tilespmem:v12+s4+$0x0], $0xffff  }
0x3f3: {  	v5 =	vmul.f32 v5, v0;
	v13 =	vld.idx.msk [tilespmem:v13+s4+$0x0], $0xffff  }
0x3f4: {  	v3 =	vld.idx.msk [tilespmem:v3+s4+$0x0], $0xffff  }
0x3f5: {  	[tilespmem:s29+$0x1B930] =	vst v5;
	v1 =	vld.idx.msk [tilespmem:v1+s4+$0x0], $0xffff  }
0x3f6: {  	v5 =	vld.idx.msk [tilespmem:v19+s4+$0x0], $0xffff;
	v8 =	vmul.f32 v8, v0  }
0x3f7: {  	v14 =	vld.idx.msk [tilespmem:v14+s4+$0x0], $0xffff;
	v6 =	vmul.f32 v6, v0  }
0x3f8: {  	v2 =	vld.idx.msk [tilespmem:v2+s4+$0x0], $0xffff;
	[tilespmem:s29+$0x1B740] =	vst v8  }
0x3f9: {  	[tilespmem:s29+$0x1B7C0] =	vst v6;
	v8 =	vld.idx.msk [tilespmem:v20+s4+$0x0], $0xffff  }
0x3fa: {  	v6 =	vld.idx.msk [tilespmem:v21+s4+$0x0], $0xffff  }
0x3fb: {  	v15 =	vld.idx.msk [tilespmem:v15+s4+$0x0], $0xffff  }
0x3fc: {  	v7 =	vmul.f32 v7, v0;
	v37 =	vld.idx.msk [tilespmem:v16+s4+$0x0], $0xffff  }
0x3fd: {  	v39 =	vmul.f32 v12, v0;
	v20 =	vld [tilespmem:s29+$0x19CB0]  }
0x3fe: {  	v41 =	vmul.f32 v13, v0;
	v21 =	vld [tilespmem:s29+$0x19D30];
	[tilespmem:s29+$0x1B840] =	vst v7  }
0x3ff: {  	v3 =	vmul.f32 v3, v0;
	[tilespmem:s29+$0x1BC80] =	vst v39;
	v39 =	vld [tilespmem:s29+$0x19E50]  }
0x400: {  	v4 =	vmul.f32 v4, v0;
	[tilespmem:s29+$0x1BD00] =	vst v41;
	v41 =	vld [tilespmem:s29+$0x19B60]  }
0x401: {  	[tilespmem:s29+$0x1B9A0] =	vst v3;
	v3 =	vld [tilespmem:s29+$0x199B0]  }
0x402: {  	v1 =	vmul.f32 v1, v0;
	[tilespmem:s29+$0x1B8C0] =	vst v4;
	v7 =	vld.idx.msk [tilespmem:v22+s4+$0x0], $0xffff  }
0x403: {  	v4 =	vld.idx.msk [tilespmem:v23+s4+$0x0], $0xffff  }
0x404: {  	[tilespmem:s29+$0x1BA20] =	vst v1;
	v1 =	vld [tilespmem:s29+$0x19A30]  }
0x405: {  	v43 =	vmul.f32 v14, v0;
	v14 =	vld.idx.msk [tilespmem:v44+s4+$0x0], $0xffff  }
0x406: {  	v5 =	vmul.f32 v5, v0;
	v22 =	vld [tilespmem:s29+$0x19DB0]  }
0x407: {  	v23 =	vld [tilespmem:s29+$0x19E30]  }
0x408: {  	v2 =	vmul.f32 v2, v0;
	v44 =	vld [tilespmem:s29+$0x19CE0];
	[tilespmem:s29+$0x1B940] =	vst v5  }
0x409: {  	[tilespmem:s29+$0x1BD80] =	vst v43;
	v43 =	vld [tilespmem:s29+$0x19C60]  }
0x40a: {  	[tilespmem:s29+$0x1BAA0] =	vst v2;
	v2 =	vld [tilespmem:s29+$0x19AB0]  }
0x40b: {  	v5 =	vld.idx.msk [tilespmem:v24+s4+$0x0], $0xffff  }
0x40c: {  	v1 =	vld.idx.msk [tilespmem:v1+s4+$0x0], $0xffff  }
0x40d: {  	v24 =	vld [tilespmem:s29+$0x19EB0]  }
0x40e: {  	v45 =	vmul.f32 v15, v0;
	v15 =	vld.idx.msk [tilespmem:v46+s4+$0x0], $0xffff  }
0x40f: {  	v47 =	vmul.f32 v37, v0;
	v37 =	vld [tilespmem:s29+$0x19D50]  }
0x410: {  	v8 =	vmul.f32 v8, v0;
	v46 =	vld [tilespmem:s29+$0x19DE0]  }
0x411: {  	[tilespmem:s29+$0x1BE00] =	vst v45;
	v45 =	vld [tilespmem:s29+$0x19D60];
	v1 =	vmul.f32 v1, v0  }
0x412: {  	[tilespmem:s29+$0x1B750] =	vst v8;
	v2 =	vld.idx.msk [tilespmem:v2+s4+$0x0], $0xffff  }
0x413: {  	v6 =	vmul.f32 v6, v0;
	[tilespmem:s29+$0x1BA30] =	vst v1;
	v1 =	vld [tilespmem:s29+$0x19A40]  }
0x414: {  	[tilespmem:s29+$0x1BE80] =	vst v47;
	v47 =	vld [tilespmem:s29+$0x19E60]  }
0x415: {  	[tilespmem:s29+$0x1B7D0] =	vst v6;
	v8 =	vld.idx.msk [tilespmem:v25+s4+$0x0], $0xffff  }
0x416: {  	v6 =	vld.idx.msk [tilespmem:v26+s4+$0x0], $0xffff  }
0x417: {  	v25 =	vld [tilespmem:s29+$0x19B40];
	v2 =	vmul.f32 v2, v0  }
0x418: {  	v52 =	vmul.f32 v14, v0;
	v26 =	vld [tilespmem:s29+$0x19BC0]  }
0x419: {  	[tilespmem:s29+$0x1BAB0] =	vst v2;
	v2 =	vld [tilespmem:s29+$0x19AC0]  }
0x41a: {  	v7 =	vmul.f32 v7, v0;
	[tilespmem:s29+$0x1BC90] =	vst v52;
	v52 =	vld [tilespmem:s29+$0x19CF0]  }
0x41b: {  	v4 =	vmul.f32 v4, v0;
	v1 =	vld.idx.msk [tilespmem:v1+s4+$0x0], $0xffff  }
0x41c: {  	[tilespmem:s29+$0x1B850] =	vst v7;
	v3 =	vld.idx.msk [tilespmem:v3+s4+$0x0], $0xffff  }
0x41d: {  	[tilespmem:s29+$0x1B8D0] =	vst v4;
	v7 =	vld.idx.msk [tilespmem:v27+s4+$0x0], $0xffff  }
0x41e: {  	v4 =	vld.idx.msk [tilespmem:v28+s4+$0x0], $0xffff  }
0x41f: {  	v5 =	vmul.f32 v5, v0;
	v27 =	vld [tilespmem:s29+$0x19C40]  }
0x420: {  	v28 =	vld [tilespmem:s29+$0x19CC0];
	v1 =	vmul.f32 v1, v0  }
0x421: {  	[tilespmem:s29+$0x1B950] =	vst v5;
	v2 =	vld.idx.msk [tilespmem:v2+s4+$0x0], $0xffff  }
0x422: {  	v54 =	vmul.f32 v15, v0;
	[tilespmem:s29+$0x1BA40] =	vst v1;
	v1 =	vld [tilespmem:s29+$0x19A50]  }
0x423: {  	v5 =	vld.idx.msk [tilespmem:v29+s4+$0x0], $0xffff;
	v8 =	vmul.f32 v8, v0  }
0x424: {  	[tilespmem:s29+$0x1BD10] =	vst v54;
	v29 =	vld [tilespmem:s29+$0x19D40]  }
0x425: {  	v54 =	vld [tilespmem:s29+$0x19DF0];
	[tilespmem:s29+$0x1B760] =	vst v8  }
0x426: {  	v8 =	vld.idx.msk [tilespmem:v30+s4+$0x0], $0xffff;
	v2 =	vmul.f32 v2, v0  }
0x427: {  	v3 =	vmul.f32 v3, v0;
	v30 =	vld [tilespmem:s29+$0x19DC0]  }
0x428: {  	v6 =	vmul.f32 v6, v0;
	[tilespmem:s29+$0x1BAC0] =	vst v2;
	v2 =	vld [tilespmem:s29+$0x19AD0]  }
0x429: {  	v7 =	vmul.f32 v7, v0;
	[tilespmem:s29+$0x1B9B0] =	vst v3;
	v3 =	vld [tilespmem:s29+$0x199C0]  }
0x42a: {  	[tilespmem:s29+$0x1B7E0] =	vst v6;
	v1 =	vld.idx.msk [tilespmem:v1+s4+$0x0], $0xffff  }
0x42b: {  	[tilespmem:s29+$0x1B860] =	vst v7;
	v7 =	vld.idx.msk [tilespmem:v31+s4+$0x0], $0xffff  }
0x42c: {  	v31 =	vld [tilespmem:s29+$0x19E40]  }
0x42d: {  	v6 =	vld.idx.msk [tilespmem:v9+s4+$0x0], $0xffff  }
0x42e: {  	v4 =	vmul.f32 v4, v0;
	v9 =	vld.idx.msk [tilespmem:v33+s4+$0x0], $0xffff  }
0x42f: {  	v33 =	vld [tilespmem:s29+$0x19B50];
	v1 =	vmul.f32 v1, v0  }
0x430: {  	v5 =	vmul.f32 v5, v0;
	[tilespmem:s29+$0x1B8E0] =	vst v4;
	v2 =	vld.idx.msk [tilespmem:v2+s4+$0x0], $0xffff  }
0x431: {  	[tilespmem:s29+$0x1BA50] =	vst v1;
	v1 =	vld [tilespmem:s29+$0x19A60]  }
0x432: {  	[tilespmem:s29+$0x1B960] =	vst v5;
	v5 =	vld.idx.msk [tilespmem:v32+s4+$0x0], $0xffff  }
0x433: {  	v32 =	vld [tilespmem:s29+$0x19EC0]  }
0x434: {  	v4 =	vld.idx.msk [tilespmem:v10+s4+$0x0], $0xffff  }
0x435: {  	v10 =	vld.idx.msk [tilespmem:v34+s4+$0x0], $0xffff  }
0x436: {  	v34 =	vld [tilespmem:s29+$0x19BD0];
	v2 =	vmul.f32 v2, v0  }
0x437: {  	v3 =	vld.idx.msk [tilespmem:v3+s4+$0x0], $0xffff  }
0x438: {  	v9 =	vmul.f32 v9, v0;
	[tilespmem:s29+$0x1BAD0] =	vst v2;
	v2 =	vld [tilespmem:s29+$0x19AE0]  }
0x439: {  	v1 =	vld.idx.msk [tilespmem:v1+s4+$0x0], $0xffff  }
0x43a: {  	[tilespmem:s29+$0x1BB00] =	vst v9;
	v9 =	vld.idx.msk [tilespmem:v49+s4+$0x0], $0xffff  }
0x43b: {  	v49 =	vld [tilespmem:s29+$0x19B70]  }
0x43c: {  	v10 =	vmul.f32 v10, v0;
	v16 =	vld.idx.msk [tilespmem:v38+s4+$0x0], $0xffff  }
0x43d: {  	v38 =	vld [tilespmem:s29+$0x19DD0]  }
0x43e: {  	[tilespmem:s29+$0x1BB80] =	vst v10;
	v10 =	vld.idx.msk [tilespmem:v50+s4+$0x0], $0xffff;
	v1 =	vmul.f32 v1, v0  }
0x43f: {  	v50 =	vld [tilespmem:s29+$0x19BF0]  }
0x440: {  	[tilespmem:s29+$0x1BA60] =	vst v1;
	v1 =	vld [tilespmem:s29+$0x19A70]  }
0x441: {  	v3 =	vmul.f32 v3, v0;
	v2 =	vld.idx.msk [tilespmem:v2+s4+$0x0], $0xffff  }
0x442: {  	v12 =	vld.idx.msk [tilespmem:v40+s4+$0x0], $0xffff;
	v9 =	vmul.f32 v9, v0  }
0x443: {  	v40 =	vld [tilespmem:s29+$0x19ED0];
	v16 =	vmul.f32 v16, v0;
	[tilespmem:s29+$0x1B9C0] =	vst v3  }
0x444: {  	v3 =	vld [tilespmem:s29+$0x199D0];
	[tilespmem:s29+$0x1BE10] =	vst v9  }
0x445: {  	[tilespmem:s29+$0x1BB10] =	vst v16;
	v9 =	vld.idx.msk [tilespmem:v59+s4+$0x0], $0xffff  }
0x446: {  	v16 =	vld.idx.msk [tilespmem:v51+s4+$0x0], $0xffff;
	v2 =	vmul.f32 v2, v0  }
0x447: {  	v51 =	vld [tilespmem:s29+$0x19C70]  }
0x448: {  	v10 =	vmul.f32 v10, v0;
	[tilespmem:s29+$0x1BAE0] =	vst v2;
	v2 =	vld.idx.msk [tilespmem:v1+s4+$0x0], $0xffff  }
0x449: {  	v12 =	vmul.f32 v12, v0;
	v1 =	vld.idx.msk [tilespmem:v11+s4+$0x0], $0xffff  }
0x44a: {  	[tilespmem:s29+$0x1BE90] =	vst v10;
	v11 =	vld.idx.msk [tilespmem:v35+s4+$0x0], $0xffff  }
0x44b: {  	[tilespmem:s29+$0x1BB90] =	vst v12;
	v12 =	vld.idx.msk [tilespmem:v56+s4+$0x0], $0xffff  }
0x44c: {  	v10 =	vld.idx.msk [tilespmem:v60+s4+$0x0], $0xffff  }
0x44d: {  	v56 =	vld [tilespmem:s29+$0x19EF0];
	v9 =	vmul.f32 v9, v0  }
0x44e: {  	v14 =	vld.idx.msk [tilespmem:v53+s4+$0x0], $0xffff;
	v16 =	vmul.f32 v16, v0  }
0x44f: {  	v3 =	vld.idx.msk [tilespmem:v3+s4+$0x0], $0xffff;
	[tilespmem:s29+$0x1BE20] =	vst v9;
	v36 =	vmul.f32 v11, v0  }
0x450: {  	[tilespmem:s29+$0x1BB20] =	vst v16;
	v9 =	vld.idx.msk [tilespmem:v23+s4+$0x0], $0xffff  }
0x451: {  	v12 =	vmul.f32 v12, v0;
	v16 =	vld.idx.msk [tilespmem:v61+s4+$0x0], $0xffff;
	[tilespmem:s29+$0x1BC00] =	vst v36  }
0x452: {  	v10 =	vmul.f32 v10, v0;
	v13 =	vld.idx.msk [tilespmem:v42+s4+$0x0], $0xffff  }
0x453: {  	v14 =	vmul.f32 v14, v0;
	[tilespmem:s29+$0x1BCA0] =	vst v12;
	v11 =	vld.idx.msk [tilespmem:v48+s4+$0x0], $0xffff  }
0x454: {  	[tilespmem:s29+$0x1BEA0] =	vst v10;
	v12 =	vld.idx.msk [tilespmem:v20+s4+$0x0], $0xffff;
	v3 =	vmul.f32 v3, v0  }
0x455: {  	[tilespmem:s29+$0x1BBA0] =	vst v14;
	v10 =	vld.idx.msk [tilespmem:v24+s4+$0x0], $0xffff;
	v9 =	vmul.f32 v9, v0  }
0x456: {  	v14 =	vld.idx.msk [tilespmem:v62+s4+$0x0], $0xffff;
	[tilespmem:s29+$0x1B9D0] =	vst v3;
	v16 =	vmul.f32 v16, v0  }
0x457: {  	v3 =	vld [tilespmem:s29+$0x199E0];
	[tilespmem:s29+$0x1BE30] =	vst v9;
	v13 =	vmul.f32 v13, v0  }
0x458: {  	[tilespmem:s29+$0x1BB30] =	vst v16;
	v9 =	vld.idx.msk [tilespmem:v31+s4+$0x0], $0xffff;
	v11 =	vmul.f32 v11, v0  }
0x459: {  	v16 =	vld.idx.msk [tilespmem:v25+s4+$0x0], $0xffff;
	[tilespmem:s29+$0x1BC10] =	vst v13  }
0x45a: {  	v12 =	vmul.f32 v12, v0;
	[tilespmem:s29+$0x1BD90] =	vst v11;
	v15 =	vld.idx.msk [tilespmem:v55+s4+$0x0], $0xffff  }
0x45b: {  	v10 =	vmul.f32 v10, v0;
	v11 =	vld.idx.msk [tilespmem:v58+s4+$0x0], $0xffff  }
0x45c: {  	v14 =	vmul.f32 v14, v0;
	[tilespmem:s29+$0x1BCB0] =	vst v12;
	v13 =	vld.idx.msk [tilespmem:v57+s4+$0x0], $0xffff  }
0x45d: {  	v8 =	vmul.f32 v8, v0;
	[tilespmem:s29+$0x1BEB0] =	vst v10;
	v12 =	vld.idx.msk [tilespmem:v28+s4+$0x0], $0xffff  }
0x45e: {  	[tilespmem:s29+$0x1BBB0] =	vst v14;
	v10 =	vld.idx.msk [tilespmem:v32+s4+$0x0], $0xffff;
	v9 =	vmul.f32 v9, v0  }
0x45f: {  	[tilespmem:s29+$0x1B770] =	vst v8;
	v14 =	vld.idx.msk [tilespmem:v26+s4+$0x0], $0xffff;
	v15 =	vmul.f32 v15, v0  }
0x460: {  	v3 =	vld.idx.msk [tilespmem:v3+s4+$0x0], $0xffff;
	[tilespmem:s29+$0x1BE40] =	vst v9;
	v11 =	vmul.f32 v11, v0  }
0x461: {  	v9 =	vld.idx.msk [tilespmem:v39+s4+$0x0], $0xffff;
	v13 =	vmul.f32 v13, v0;
	[tilespmem:s29+$0x1BC20] =	vst v15  }
0x462: {  	v16 =	vmul.f32 v16, v0;
	[tilespmem:s29+$0x1BDA0] =	vst v11;
	v15 =	vld.idx.msk [tilespmem:v63+s4+$0x0], $0xffff  }
0x463: {  	v10 =	vmul.f32 v10, v0;
	v11 =	vld.idx.msk [tilespmem:v22+s4+$0x0], $0xffff;
	[tilespmem:s29+$0x1BD20] =	vst v13  }
0x464: {  	v14 =	vmul.f32 v14, v0;
	[tilespmem:s29+$0x1BB40] =	vst v16;
	v13 =	vld.idx.msk [tilespmem:v21+s4+$0x0], $0xffff  }
0x465: {  	v7 =	vmul.f32 v7, v0;
	[tilespmem:s29+$0x1BEC0] =	vst v10;
	v16 =	vld.idx.msk [tilespmem:v33+s4+$0x0], $0xffff  }
0x466: {  	v6 =	vmul.f32 v6, v0;
	[tilespmem:s29+$0x1BBC0] =	vst v14;
	v10 =	vld.idx.msk [tilespmem:v40+s4+$0x0], $0xffff  }
0x467: {  	[tilespmem:s29+$0x1B7F0] =	vst v7;
	v14 =	vld.idx.msk [tilespmem:v34+s4+$0x0], $0xffff;
	v15 =	vmul.f32 v15, v0  }
0x468: {  	[tilespmem:s29+$0x1B870] =	vst v6;
	v35 =	vld [tilespmem:s29+$0x19C50];
	v11 =	vmul.f32 v11, v0  }
0x469: {  	v36 =	vld [tilespmem:s29+$0x19CD0];
	v13 =	vmul.f32 v13, v0;
	[tilespmem:s29+$0x1BC30] =	vst v15  }
0x46a: {  	v3 =	vmul.f32 v3, v0;
	[tilespmem:s29+$0x1BDB0] =	vst v11;
	v15 =	vld.idx.msk [tilespmem:v27+s4+$0x0], $0xffff  }
0x46b: {  	v9 =	vmul.f32 v9, v0;
	v11 =	vld.idx.msk [tilespmem:v30+s4+$0x0], $0xffff;
	[tilespmem:s29+$0x1BD30] =	vst v13  }
0x46c: {  	v5 =	vmul.f32 v5, v0;
	[tilespmem:s29+$0x1B9E0] =	vst v3;
	v13 =	vld.idx.msk [tilespmem:v29+s4+$0x0], $0xffff  }
0x46d: {  	v3 =	vld [tilespmem:s29+$0x199F0];
	v16 =	vmul.f32 v16, v0;
	[tilespmem:s29+$0x1BE50] =	vst v9  }
0x46e: {  	[tilespmem:s29+$0x1B8F0] =	vst v5;
	v12 =	vmul.f32 v12, v0;
	v9 =	vld.idx.msk [tilespmem:v47+s4+$0x0], $0xffff  }
0x46f: {  	[tilespmem:s29+$0x1BB50] =	vst v16;
	v42 =	vld [tilespmem:s29+$0x19BE0];
	v15 =	vmul.f32 v15, v0  }
0x470: {  	[tilespmem:s29+$0x1BCC0] =	vst v12;
	v16 =	vld.idx.msk [tilespmem:v41+s4+$0x0], $0xffff;
	v11 =	vmul.f32 v11, v0  }
0x471: {  	v12 =	vld.idx.msk [tilespmem:v36+s4+$0x0], $0xffff;
	v13 =	vmul.f32 v13, v0;
	[tilespmem:s29+$0x1BC40] =	vst v15  }
0x472: {  	v4 =	vmul.f32 v4, v0;
	[tilespmem:s29+$0x1BDC0] =	vst v11;
	v15 =	vld.idx.msk [tilespmem:v35+s4+$0x0], $0xffff  }
0x473: {  	v10 =	vmul.f32 v10, v0;
	v11 =	vld.idx.msk [tilespmem:v38+s4+$0x0], $0xffff;
	[tilespmem:s29+$0x1BD40] =	vst v13  }
0x474: {  	[tilespmem:s29+$0x1B970] =	vst v4;
	v14 =	vmul.f32 v14, v0;
	v13 =	vld.idx.msk [tilespmem:v37+s4+$0x0], $0xffff  }
0x475: {  	[tilespmem:s29+$0x1BED0] =	vst v10;
	v9 =	vmul.f32 v9, v0;
	v48 =	vld [tilespmem:s29+$0x19EE0]  }
0x476: {  	[tilespmem:s29+$0x1BBD0] =	vst v14;
	v3 =	vld.idx.msk [tilespmem:v3+s4+$0x0], $0xffff;
	v12 =	vmul.f32 v12, v0  }
0x477: {  	[tilespmem:s29+$0x1BE60] =	vst v9;
	v14 =	vld.idx.msk [tilespmem:v42+s4+$0x0], $0xffff;
	v15 =	vmul.f32 v15, v0  }
0x478: {  	v53 =	vld [tilespmem:s29+$0x19D70];
	[tilespmem:s29+$0x1BCD0] =	vst v12;
	v11 =	vmul.f32 v11, v0  }
0x479: {  	v12 =	vld.idx.msk [tilespmem:v44+s4+$0x0], $0xffff;
	v13 =	vmul.f32 v13, v0;
	[tilespmem:s29+$0x1BC50] =	vst v15  }
0x47a: {  	v16 =	vmul.f32 v16, v0;
	[tilespmem:s29+$0x1BDD0] =	vst v11;
	v15 =	vld.idx.msk [tilespmem:v43+s4+$0x0], $0xffff  }
0x47b: {  	v3 =	vmul.f32 v3, v0;
	v11 =	vld.idx.msk [tilespmem:v46+s4+$0x0], $0xffff;
	[tilespmem:s29+$0x1BD50] =	vst v13  }
0x47c: {  	[tilespmem:s29+$0x1BB60] =	vst v16;
	v14 =	vmul.f32 v14, v0;
	v13 =	vld.idx.msk [tilespmem:v45+s4+$0x0], $0xffff  }
0x47d: {  	v1 =	vmul.f32 v1, v0;
	[tilespmem:s29+$0x1B9F0] =	vst v3;
	v10 =	vld.idx.msk [tilespmem:v48+s4+$0x0], $0xffff  }
0x47e: {  	v55 =	vld [tilespmem:s29+$0x19E70];
	[tilespmem:s29+$0x1BBE0] =	vst v14;
	v12 =	vmul.f32 v12, v0  }
0x47f: {  	[tilespmem:s29+$0x1BAF0] =	vst v1;
	v58 =	vld.idx.msk [tilespmem:v50+s4+$0x0], $0xffff;
	v15 =	vmul.f32 v15, v0  }
0x480: {  	v57 =	vld.idx.msk [tilespmem:v49+s4+$0x0], $0xffff;
	[tilespmem:s29+$0x1BCE0] =	vst v12;
	v11 =	vmul.f32 v11, v0  }
0x481: {  	v60 =	vld.idx.msk [tilespmem:v52+s4+$0x0], $0xffff;
	v13 =	vmul.f32 v13, v0;
	[tilespmem:s29+$0x1BC60] =	vst v15  }
0x482: {  	v10 =	vmul.f32 v10, v0;
	[tilespmem:s29+$0x1BDE0] =	vst v11;
	v59 =	vld.idx.msk [tilespmem:v51+s4+$0x0], $0xffff  }
0x483: {  	v2 =	vmul.f32 v2, v0;
	v61 =	vld.idx.msk [tilespmem:v54+s4+$0x0], $0xffff;
	[tilespmem:s29+$0x1BD60] =	vst v13  }
0x484: {  	[tilespmem:s29+$0x1BEE0] =	vst v10;
	v1 =	vmul.f32 v58, v0;
	v3 =	vld.idx.msk [tilespmem:v53+s4+$0x0], $0xffff  }
0x485: {  	[tilespmem:s29+$0x1BA70] =	vst v2;
	v2 =	vmul.f32 v57, v0;
	v63 =	vld.idx.msk [tilespmem:v56+s4+$0x0], $0xffff  }
0x486: {  	v62 =	vld.idx.msk [tilespmem:v55+s4+$0x0], $0xffff;
	[tilespmem:s29+$0x1BBF0] =	vst v1;
	v1 =	vmul.f32 v60, v0  }
0x487: {  	[tilespmem:s29+$0x1BB70] =	vst v2;
	v2 =	vmul.f32 v59, v0  }
0x488: {  	p3 =	por p2, p2;
	[tilespmem:s29+$0x1BCF0] =	vst v1;
	v1 =	vmul.f32 v61, v0  }
.Ltmp7:
0x489: {  	[tilespmem:s29+$0x1BC70] =	vst v2;
	v2 =	vmul.f32 v3, v0;
	(pc) =	sbr.rel @p3 .LBB2_12-.Ltmp7, $4  }
0x48a: {  	[tilespmem:s29+$0x1BDF0] =	vst v1;
	v1 =	vmul.f32 v63, v0  }
0x48b: {  	[tilespmem:s29+$0x1BD70] =	vst v2;
	v2 =	vmul.f32 v62, v0  }
0x48c: {  	[tilespmem:s29+$0x1BEF0] =	vst v1  }
0x48d: {  	p2 =	por $0x0, $0x0;
	[tilespmem:s29+$0x1BE70] =	vst v2;
	s29 =	simm.s32 $0x800  }
.Ltmp8:
0x48e: {  	s28 =	sshll.u32 s28, $0x12;
	(pc) =	sbr.rel @p1 .LBB2_15-.Ltmp8, $4  }
0x48f: {  	s28 =	sor.u32 s11, s28  }
0x490: {  	s28 =	sshrl.u32 s28, $0x3  }
0x491: {  	s28 =	sadd.s32 s2, s28  }
0x492: {  	[hbm4b:s28+s16] =	stream.strided.scatter [tilespmem:s23], [sflag:$0x3], $0x1000, s17, s16, $0x38;
	[tilespmem:$0x1F910] =	vst v63  }
.Ltmp9:
0x493: {  	(pc) =	sbr.rel .LBB2_9-.Ltmp9, $4  }
0x494: {  	_ = 	snop  }
0x495: {  	_ =	swait.ge [sflag:s20], $0x1000  }
0x496: {  	[sflag:s20] =	ssyncset.done $0x0  }
0x497: {  	s26 =	sadd.s32 $0x1, s26;
	[sflag:s20] =	ssyncadd.s32 $0xFFFFF000  }
.LBB2_16:
0x498: {  	_ =	sfence.sel $0x180000  }
0x499: {  	[bflag:$0x0] =	sbarrier.arrive $0xFFFF  }
0x49a: {  	p0 =	sne.s32 s1, $0x0;
	_ =	strace $0x90000047  }
0x49b: {  	s0 =	sadd.s32 @!p0 $0x100000, s0;
	[bflag:$0x2] =	sbarrier.arrive $0xFFFF  }
0x49c: {  	[sflag:s0] =	ssyncadd.tile.s32 @!p0 $0x1;
	_ =	shalt  }
.Lfunc_end2:
_tile_overlayer_lowered:
.L_overlay_start_2:
0x49d: {  	(tag) =	ssettag $0x2  }
0x49e: {  	s0 =	rddreg [dreg:$0x0];
	s2 =	stileid.u32  }
0x49f: {  	s1 =	rddreg [dreg:$0x1];
	p0 =	sne.s32 s2, $0x0  }
0x4a0: {  	s3 =	rddreg [dreg:$0x2];
	[bflag:$0x3] =	sbarrier.arrive $0xFFFF;
	s2 =	simm.s32 @!p0 $0x1C04  }
0x4a1: {  	[timem:s3], [sflag:s2] =	dma.local @!p0 [hbm:s0], s1  }
0x4a2: {  	s0 =	simm.s32 @!p0 $0x4  }
0x4a3: {  	_ =	swait.ge @!p0 [sflag:s0], s1  }
0x4a4: {  	s1 =	ssub.s32 @!p0 $0x0, s1;
	[sflag:s0] =	ssyncset.done @!p0 $0x0  }
0x4a5: {  	[sflag:s0] =	ssyncadd.s32 @!p0 s1  }
0x4a6: {  	[bflag:$0x3] =	sbarrier.arrive $0xFFFF  }
0x4a7: {  	_ =	shalt  }

</sc_bundles>
